<compile_context>
chip_gen: v7x
topology: tpu7x:2x2x1
jax: 0.10.2.dev20260603
libtpu: 0.0.44.dev20260713+nightly
codegen_flags: <defaults>
</compile_context>

<pallas_src>
import functools

import jax
import jax.numpy as jnp
from jax import lax
from jax.experimental import pallas as pl
from jax.experimental.pallas import tpu as pltpu
from jax.experimental.pallas import tpu_sc as plsc

B = 4
N = 10000
D = 128
E = 320000

NC = 2
NT = 16
EPT = E // NT
CH = 80
NCHUNK = EPT // CH
RPT = 640
N_PAD = NT * RPT
NV = D // 16

_mesh = plsc.VectorSubcoreMesh(
    core_axis_name="c", subcore_axis_name="s", num_cores=NC, num_subcores=NT
)


@functools.partial(
    pl.kernel,
    out_type=jax.ShapeDtypeStruct((B, N, D), jnp.float32),
    mesh=_mesh,
    scratch_types=[
        pltpu.VMEM((8, CH), jnp.int32),
        pltpu.VMEM((8, CH), jnp.int32),
        pltpu.VMEM((8, CH), jnp.float32),
        pltpu.VMEM((4 * CH, D), jnp.float32),
        pltpu.VMEM_SHARED((N_PAD, D), jnp.float32),
        pltpu.SemaphoreType.DMA,
        pltpu.SemaphoreType.DMA,
        pltpu.SemaphoreType.DMA,
    ],
)
def _aggregate(emb_hbm, col_hbm, row_hbm, val_hbm, out_hbm,
               colv, rowv, valv, rows, acc, sem_g, sem_i, sem_s):
    c = lax.axis_index("c")
    s = lax.axis_index("s")
    zvec = jnp.zeros((16,), jnp.float32)

    def zero_row(e, carry):
        for q in range(NV):
            rows[e, pl.ds(q * 16, 16)] = zvec
        return carry

    def idx_fetch(b, j, sync=False):
        slot = j & 7
        copy = pltpu.sync_copy if sync else (
            lambda src, dst: pltpu.async_copy(src, dst, sem_i))
        copy(col_hbm.at[b, s, j], colv.at[slot])
        copy(row_hbm.at[b, s, j], rowv.at[slot])
        copy(val_hbm.at[b, s, j], valv.at[slot])

    def idx_wait(b, j):
        pltpu.make_async_copy(
            col_hbm.at[b, s, pl.ds(0, 3)], colv.at[pl.ds(0, 3)],
            sem_i).wait()

    def buf(j):
        return rows.at[pl.ds((j & 3) * CH, CH)]

    def gather_start(j):
        pltpu.async_copy(emb_hbm.at[colv.at[j & 7]], buf(j), sem_g)

    def gather_wait(j):
        pltpu.make_async_copy(emb_hbm.at[colv.at[j & 7]], buf(j), sem_g).wait()

    def scatter_start(j):
        pltpu.async_copy(buf(j), acc.at[rowv.at[j & 7]], sem_s, add=True)

    def scatter_wait(j):
        pltpu.make_async_copy(buf(j), acc.at[rowv.at[j & 7]], sem_s).wait()

    def scale(j):
        slot = j & 7
        base = (j & 3) * CH

        def grp(g, gcarry):
            v16 = valv[slot, pl.ds(g * 16, 16)]
            e0 = base + g * 16
            for k in range(16):
                e = e0 + k
                vecs = [rows[e, pl.ds(q * 16, 16)] for q in range(NV)]
                v = v16[k]
                for q in range(NV):
                    rows[e, pl.ds(q * 16, 16)] = vecs[q] * v
            return gcarry

        lax.fori_loop(0, CH // 16, grp, 0)

    def per_graph(i, carry):
        b = c * (B // NC) + i

        lax.fori_loop(0, CH, zero_row, 0)
        for k in range(RPT // CH):
            pltpu.sync_copy(rows.at[pl.ds(0, CH)],
                            acc.at[pl.ds(s * RPT + k * CH, CH)])

        plsc.subcore_barrier()

        idx_fetch(b, 0, sync=True)
        idx_fetch(b, 1, sync=True)
        gather_start(0)
        gather_start(1)
        idx_fetch(b, 2)

        def chunk(j, ccarry):
            gather_wait(j)

            @pl.when(j >= 2)
            def _free_next_buf():
                scatter_wait(j - 2)

            @pl.when(j + 2 < NCHUNK)
            def _next_gather():
                idx_wait(b, j + 2)
                gather_start(j + 2)

            @pl.when(j + 3 < NCHUNK)
            def _prefetch_idx():
                idx_fetch(b, j + 3)

            scale(j)
            scatter_start(j)
            return ccarry

        lax.fori_loop(0, NCHUNK, chunk, 0)

        scatter_wait(NCHUNK - 2)
        scatter_wait(NCHUNK - 1)

        plsc.subcore_barrier()

        @pl.when(s < NT - 1)
        def _write_full():
            sl = pl.ds(s * RPT, RPT)
            pltpu.sync_copy(acc.at[sl], out_hbm.at[b, sl])

        @pl.when(s == NT - 1)
        def _write_tail():
            sl = pl.ds((NT - 1) * RPT, N - (NT - 1) * RPT)
            pltpu.sync_copy(acc.at[sl], out_hbm.at[b, sl])

        plsc.subcore_barrier()
        return carry

    lax.fori_loop(0, B // NC, per_graph, 0)


def kernel(last_embs, edge_index, edge_values):
    ei = edge_index.astype(jnp.int32)
    col = ei[:, 1, :] + (jnp.arange(B, dtype=jnp.int32) * N)[:, None]
    row = ei[:, 0, :]
    emb2 = last_embs.reshape(B * N, D)
    col4 = col.reshape(B, NT, NCHUNK, CH)
    row4 = row.reshape(B, NT, NCHUNK, CH)
    val4 = edge_values.reshape(B, NT, NCHUNK, CH)
    return _aggregate(emb2, col4, row4, val4)

# --- scband reference (transcript-rebuilt; emitter-appended) ---
"""Pipeline reference for scband-aggregators-87170656239792 (READ-ONLY COPY).

The authoritative reference and input builder live on the scoring server;
editing this copy changes nothing except your own understanding.
"""

import jax, jax.numpy as jnp
import numpy as np

B = 4
N = 10000
D = 128
E = 320000

def setup_inputs(seed: int = 0) -> dict:
    key = jax.random.key(seed)
    k1, k2, k3 = jax.random.split(key, 3)
    last_embs = jax.random.normal(k1, (B, N, D), dtype=jnp.float32)
    edge_index = jax.random.randint(k2, (B, 2, E), 0, N, dtype=jnp.int64)
    edge_values = jax.random.uniform(k3, (B, E), dtype=jnp.float32)
    return {"last_embs": last_embs, "edge_index": edge_index, "edge_values": edge_values}

def reference(last_embs, edge_index, edge_values):
    # Faithful translation of: torch.stack([torch.sparse.mm(neibors[i], last_embs[i]) for i in range(B)])
    # neibors[i] is a sparse [N, N] COO matrix with indices edge_index[i] = [row, col]
    # and values edge_values[i]. sparse.mm => out[row] += val * emb[col], i.e. a
    # gather (by col/src) + scatter-add (by row/dst) per graph in the batch.
    def one_graph(emb, ei, ev):
        row = ei[0]  # destination rows of the SpMM output
        col = ei[1]  # source columns gathered from emb
        msgs = jnp.take(emb, col, axis=0) * ev[:, None]
        return jax.ops.segment_sum(msgs, row, num_segments=N)
    embs = jax.vmap(one_graph)(last_embs, edge_index, edge_values)
    return embs

if __name__ == "__main__":
    import jax
    _d = setup_inputs()
    print(jax.jit(kernel)(*tuple(_d.values())))

</pallas_src>

<mosaic_0001>
#map = affine_map<(d0, d1) -> (0, 0)>
#map1 = affine_map<(d0, d1) -> (0, 0, 0, 0)>
#map2 = affine_map<(d0, d1) -> (0, 0, 0)>
module attributes {stable_mosaic.version = 14 : i64} {
  func.func @_aggregate(%arg0: i32, %arg1: i32, %arg2: memref<40000x128xf32, #tpu.memory_space<hbm>>, %arg3: memref<4x16x250x80xi32, #tpu.memory_space<hbm>>, %arg4: memref<4x16x250x80xi32, #tpu.memory_space<hbm>>, %arg5: memref<4x16x250x80xf32, #tpu.memory_space<hbm>>, %arg6: memref<4x10000x128xf32, #tpu.memory_space<hbm>>, %arg7: memref<8x80xi32, #tpu.memory_space<vmem>>, %arg8: memref<8x80xi32, #tpu.memory_space<vmem>>, %arg9: memref<8x80xf32, #tpu.memory_space<vmem>>, %arg10: memref<320x128xf32, #tpu.memory_space<vmem>>, %arg11: memref<10240x128xf32, #tpu.memory_space<vmem_shared>>, %arg12: memref<!tpu.dma_semaphore, #tpu.memory_space<semaphore_mem>>, %arg13: memref<!tpu.dma_semaphore, #tpu.memory_space<semaphore_mem>>, %arg14: memref<!tpu.dma_semaphore, #tpu.memory_space<semaphore_mem>>) attributes {dimension_semantics = [#tpu.dimension_semantics<core_parallel>, #tpu.dimension_semantics<subcore_parallel>], iteration_bounds = array<i64: 2, 16>, scalar_prefetch = 0 : i64, scratch_operands = 8 : i64, tpu.core_type = #tpu.core_type<sc_vector_subcore>, window_params = [{transform_indices = #map}, {transform_indices = #map1}, {transform_indices = #map1}, {transform_indices = #map1}, {transform_indices = #map2}]} {
    %broadcast_in_dim3A = arith.constant 0.000000e+00 : f32
    %broadcast_in_dim3A_0 = vector.broadcast %broadcast_in_dim3A : f32 to vector<16xf32>
    %scan3A = arith.constant 0 : i32
    %scan3A_1 = arith.constant 0 : i32
    %scan3A_2 = arith.constant 2 : i32
    %scan3A_3 = arith.addi %scan3A_1, %scan3A_2 : i32
    %scan3A_4 = arith.constant 1 : i32
    scf.for %scan3A_6 = %scan3A_1 to %scan3A_3 step %scan3A_4  : i32 {
      %mul3A = arith.constant 2 : i32
      %mul3A_7 = arith.muli %arg0, %mul3A : i32
      %add3A = arith.addi %mul3A_7, %scan3A_6 : i32
      %scan3A_8 = arith.constant 0 : i32
      %scan3A_9 = arith.constant 0 : i32
      %scan3A_10 = arith.constant 80 : i32
      %scan3A_11 = arith.addi %scan3A_9, %scan3A_10 : i32
      %scan3A_12 = arith.constant 1 : i32
      scf.for %scan3A_151 = %scan3A_9 to %scan3A_11 step %scan3A_12  : i32 {
        %swap3A = arith.index_cast %scan3A_151 : i32 to index
        %swap3A_152 = arith.constant 0 : index
        %swap3A_153 = tpu.vector_load %arg10[%swap3A, %swap3A_152] {strides = array<i32>} : memref<320x128xf32, #tpu.memory_space<vmem>>, vector<1x16xf32>,
        %swap3A_154 = vector.shape_cast %swap3A_153 : vector<1x16xf32> to vector<16xf32>
        %swap3A_155 = vector.shape_cast %broadcast_in_dim3A_0 : vector<16xf32> to vector<1x16xf32>
        tpu.vector_store %arg10[%swap3A, %swap3A_152], %swap3A_155 {strides = array<i32>} : memref<320x128xf32, #tpu.memory_space<vmem>>, vector<1x16xf32>,
        %swap3A_156 = arith.index_cast %scan3A_151 : i32 to index
        %swap3A_157 = arith.constant 16 : index
        %swap3A_158 = tpu.vector_load %arg10[%swap3A_156, %swap3A_157] {strides = array<i32>} : memref<320x128xf32, #tpu.memory_space<vmem>>, vector<1x16xf32>,
        %swap3A_159 = vector.shape_cast %swap3A_158 : vector<1x16xf32> to vector<16xf32>
        %swap3A_160 = vector.shape_cast %broadcast_in_dim3A_0 : vector<16xf32> to vector<1x16xf32>
        tpu.vector_store %arg10[%swap3A_156, %swap3A_157], %swap3A_160 {strides = array<i32>} : memref<320x128xf32, #tpu.memory_space<vmem>>, vector<1x16xf32>,
        %swap3A_161 = arith.index_cast %scan3A_151 : i32 to index
        %swap3A_162 = arith.constant 32 : index
        %swap3A_163 = tpu.vector_load %arg10[%swap3A_161, %swap3A_162] {strides = array<i32>} : memref<320x128xf32, #tpu.memory_space<vmem>>, vector<1x16xf32>,
        %swap3A_164 = vector.shape_cast %swap3A_163 : vector<1x16xf32> to vector<16xf32>
        %swap3A_165 = vector.shape_cast %broadcast_in_dim3A_0 : vector<16xf32> to vector<1x16xf32>
        tpu.vector_store %arg10[%swap3A_161, %swap3A_162], %swap3A_165 {strides = array<i32>} : memref<320x128xf32, #tpu.memory_space<vmem>>, vector<1x16xf32>,
        %swap3A_166 = arith.index_cast %scan3A_151 : i32 to index
        %swap3A_167 = arith.constant 48 : index
        %swap3A_168 = tpu.vector_load %arg10[%swap3A_166, %swap3A_167] {strides = array<i32>} : memref<320x128xf32, #tpu.memory_space<vmem>>, vector<1x16xf32>,
        %swap3A_169 = vector.shape_cast %swap3A_168 : vector<1x16xf32> to vector<16xf32>
        %swap3A_170 = vector.shape_cast %broadcast_in_dim3A_0 : vector<16xf32> to vector<1x16xf32>
        tpu.vector_store %arg10[%swap3A_166, %swap3A_167], %swap3A_170 {strides = array<i32>} : memref<320x128xf32, #tpu.memory_space<vmem>>, vector<1x16xf32>,
        %swap3A_171 = arith.index_cast %scan3A_151 : i32 to index
        %swap3A_172 = arith.constant 64 : index
        %swap3A_173 = tpu.vector_load %arg10[%swap3A_171, %swap3A_172] {strides = array<i32>} : memref<320x128xf32, #tpu.memory_space<vmem>>, vector<1x16xf32>,
        %swap3A_174 = vector.shape_cast %swap3A_173 : vector<1x16xf32> to vector<16xf32>
        %swap3A_175 = vector.shape_cast %broadcast_in_dim3A_0 : vector<16xf32> to vector<1x16xf32>
        tpu.vector_store %arg10[%swap3A_171, %swap3A_172], %swap3A_175 {strides = array<i32>} : memref<320x128xf32, #tpu.memory_space<vmem>>, vector<1x16xf32>,
        %swap3A_176 = arith.index_cast %scan3A_151 : i32 to index
        %swap3A_177 = arith.constant 80 : index
        %swap3A_178 = tpu.vector_load %arg10[%swap3A_176, %swap3A_177] {strides = array<i32>} : memref<320x128xf32, #tpu.memory_space<vmem>>, vector<1x16xf32>,
        %swap3A_179 = vector.shape_cast %swap3A_178 : vector<1x16xf32> to vector<16xf32>
        %swap3A_180 = vector.shape_cast %broadcast_in_dim3A_0 : vector<16xf32> to vector<1x16xf32>
        tpu.vector_store %arg10[%swap3A_176, %swap3A_177], %swap3A_180 {strides = array<i32>} : memref<320x128xf32, #tpu.memory_space<vmem>>, vector<1x16xf32>,
        %swap3A_181 = arith.index_cast %scan3A_151 : i32 to index
        %swap3A_182 = arith.constant 96 : index
        %swap3A_183 = tpu.vector_load %arg10[%swap3A_181, %swap3A_182] {strides = array<i32>} : memref<320x128xf32, #tpu.memory_space<vmem>>, vector<1x16xf32>,
        %swap3A_184 = vector.shape_cast %swap3A_183 : vector<1x16xf32> to vector<16xf32>
        %swap3A_185 = vector.shape_cast %broadcast_in_dim3A_0 : vector<16xf32> to vector<1x16xf32>
        tpu.vector_store %arg10[%swap3A_181, %swap3A_182], %swap3A_185 {strides = array<i32>} : memref<320x128xf32, #tpu.memory_space<vmem>>, vector<1x16xf32>,
        %swap3A_186 = arith.index_cast %scan3A_151 : i32 to index
        %swap3A_187 = arith.constant 112 : index
        %swap3A_188 = tpu.vector_load %arg10[%swap3A_186, %swap3A_187] {strides = array<i32>} : memref<320x128xf32, #tpu.memory_space<vmem>>, vector<1x16xf32>,
        %swap3A_189 = vector.shape_cast %swap3A_188 : vector<1x16xf32> to vector<16xf32>
        %swap3A_190 = vector.shape_cast %broadcast_in_dim3A_0 : vector<16xf32> to vector<1x16xf32>
        tpu.vector_store %arg10[%swap3A_186, %swap3A_187], %swap3A_190 {strides = array<i32>} : memref<320x128xf32, #tpu.memory_space<vmem>>, vector<1x16xf32>,
      }
      %scan3A_13 = arith.constant 80 : i32
      %mul3A_14 = arith.constant 640 : i32
      %mul3A_15 = arith.muli %arg1, %mul3A_14 : i32
      %add3A_16 = arith.constant 0 : i32
      %add3A_17 = arith.addi %mul3A_15, %add3A_16 : i32
      "tpu.region"() ({
        %run_scoped3A_151 = tpu.sem_alloc : memref<!tpu.dma_semaphore, #tpu.memory_space<semaphore_mem>>
        %dma_start3A_152 = arith.constant 0 : i32
        %dma_start3A_153 = arith.constant 0 : i32
        %dma_start3A_154 = tpu.memref_slice %arg10[%dma_start3A_152, %dma_start3A_153] : memref<320x128xf32, #tpu.memory_space<vmem>> -> memref<80x128xf32, #tpu.memory_space<vmem>>
        %dma_start3A_155 = arith.constant 0 : i32
        %dma_start3A_156 = tpu.memref_slice %arg11[%add3A_17, %dma_start3A_155] : memref<10240x128xf32, #tpu.memory_space<vmem_shared>> -> memref<80x128xf32, #tpu.memory_space<vmem_shared>>
        %dma_start3A_157 = arith.constant 0 : i32
        %dma_start3A_158 = tpu.memref_slice %arg11[%add3A_17, %dma_start3A_157] : memref<10240x128xf32, #tpu.memory_space<vmem_shared>> -> memref<80x128xf32, #tpu.memory_space<vmem_shared>>
        %dma_start3A_159 = arith.constant 0 : i32
        %dma_start3A_160 = arith.constant 0 : i32
        %dma_start3A_161 = tpu.memref_slice %arg10[%dma_start3A_159, %dma_start3A_160] : memref<320x128xf32, #tpu.memory_space<vmem>> -> memref<80x128xf32, #tpu.memory_space<vmem>>
        tpu.enqueue_dma source(%dma_start3A_161 : memref<80x128xf32, #tpu.memory_space<vmem>>) target(%dma_start3A_158 : memref<80x128xf32, #tpu.memory_space<vmem_shared>>) target_semaphore(%run_scoped3A_151 : memref<!tpu.dma_semaphore, #tpu.memory_space<semaphore_mem>>)
        %dma_wait3A_162 = arith.constant 0 : i32
        %dma_wait3A_163 = arith.constant 0 : i32
        %dma_wait3A_164 = tpu.memref_slice %arg10[%dma_wait3A_162, %dma_wait3A_163] : memref<320x128xf32, #tpu.memory_space<vmem>> -> memref<80x128xf32, #tpu.memory_space<vmem>>
        %dma_wait3A_165 = arith.constant 0 : i32
        %dma_wait3A_166 = tpu.memref_slice %arg11[%add3A_17, %dma_wait3A_165] : memref<10240x128xf32, #tpu.memory_space<vmem_shared>> -> memref<80x128xf32, #tpu.memory_space<vmem_shared>>
        %dma_wait3A_167 = arith.constant 0 : i32
        %dma_wait3A_168 = tpu.memref_slice %arg11[%add3A_17, %dma_wait3A_167] : memref<10240x128xf32, #tpu.memory_space<vmem_shared>> -> memref<80x128xf32, #tpu.memory_space<vmem_shared>>
        %dma_wait3A_169 = arith.constant 0 : i32
        %dma_wait3A_170 = arith.constant 0 : i32
        %dma_wait3A_171 = tpu.memref_slice %arg10[%dma_wait3A_169, %dma_wait3A_170] : memref<320x128xf32, #tpu.memory_space<vmem>> -> memref<80x128xf32, #tpu.memory_space<vmem>>
        tpu.wait_dma2 semaphore(%run_scoped3A_151 : memref<!tpu.dma_semaphore, #tpu.memory_space<semaphore_mem>>) src(%dma_wait3A_171 : memref<80x128xf32, #tpu.memory_space<vmem>>) dst(%dma_wait3A_168 : memref<80x128xf32, #tpu.memory_space<vmem_shared>>)
        tpu.yield
      }) : () -> ()
      %mul3A_18 = arith.constant 640 : i32
      %mul3A_19 = arith.muli %arg1, %mul3A_18 : i32
      %add3A_20 = arith.constant 80 : i32
      %add3A_21 = arith.addi %mul3A_19, %add3A_20 : i32
      "tpu.region"() ({
        %run_scoped3A_151 = tpu.sem_alloc : memref<!tpu.dma_semaphore, #tpu.memory_space<semaphore_mem>>
        %dma_start3A_152 = arith.constant 0 : i32
        %dma_start3A_153 = arith.constant 0 : i32
        %dma_start3A_154 = tpu.memref_slice %arg10[%dma_start3A_152, %dma_start3A_153] : memref<320x128xf32, #tpu.memory_space<vmem>> -> memref<80x128xf32, #tpu.memory_space<vmem>>
        %dma_start3A_155 = arith.constant 0 : i32
        %dma_start3A_156 = tpu.memref_slice %arg11[%add3A_21, %dma_start3A_155] : memref<10240x128xf32, #tpu.memory_space<vmem_shared>> -> memref<80x128xf32, #tpu.memory_space<vmem_shared>>
        %dma_start3A_157 = arith.constant 0 : i32
        %dma_start3A_158 = tpu.memref_slice %arg11[%add3A_21, %dma_start3A_157] : memref<10240x128xf32, #tpu.memory_space<vmem_shared>> -> memref<80x128xf32, #tpu.memory_space<vmem_shared>>
        %dma_start3A_159 = arith.constant 0 : i32
        %dma_start3A_160 = arith.constant 0 : i32
        %dma_start3A_161 = tpu.memref_slice %arg10[%dma_start3A_159, %dma_start3A_160] : memref<320x128xf32, #tpu.memory_space<vmem>> -> memref<80x128xf32, #tpu.memory_space<vmem>>
        tpu.enqueue_dma source(%dma_start3A_161 : memref<80x128xf32, #tpu.memory_space<vmem>>) target(%dma_start3A_158 : memref<80x128xf32, #tpu.memory_space<vmem_shared>>) target_semaphore(%run_scoped3A_151 : memref<!tpu.dma_semaphore, #tpu.memory_space<semaphore_mem>>)
        %dma_wait3A_162 = arith.constant 0 : i32
        %dma_wait3A_163 = arith.constant 0 : i32
        %dma_wait3A_164 = tpu.memref_slice %arg10[%dma_wait3A_162, %dma_wait3A_163] : memref<320x128xf32, #tpu.memory_space<vmem>> -> memref<80x128xf32, #tpu.memory_space<vmem>>
        %dma_wait3A_165 = arith.constant 0 : i32
        %dma_wait3A_166 = tpu.memref_slice %arg11[%add3A_21, %dma_wait3A_165] : memref<10240x128xf32, #tpu.memory_space<vmem_shared>> -> memref<80x128xf32, #tpu.memory_space<vmem_shared>>
        %dma_wait3A_167 = arith.constant 0 : i32
        %dma_wait3A_168 = tpu.memref_slice %arg11[%add3A_21, %dma_wait3A_167] : memref<10240x128xf32, #tpu.memory_space<vmem_shared>> -> memref<80x128xf32, #tpu.memory_space<vmem_shared>>
        %dma_wait3A_169 = arith.constant 0 : i32
        %dma_wait3A_170 = arith.constant 0 : i32
        %dma_wait3A_171 = tpu.memref_slice %arg10[%dma_wait3A_169, %dma_wait3A_170] : memref<320x128xf32, #tpu.memory_space<vmem>> -> memref<80x128xf32, #tpu.memory_space<vmem>>
        tpu.wait_dma2 semaphore(%run_scoped3A_151 : memref<!tpu.dma_semaphore, #tpu.memory_space<semaphore_mem>>) src(%dma_wait3A_171 : memref<80x128xf32, #tpu.memory_space<vmem>>) dst(%dma_wait3A_168 : memref<80x128xf32, #tpu.memory_space<vmem_shared>>)
        tpu.yield
      }) : () -> ()
      %mul3A_22 = arith.constant 640 : i32
      %mul3A_23 = arith.muli %arg1, %mul3A_22 : i32
      %add3A_24 = arith.constant 160 : i32
      %add3A_25 = arith.addi %mul3A_23, %add3A_24 : i32
      "tpu.region"() ({
        %run_scoped3A_151 = tpu.sem_alloc : memref<!tpu.dma_semaphore, #tpu.memory_space<semaphore_mem>>
        %dma_start3A_152 = arith.constant 0 : i32
        %dma_start3A_153 = arith.constant 0 : i32
        %dma_start3A_154 = tpu.memref_slice %arg10[%dma_start3A_152, %dma_start3A_153] : memref<320x128xf32, #tpu.memory_space<vmem>> -> memref<80x128xf32, #tpu.memory_space<vmem>>
        %dma_start3A_155 = arith.constant 0 : i32
        %dma_start3A_156 = tpu.memref_slice %arg11[%add3A_25, %dma_start3A_155] : memref<10240x128xf32, #tpu.memory_space<vmem_shared>> -> memref<80x128xf32, #tpu.memory_space<vmem_shared>>
        %dma_start3A_157 = arith.constant 0 : i32
        %dma_start3A_158 = tpu.memref_slice %arg11[%add3A_25, %dma_start3A_157] : memref<10240x128xf32, #tpu.memory_space<vmem_shared>> -> memref<80x128xf32, #tpu.memory_space<vmem_shared>>
        %dma_start3A_159 = arith.constant 0 : i32
        %dma_start3A_160 = arith.constant 0 : i32
        %dma_start3A_161 = tpu.memref_slice %arg10[%dma_start3A_159, %dma_start3A_160] : memref<320x128xf32, #tpu.memory_space<vmem>> -> memref<80x128xf32, #tpu.memory_space<vmem>>
        tpu.enqueue_dma source(%dma_start3A_161 : memref<80x128xf32, #tpu.memory_space<vmem>>) target(%dma_start3A_158 : memref<80x128xf32, #tpu.memory_space<vmem_shared>>) target_semaphore(%run_scoped3A_151 : memref<!tpu.dma_semaphore, #tpu.memory_space<semaphore_mem>>)
        %dma_wait3A_162 = arith.constant 0 : i32
        %dma_wait3A_163 = arith.constant 0 : i32
        %dma_wait3A_164 = tpu.memref_slice %arg10[%dma_wait3A_162, %dma_wait3A_163] : memref<320x128xf32, #tpu.memory_space<vmem>> -> memref<80x128xf32, #tpu.memory_space<vmem>>
        %dma_wait3A_165 = arith.constant 0 : i32
        %dma_wait3A_166 = tpu.memref_slice %arg11[%add3A_25, %dma_wait3A_165] : memref<10240x128xf32, #tpu.memory_space<vmem_shared>> -> memref<80x128xf32, #tpu.memory_space<vmem_shared>>
        %dma_wait3A_167 = arith.constant 0 : i32
        %dma_wait3A_168 = tpu.memref_slice %arg11[%add3A_25, %dma_wait3A_167] : memref<10240x128xf32, #tpu.memory_space<vmem_shared>> -> memref<80x128xf32, #tpu.memory_space<vmem_shared>>
        %dma_wait3A_169 = arith.constant 0 : i32
        %dma_wait3A_170 = arith.constant 0 : i32
        %dma_wait3A_171 = tpu.memref_slice %arg10[%dma_wait3A_169, %dma_wait3A_170] : memref<320x128xf32, #tpu.memory_space<vmem>> -> memref<80x128xf32, #tpu.memory_space<vmem>>
        tpu.wait_dma2 semaphore(%run_scoped3A_151 : memref<!tpu.dma_semaphore, #tpu.memory_space<semaphore_mem>>) src(%dma_wait3A_171 : memref<80x128xf32, #tpu.memory_space<vmem>>) dst(%dma_wait3A_168 : memref<80x128xf32, #tpu.memory_space<vmem_shared>>)
        tpu.yield
      }) : () -> ()
      %mul3A_26 = arith.constant 640 : i32
      %mul3A_27 = arith.muli %arg1, %mul3A_26 : i32
      %add3A_28 = arith.constant 240 : i32
      %add3A_29 = arith.addi %mul3A_27, %add3A_28 : i32
      "tpu.region"() ({
        %run_scoped3A_151 = tpu.sem_alloc : memref<!tpu.dma_semaphore, #tpu.memory_space<semaphore_mem>>
        %dma_start3A_152 = arith.constant 0 : i32
        %dma_start3A_153 = arith.constant 0 : i32
        %dma_start3A_154 = tpu.memref_slice %arg10[%dma_start3A_152, %dma_start3A_153] : memref<320x128xf32, #tpu.memory_space<vmem>> -> memref<80x128xf32, #tpu.memory_space<vmem>>
        %dma_start3A_155 = arith.constant 0 : i32
        %dma_start3A_156 = tpu.memref_slice %arg11[%add3A_29, %dma_start3A_155] : memref<10240x128xf32, #tpu.memory_space<vmem_shared>> -> memref<80x128xf32, #tpu.memory_space<vmem_shared>>
        %dma_start3A_157 = arith.constant 0 : i32
        %dma_start3A_158 = tpu.memref_slice %arg11[%add3A_29, %dma_start3A_157] : memref<10240x128xf32, #tpu.memory_space<vmem_shared>> -> memref<80x128xf32, #tpu.memory_space<vmem_shared>>
        %dma_start3A_159 = arith.constant 0 : i32
        %dma_start3A_160 = arith.constant 0 : i32
        %dma_start3A_161 = tpu.memref_slice %arg10[%dma_start3A_159, %dma_start3A_160] : memref<320x128xf32, #tpu.memory_space<vmem>> -> memref<80x128xf32, #tpu.memory_space<vmem>>
        tpu.enqueue_dma source(%dma_start3A_161 : memref<80x128xf32, #tpu.memory_space<vmem>>) target(%dma_start3A_158 : memref<80x128xf32, #tpu.memory_space<vmem_shared>>) target_semaphore(%run_scoped3A_151 : memref<!tpu.dma_semaphore, #tpu.memory_space<semaphore_mem>>)
        %dma_wait3A_162 = arith.constant 0 : i32
        %dma_wait3A_163 = arith.constant 0 : i32
        %dma_wait3A_164 = tpu.memref_slice %arg10[%dma_wait3A_162, %dma_wait3A_163] : memref<320x128xf32, #tpu.memory_space<vmem>> -> memref<80x128xf32, #tpu.memory_space<vmem>>
        %dma_wait3A_165 = arith.constant 0 : i32
        %dma_wait3A_166 = tpu.memref_slice %arg11[%add3A_29, %dma_wait3A_165] : memref<10240x128xf32, #tpu.memory_space<vmem_shared>> -> memref<80x128xf32, #tpu.memory_space<vmem_shared>>
        %dma_wait3A_167 = arith.constant 0 : i32
        %dma_wait3A_168 = tpu.memref_slice %arg11[%add3A_29, %dma_wait3A_167] : memref<10240x128xf32, #tpu.memory_space<vmem_shared>> -> memref<80x128xf32, #tpu.memory_space<vmem_shared>>
        %dma_wait3A_169 = arith.constant 0 : i32
        %dma_wait3A_170 = arith.constant 0 : i32
        %dma_wait3A_171 = tpu.memref_slice %arg10[%dma_wait3A_169, %dma_wait3A_170] : memref<320x128xf32, #tpu.memory_space<vmem>> -> memref<80x128xf32, #tpu.memory_space<vmem>>
        tpu.wait_dma2 semaphore(%run_scoped3A_151 : memref<!tpu.dma_semaphore, #tpu.memory_space<semaphore_mem>>) src(%dma_wait3A_171 : memref<80x128xf32, #tpu.memory_space<vmem>>) dst(%dma_wait3A_168 : memref<80x128xf32, #tpu.memory_space<vmem_shared>>)
        tpu.yield
      }) : () -> ()
      %mul3A_30 = arith.constant 640 : i32
      %mul3A_31 = arith.muli %arg1, %mul3A_30 : i32
      %add3A_32 = arith.constant 320 : i32
      %add3A_33 = arith.addi %mul3A_31, %add3A_32 : i32
      "tpu.region"() ({
        %run_scoped3A_151 = tpu.sem_alloc : memref<!tpu.dma_semaphore, #tpu.memory_space<semaphore_mem>>
        %dma_start3A_152 = arith.constant 0 : i32
        %dma_start3A_153 = arith.constant 0 : i32
        %dma_start3A_154 = tpu.memref_slice %arg10[%dma_start3A_152, %dma_start3A_153] : memref<320x128xf32, #tpu.memory_space<vmem>> -> memref<80x128xf32, #tpu.memory_space<vmem>>
        %dma_start3A_155 = arith.constant 0 : i32
        %dma_start3A_156 = tpu.memref_slice %arg11[%add3A_33, %dma_start3A_155] : memref<10240x128xf32, #tpu.memory_space<vmem_shared>> -> memref<80x128xf32, #tpu.memory_space<vmem_shared>>
        %dma_start3A_157 = arith.constant 0 : i32
        %dma_start3A_158 = tpu.memref_slice %arg11[%add3A_33, %dma_start3A_157] : memref<10240x128xf32, #tpu.memory_space<vmem_shared>> -> memref<80x128xf32, #tpu.memory_space<vmem_shared>>
        %dma_start3A_159 = arith.constant 0 : i32
        %dma_start3A_160 = arith.constant 0 : i32
        %dma_start3A_161 = tpu.memref_slice %arg10[%dma_start3A_159, %dma_start3A_160] : memref<320x128xf32, #tpu.memory_space<vmem>> -> memref<80x128xf32, #tpu.memory_space<vmem>>
        tpu.enqueue_dma source(%dma_start3A_161 : memref<80x128xf32, #tpu.memory_space<vmem>>) target(%dma_start3A_158 : memref<80x128xf32, #tpu.memory_space<vmem_shared>>) target_semaphore(%run_scoped3A_151 : memref<!tpu.dma_semaphore, #tpu.memory_space<semaphore_mem>>)
        %dma_wait3A_162 = arith.constant 0 : i32
        %dma_wait3A_163 = arith.constant 0 : i32
        %dma_wait3A_164 = tpu.memref_slice %arg10[%dma_wait3A_162, %dma_wait3A_163] : memref<320x128xf32, #tpu.memory_space<vmem>> -> memref<80x128xf32, #tpu.memory_space<vmem>>
        %dma_wait3A_165 = arith.constant 0 : i32
        %dma_wait3A_166 = tpu.memref_slice %arg11[%add3A_33, %dma_wait3A_165] : memref<10240x128xf32, #tpu.memory_space<vmem_shared>> -> memref<80x128xf32, #tpu.memory_space<vmem_shared>>
        %dma_wait3A_167 = arith.constant 0 : i32
        %dma_wait3A_168 = tpu.memref_slice %arg11[%add3A_33, %dma_wait3A_167] : memref<10240x128xf32, #tpu.memory_space<vmem_shared>> -> memref<80x128xf32, #tpu.memory_space<vmem_shared>>
        %dma_wait3A_169 = arith.constant 0 : i32
        %dma_wait3A_170 = arith.constant 0 : i32
        %dma_wait3A_171 = tpu.memref_slice %arg10[%dma_wait3A_169, %dma_wait3A_170] : memref<320x128xf32, #tpu.memory_space<vmem>> -> memref<80x128xf32, #tpu.memory_space<vmem>>
        tpu.wait_dma2 semaphore(%run_scoped3A_151 : memref<!tpu.dma_semaphore, #tpu.memory_space<semaphore_mem>>) src(%dma_wait3A_171 : memref<80x128xf32, #tpu.memory_space<vmem>>) dst(%dma_wait3A_168 : memref<80x128xf32, #tpu.memory_space<vmem_shared>>)
        tpu.yield
      }) : () -> ()
      %mul3A_34 = arith.constant 640 : i32
      %mul3A_35 = arith.muli %arg1, %mul3A_34 : i32
      %add3A_36 = arith.constant 400 : i32
      %add3A_37 = arith.addi %mul3A_35, %add3A_36 : i32
      "tpu.region"() ({
        %run_scoped3A_151 = tpu.sem_alloc : memref<!tpu.dma_semaphore, #tpu.memory_space<semaphore_mem>>
        %dma_start3A_152 = arith.constant 0 : i32
        %dma_start3A_153 = arith.constant 0 : i32
        %dma_start3A_154 = tpu.memref_slice %arg10[%dma_start3A_152, %dma_start3A_153] : memref<320x128xf32, #tpu.memory_space<vmem>> -> memref<80x128xf32, #tpu.memory_space<vmem>>
        %dma_start3A_155 = arith.constant 0 : i32
        %dma_start3A_156 = tpu.memref_slice %arg11[%add3A_37, %dma_start3A_155] : memref<10240x128xf32, #tpu.memory_space<vmem_shared>> -> memref<80x128xf32, #tpu.memory_space<vmem_shared>>
        %dma_start3A_157 = arith.constant 0 : i32
        %dma_start3A_158 = tpu.memref_slice %arg11[%add3A_37, %dma_start3A_157] : memref<10240x128xf32, #tpu.memory_space<vmem_shared>> -> memref<80x128xf32, #tpu.memory_space<vmem_shared>>
        %dma_start3A_159 = arith.constant 0 : i32
        %dma_start3A_160 = arith.constant 0 : i32
        %dma_start3A_161 = tpu.memref_slice %arg10[%dma_start3A_159, %dma_start3A_160] : memref<320x128xf32, #tpu.memory_space<vmem>> -> memref<80x128xf32, #tpu.memory_space<vmem>>
        tpu.enqueue_dma source(%dma_start3A_161 : memref<80x128xf32, #tpu.memory_space<vmem>>) target(%dma_start3A_158 : memref<80x128xf32, #tpu.memory_space<vmem_shared>>) target_semaphore(%run_scoped3A_151 : memref<!tpu.dma_semaphore, #tpu.memory_space<semaphore_mem>>)
        %dma_wait3A_162 = arith.constant 0 : i32
        %dma_wait3A_163 = arith.constant 0 : i32
        %dma_wait3A_164 = tpu.memref_slice %arg10[%dma_wait3A_162, %dma_wait3A_163] : memref<320x128xf32, #tpu.memory_space<vmem>> -> memref<80x128xf32, #tpu.memory_space<vmem>>
        %dma_wait3A_165 = arith.constant 0 : i32
        %dma_wait3A_166 = tpu.memref_slice %arg11[%add3A_37, %dma_wait3A_165] : memref<10240x128xf32, #tpu.memory_space<vmem_shared>> -> memref<80x128xf32, #tpu.memory_space<vmem_shared>>
        %dma_wait3A_167 = arith.constant 0 : i32
        %dma_wait3A_168 = tpu.memref_slice %arg11[%add3A_37, %dma_wait3A_167] : memref<10240x128xf32, #tpu.memory_space<vmem_shared>> -> memref<80x128xf32, #tpu.memory_space<vmem_shared>>
        %dma_wait3A_169 = arith.constant 0 : i32
        %dma_wait3A_170 = arith.constant 0 : i32
        %dma_wait3A_171 = tpu.memref_slice %arg10[%dma_wait3A_169, %dma_wait3A_170] : memref<320x128xf32, #tpu.memory_space<vmem>> -> memref<80x128xf32, #tpu.memory_space<vmem>>
        tpu.wait_dma2 semaphore(%run_scoped3A_151 : memref<!tpu.dma_semaphore, #tpu.memory_space<semaphore_mem>>) src(%dma_wait3A_171 : memref<80x128xf32, #tpu.memory_space<vmem>>) dst(%dma_wait3A_168 : memref<80x128xf32, #tpu.memory_space<vmem_shared>>)
        tpu.yield
      }) : () -> ()
      %mul3A_38 = arith.constant 640 : i32
      %mul3A_39 = arith.muli %arg1, %mul3A_38 : i32
      %add3A_40 = arith.constant 480 : i32
      %add3A_41 = arith.addi %mul3A_39, %add3A_40 : i32
      "tpu.region"() ({
        %run_scoped3A_151 = tpu.sem_alloc : memref<!tpu.dma_semaphore, #tpu.memory_space<semaphore_mem>>
        %dma_start3A_152 = arith.constant 0 : i32
        %dma_start3A_153 = arith.constant 0 : i32
        %dma_start3A_154 = tpu.memref_slice %arg10[%dma_start3A_152, %dma_start3A_153] : memref<320x128xf32, #tpu.memory_space<vmem>> -> memref<80x128xf32, #tpu.memory_space<vmem>>
        %dma_start3A_155 = arith.constant 0 : i32
        %dma_start3A_156 = tpu.memref_slice %arg11[%add3A_41, %dma_start3A_155] : memref<10240x128xf32, #tpu.memory_space<vmem_shared>> -> memref<80x128xf32, #tpu.memory_space<vmem_shared>>
        %dma_start3A_157 = arith.constant 0 : i32
        %dma_start3A_158 = tpu.memref_slice %arg11[%add3A_41, %dma_start3A_157] : memref<10240x128xf32, #tpu.memory_space<vmem_shared>> -> memref<80x128xf32, #tpu.memory_space<vmem_shared>>
        %dma_start3A_159 = arith.constant 0 : i32
        %dma_start3A_160 = arith.constant 0 : i32
        %dma_start3A_161 = tpu.memref_slice %arg10[%dma_start3A_159, %dma_start3A_160] : memref<320x128xf32, #tpu.memory_space<vmem>> -> memref<80x128xf32, #tpu.memory_space<vmem>>
        tpu.enqueue_dma source(%dma_start3A_161 : memref<80x128xf32, #tpu.memory_space<vmem>>) target(%dma_start3A_158 : memref<80x128xf32, #tpu.memory_space<vmem_shared>>) target_semaphore(%run_scoped3A_151 : memref<!tpu.dma_semaphore, #tpu.memory_space<semaphore_mem>>)
        %dma_wait3A_162 = arith.constant 0 : i32
        %dma_wait3A_163 = arith.constant 0 : i32
        %dma_wait3A_164 = tpu.memref_slice %arg10[%dma_wait3A_162, %dma_wait3A_163] : memref<320x128xf32, #tpu.memory_space<vmem>> -> memref<80x128xf32, #tpu.memory_space<vmem>>
        %dma_wait3A_165 = arith.constant 0 : i32
        %dma_wait3A_166 = tpu.memref_slice %arg11[%add3A_41, %dma_wait3A_165] : memref<10240x128xf32, #tpu.memory_space<vmem_shared>> -> memref<80x128xf32, #tpu.memory_space<vmem_shared>>
        %dma_wait3A_167 = arith.constant 0 : i32
        %dma_wait3A_168 = tpu.memref_slice %arg11[%add3A_41, %dma_wait3A_167] : memref<10240x128xf32, #tpu.memory_space<vmem_shared>> -> memref<80x128xf32, #tpu.memory_space<vmem_shared>>
        %dma_wait3A_169 = arith.constant 0 : i32
        %dma_wait3A_170 = arith.constant 0 : i32
        %dma_wait3A_171 = tpu.memref_slice %arg10[%dma_wait3A_169, %dma_wait3A_170] : memref<320x128xf32, #tpu.memory_space<vmem>> -> memref<80x128xf32, #tpu.memory_space<vmem>>
        tpu.wait_dma2 semaphore(%run_scoped3A_151 : memref<!tpu.dma_semaphore, #tpu.memory_space<semaphore_mem>>) src(%dma_wait3A_171 : memref<80x128xf32, #tpu.memory_space<vmem>>) dst(%dma_wait3A_168 : memref<80x128xf32, #tpu.memory_space<vmem_shared>>)
        tpu.yield
      }) : () -> ()
      %mul3A_42 = arith.constant 640 : i32
      %mul3A_43 = arith.muli %arg1, %mul3A_42 : i32
      %add3A_44 = arith.constant 560 : i32
      %add3A_45 = arith.addi %mul3A_43, %add3A_44 : i32
      "tpu.region"() ({
        %run_scoped3A_151 = tpu.sem_alloc : memref<!tpu.dma_semaphore, #tpu.memory_space<semaphore_mem>>
        %dma_start3A_152 = arith.constant 0 : i32
        %dma_start3A_153 = arith.constant 0 : i32
        %dma_start3A_154 = tpu.memref_slice %arg10[%dma_start3A_152, %dma_start3A_153] : memref<320x128xf32, #tpu.memory_space<vmem>> -> memref<80x128xf32, #tpu.memory_space<vmem>>
        %dma_start3A_155 = arith.constant 0 : i32
        %dma_start3A_156 = tpu.memref_slice %arg11[%add3A_45, %dma_start3A_155] : memref<10240x128xf32, #tpu.memory_space<vmem_shared>> -> memref<80x128xf32, #tpu.memory_space<vmem_shared>>
        %dma_start3A_157 = arith.constant 0 : i32
        %dma_start3A_158 = tpu.memref_slice %arg11[%add3A_45, %dma_start3A_157] : memref<10240x128xf32, #tpu.memory_space<vmem_shared>> -> memref<80x128xf32, #tpu.memory_space<vmem_shared>>
        %dma_start3A_159 = arith.constant 0 : i32
        %dma_start3A_160 = arith.constant 0 : i32
        %dma_start3A_161 = tpu.memref_slice %arg10[%dma_start3A_159, %dma_start3A_160] : memref<320x128xf32, #tpu.memory_space<vmem>> -> memref<80x128xf32, #tpu.memory_space<vmem>>
        tpu.enqueue_dma source(%dma_start3A_161 : memref<80x128xf32, #tpu.memory_space<vmem>>) target(%dma_start3A_158 : memref<80x128xf32, #tpu.memory_space<vmem_shared>>) target_semaphore(%run_scoped3A_151 : memref<!tpu.dma_semaphore, #tpu.memory_space<semaphore_mem>>)
        %dma_wait3A_162 = arith.constant 0 : i32
        %dma_wait3A_163 = arith.constant 0 : i32
        %dma_wait3A_164 = tpu.memref_slice %arg10[%dma_wait3A_162, %dma_wait3A_163] : memref<320x128xf32, #tpu.memory_space<vmem>> -> memref<80x128xf32, #tpu.memory_space<vmem>>
        %dma_wait3A_165 = arith.constant 0 : i32
        %dma_wait3A_166 = tpu.memref_slice %arg11[%add3A_45, %dma_wait3A_165] : memref<10240x128xf32, #tpu.memory_space<vmem_shared>> -> memref<80x128xf32, #tpu.memory_space<vmem_shared>>
        %dma_wait3A_167 = arith.constant 0 : i32
        %dma_wait3A_168 = tpu.memref_slice %arg11[%add3A_45, %dma_wait3A_167] : memref<10240x128xf32, #tpu.memory_space<vmem_shared>> -> memref<80x128xf32, #tpu.memory_space<vmem_shared>>
        %dma_wait3A_169 = arith.constant 0 : i32
        %dma_wait3A_170 = arith.constant 0 : i32
        %dma_wait3A_171 = tpu.memref_slice %arg10[%dma_wait3A_169, %dma_wait3A_170] : memref<320x128xf32, #tpu.memory_space<vmem>> -> memref<80x128xf32, #tpu.memory_space<vmem>>
        tpu.wait_dma2 semaphore(%run_scoped3A_151 : memref<!tpu.dma_semaphore, #tpu.memory_space<semaphore_mem>>) src(%dma_wait3A_171 : memref<80x128xf32, #tpu.memory_space<vmem>>) dst(%dma_wait3A_168 : memref<80x128xf32, #tpu.memory_space<vmem_shared>>)
        tpu.yield
      }) : () -> ()
      %barrier3A = arith.constant 0 : index
      tpu.barrier barrier_id(%barrier3A)
      %run_scoped3A = arith.constant 0 : i32
      %run_scoped3A_46 = arith.constant 0 : i32
      "tpu.region"() ({
        %run_scoped3A_151 = tpu.sem_alloc : memref<!tpu.dma_semaphore, #tpu.memory_space<semaphore_mem>>
        %dma_start3A_152 = arith.constant 0 : i32
        %dma_start3A_153 = tpu.memref_slice %arg7[%run_scoped3A_46, %dma_start3A_152] : memref<8x80xi32, #tpu.memory_space<vmem>> -> memref<1x80xi32, #tpu.memory_space<vmem>>
        %dma_start3A_154 = tpu.memref_squeeze %dma_start3A_153 : memref<1x80xi32, #tpu.memory_space<vmem>> -> memref<80xi32, #tpu.memory_space<vmem>>
        %dma_start3A_155 = arith.constant 0 : i32
        %dma_start3A_156 = tpu.memref_slice %arg3[%add3A, %arg1, %run_scoped3A, %dma_start3A_155] : memref<4x16x250x80xi32, #tpu.memory_space<hbm>> -> memref<1x1x1x80xi32, #tpu.memory_space<hbm>>
        %dma_start3A_157 = tpu.memref_squeeze %dma_start3A_156 : memref<1x1x1x80xi32, #tpu.memory_space<hbm>> -> memref<80xi32, #tpu.memory_space<hbm>>
        %dma_start3A_158 = arith.constant 0 : i32
        %dma_start3A_159 = tpu.memref_slice %arg7[%run_scoped3A_46, %dma_start3A_158] : memref<8x80xi32, #tpu.memory_space<vmem>> -> memref<1x80xi32, #tpu.memory_space<vmem>>
        %dma_start3A_160 = tpu.memref_squeeze %dma_start3A_159 : memref<1x80xi32, #tpu.memory_space<vmem>> -> memref<80xi32, #tpu.memory_space<vmem>>
        %dma_start3A_161 = arith.constant 0 : i32
        %dma_start3A_162 = tpu.memref_slice %arg3[%add3A, %arg1, %run_scoped3A, %dma_start3A_161] : memref<4x16x250x80xi32, #tpu.memory_space<hbm>> -> memref<1x1x1x80xi32, #tpu.memory_space<hbm>>
        %dma_start3A_163 = tpu.memref_squeeze %dma_start3A_162 : memref<1x1x1x80xi32, #tpu.memory_space<hbm>> -> memref<80xi32, #tpu.memory_space<hbm>>
        tpu.enqueue_dma source(%dma_start3A_163 : memref<80xi32, #tpu.memory_space<hbm>>) target(%dma_start3A_160 : memref<80xi32, #tpu.memory_space<vmem>>) target_semaphore(%run_scoped3A_151 : memref<!tpu.dma_semaphore, #tpu.memory_space<semaphore_mem>>)
        %dma_wait3A_164 = arith.constant 0 : i32
        %dma_wait3A_165 = tpu.memref_slice %arg7[%run_scoped3A_46, %dma_wait3A_164] : memref<8x80xi32, #tpu.memory_space<vmem>> -> memref<1x80xi32, #tpu.memory_space<vmem>>
        %dma_wait3A_166 = tpu.memref_squeeze %dma_wait3A_165 : memref<1x80xi32, #tpu.memory_space<vmem>> -> memref<80xi32, #tpu.memory_space<vmem>>
        %dma_wait3A_167 = arith.constant 0 : i32
        %dma_wait3A_168 = tpu.memref_slice %arg3[%add3A, %arg1, %run_scoped3A, %dma_wait3A_167] : memref<4x16x250x80xi32, #tpu.memory_space<hbm>> -> memref<1x1x1x80xi32, #tpu.memory_space<hbm>>
        %dma_wait3A_169 = tpu.memref_squeeze %dma_wait3A_168 : memref<1x1x1x80xi32, #tpu.memory_space<hbm>> -> memref<80xi32, #tpu.memory_space<hbm>>
        %dma_wait3A_170 = arith.constant 0 : i32
        %dma_wait3A_171 = tpu.memref_slice %arg7[%run_scoped3A_46, %dma_wait3A_170] : memref<8x80xi32, #tpu.memory_space<vmem>> -> memref<1x80xi32, #tpu.memory_space<vmem>>
        %dma_wait3A_172 = tpu.memref_squeeze %dma_wait3A_171 : memref<1x80xi32, #tpu.memory_space<vmem>> -> memref<80xi32, #tpu.memory_space<vmem>>
        %dma_wait3A_173 = arith.constant 0 : i32
        %dma_wait3A_174 = tpu.memref_slice %arg3[%add3A, %arg1, %run_scoped3A, %dma_wait3A_173] : memref<4x16x250x80xi32, #tpu.memory_space<hbm>> -> memref<1x1x1x80xi32, #tpu.memory_space<hbm>>
        %dma_wait3A_175 = tpu.memref_squeeze %dma_wait3A_174 : memref<1x1x1x80xi32, #tpu.memory_space<hbm>> -> memref<80xi32, #tpu.memory_space<hbm>>
        tpu.wait_dma2 semaphore(%run_scoped3A_151 : memref<!tpu.dma_semaphore, #tpu.memory_space<semaphore_mem>>) src(%dma_wait3A_175 : memref<80xi32, #tpu.memory_space<hbm>>) dst(%dma_wait3A_172 : memref<80xi32, #tpu.memory_space<vmem>>)
        tpu.yield
      }) : () -> ()
      %run_scoped3A_47 = arith.constant 0 : i32
      %run_scoped3A_48 = arith.constant 0 : i32
      "tpu.region"() ({
        %run_scoped3A_151 = tpu.sem_alloc : memref<!tpu.dma_semaphore, #tpu.memory_space<semaphore_mem>>
        %dma_start3A_152 = arith.constant 0 : i32
        %dma_start3A_153 = tpu.memref_slice %arg8[%run_scoped3A_48, %dma_start3A_152] : memref<8x80xi32, #tpu.memory_space<vmem>> -> memref<1x80xi32, #tpu.memory_space<vmem>>
        %dma_start3A_154 = tpu.memref_squeeze %dma_start3A_153 : memref<1x80xi32, #tpu.memory_space<vmem>> -> memref<80xi32, #tpu.memory_space<vmem>>
        %dma_start3A_155 = arith.constant 0 : i32
        %dma_start3A_156 = tpu.memref_slice %arg4[%add3A, %arg1, %run_scoped3A_47, %dma_start3A_155] : memref<4x16x250x80xi32, #tpu.memory_space<hbm>> -> memref<1x1x1x80xi32, #tpu.memory_space<hbm>>
        %dma_start3A_157 = tpu.memref_squeeze %dma_start3A_156 : memref<1x1x1x80xi32, #tpu.memory_space<hbm>> -> memref<80xi32, #tpu.memory_space<hbm>>
        %dma_start3A_158 = arith.constant 0 : i32
        %dma_start3A_159 = tpu.memref_slice %arg8[%run_scoped3A_48, %dma_start3A_158] : memref<8x80xi32, #tpu.memory_space<vmem>> -> memref<1x80xi32, #tpu.memory_space<vmem>>
        %dma_start3A_160 = tpu.memref_squeeze %dma_start3A_159 : memref<1x80xi32, #tpu.memory_space<vmem>> -> memref<80xi32, #tpu.memory_space<vmem>>
        %dma_start3A_161 = arith.constant 0 : i32
        %dma_start3A_162 = tpu.memref_slice %arg4[%add3A, %arg1, %run_scoped3A_47, %dma_start3A_161] : memref<4x16x250x80xi32, #tpu.memory_space<hbm>> -> memref<1x1x1x80xi32, #tpu.memory_space<hbm>>
        %dma_start3A_163 = tpu.memref_squeeze %dma_start3A_162 : memref<1x1x1x80xi32, #tpu.memory_space<hbm>> -> memref<80xi32, #tpu.memory_space<hbm>>
        tpu.enqueue_dma source(%dma_start3A_163 : memref<80xi32, #tpu.memory_space<hbm>>) target(%dma_start3A_160 : memref<80xi32, #tpu.memory_space<vmem>>) target_semaphore(%run_scoped3A_151 : memref<!tpu.dma_semaphore, #tpu.memory_space<semaphore_mem>>)
        %dma_wait3A_164 = arith.constant 0 : i32
        %dma_wait3A_165 = tpu.memref_slice %arg8[%run_scoped3A_48, %dma_wait3A_164] : memref<8x80xi32, #tpu.memory_space<vmem>> -> memref<1x80xi32, #tpu.memory_space<vmem>>
        %dma_wait3A_166 = tpu.memref_squeeze %dma_wait3A_165 : memref<1x80xi32, #tpu.memory_space<vmem>> -> memref<80xi32, #tpu.memory_space<vmem>>
        %dma_wait3A_167 = arith.constant 0 : i32
        %dma_wait3A_168 = tpu.memref_slice %arg4[%add3A, %arg1, %run_scoped3A_47, %dma_wait3A_167] : memref<4x16x250x80xi32, #tpu.memory_space<hbm>> -> memref<1x1x1x80xi32, #tpu.memory_space<hbm>>
        %dma_wait3A_169 = tpu.memref_squeeze %dma_wait3A_168 : memref<1x1x1x80xi32, #tpu.memory_space<hbm>> -> memref<80xi32, #tpu.memory_space<hbm>>
        %dma_wait3A_170 = arith.constant 0 : i32
        %dma_wait3A_171 = tpu.memref_slice %arg8[%run_scoped3A_48, %dma_wait3A_170] : memref<8x80xi32, #tpu.memory_space<vmem>> -> memref<1x80xi32, #tpu.memory_space<vmem>>
        %dma_wait3A_172 = tpu.memref_squeeze %dma_wait3A_171 : memref<1x80xi32, #tpu.memory_space<vmem>> -> memref<80xi32, #tpu.memory_space<vmem>>
        %dma_wait3A_173 = arith.constant 0 : i32
        %dma_wait3A_174 = tpu.memref_slice %arg4[%add3A, %arg1, %run_scoped3A_47, %dma_wait3A_173] : memref<4x16x250x80xi32, #tpu.memory_space<hbm>> -> memref<1x1x1x80xi32, #tpu.memory_space<hbm>>
        %dma_wait3A_175 = tpu.memref_squeeze %dma_wait3A_174 : memref<1x1x1x80xi32, #tpu.memory_space<hbm>> -> memref<80xi32, #tpu.memory_space<hbm>>
        tpu.wait_dma2 semaphore(%run_scoped3A_151 : memref<!tpu.dma_semaphore, #tpu.memory_space<semaphore_mem>>) src(%dma_wait3A_175 : memref<80xi32, #tpu.memory_space<hbm>>) dst(%dma_wait3A_172 : memref<80xi32, #tpu.memory_space<vmem>>)
        tpu.yield
      }) : () -> ()
      %run_scoped3A_49 = arith.constant 0 : i32
      %run_scoped3A_50 = arith.constant 0 : i32
      "tpu.region"() ({
        %run_scoped3A_151 = tpu.sem_alloc : memref<!tpu.dma_semaphore, #tpu.memory_space<semaphore_mem>>
        %dma_start3A_152 = arith.constant 0 : i32
        %dma_start3A_153 = tpu.memref_slice %arg9[%run_scoped3A_50, %dma_start3A_152] : memref<8x80xf32, #tpu.memory_space<vmem>> -> memref<1x80xf32, #tpu.memory_space<vmem>>
        %dma_start3A_154 = tpu.memref_squeeze %dma_start3A_153 : memref<1x80xf32, #tpu.memory_space<vmem>> -> memref<80xf32, #tpu.memory_space<vmem>>
        %dma_start3A_155 = arith.constant 0 : i32
        %dma_start3A_156 = tpu.memref_slice %arg5[%add3A, %arg1, %run_scoped3A_49, %dma_start3A_155] : memref<4x16x250x80xf32, #tpu.memory_space<hbm>> -> memref<1x1x1x80xf32, #tpu.memory_space<hbm>>
        %dma_start3A_157 = tpu.memref_squeeze %dma_start3A_156 : memref<1x1x1x80xf32, #tpu.memory_space<hbm>> -> memref<80xf32, #tpu.memory_space<hbm>>
        %dma_start3A_158 = arith.constant 0 : i32
        %dma_start3A_159 = tpu.memref_slice %arg9[%run_scoped3A_50, %dma_start3A_158] : memref<8x80xf32, #tpu.memory_space<vmem>> -> memref<1x80xf32, #tpu.memory_space<vmem>>
        %dma_start3A_160 = tpu.memref_squeeze %dma_start3A_159 : memref<1x80xf32, #tpu.memory_space<vmem>> -> memref<80xf32, #tpu.memory_space<vmem>>
        %dma_start3A_161 = arith.constant 0 : i32
        %dma_start3A_162 = tpu.memref_slice %arg5[%add3A, %arg1, %run_scoped3A_49, %dma_start3A_161] : memref<4x16x250x80xf32, #tpu.memory_space<hbm>> -> memref<1x1x1x80xf32, #tpu.memory_space<hbm>>
        %dma_start3A_163 = tpu.memref_squeeze %dma_start3A_162 : memref<1x1x1x80xf32, #tpu.memory_space<hbm>> -> memref<80xf32, #tpu.memory_space<hbm>>
        tpu.enqueue_dma source(%dma_start3A_163 : memref<80xf32, #tpu.memory_space<hbm>>) target(%dma_start3A_160 : memref<80xf32, #tpu.memory_space<vmem>>) target_semaphore(%run_scoped3A_151 : memref<!tpu.dma_semaphore, #tpu.memory_space<semaphore_mem>>)
        %dma_wait3A_164 = arith.constant 0 : i32
        %dma_wait3A_165 = tpu.memref_slice %arg9[%run_scoped3A_50, %dma_wait3A_164] : memref<8x80xf32, #tpu.memory_space<vmem>> -> memref<1x80xf32, #tpu.memory_space<vmem>>
        %dma_wait3A_166 = tpu.memref_squeeze %dma_wait3A_165 : memref<1x80xf32, #tpu.memory_space<vmem>> -> memref<80xf32, #tpu.memory_space<vmem>>
        %dma_wait3A_167 = arith.constant 0 : i32
        %dma_wait3A_168 = tpu.memref_slice %arg5[%add3A, %arg1, %run_scoped3A_49, %dma_wait3A_167] : memref<4x16x250x80xf32, #tpu.memory_space<hbm>> -> memref<1x1x1x80xf32, #tpu.memory_space<hbm>>
        %dma_wait3A_169 = tpu.memref_squeeze %dma_wait3A_168 : memref<1x1x1x80xf32, #tpu.memory_space<hbm>> -> memref<80xf32, #tpu.memory_space<hbm>>
        %dma_wait3A_170 = arith.constant 0 : i32
        %dma_wait3A_171 = tpu.memref_slice %arg9[%run_scoped3A_50, %dma_wait3A_170] : memref<8x80xf32, #tpu.memory_space<vmem>> -> memref<1x80xf32, #tpu.memory_space<vmem>>
        %dma_wait3A_172 = tpu.memref_squeeze %dma_wait3A_171 : memref<1x80xf32, #tpu.memory_space<vmem>> -> memref<80xf32, #tpu.memory_space<vmem>>
        %dma_wait3A_173 = arith.constant 0 : i32
        %dma_wait3A_174 = tpu.memref_slice %arg5[%add3A, %arg1, %run_scoped3A_49, %dma_wait3A_173] : memref<4x16x250x80xf32, #tpu.memory_space<hbm>> -> memref<1x1x1x80xf32, #tpu.memory_space<hbm>>
        %dma_wait3A_175 = tpu.memref_squeeze %dma_wait3A_174 : memref<1x1x1x80xf32, #tpu.memory_space<hbm>> -> memref<80xf32, #tpu.memory_space<hbm>>
        tpu.wait_dma2 semaphore(%run_scoped3A_151 : memref<!tpu.dma_semaphore, #tpu.memory_space<semaphore_mem>>) src(%dma_wait3A_175 : memref<80xf32, #tpu.memory_space<hbm>>) dst(%dma_wait3A_172 : memref<80xf32, #tpu.memory_space<vmem>>)
        tpu.yield
      }) : () -> ()
      %run_scoped3A_51 = arith.constant 1 : i32
      %run_scoped3A_52 = arith.constant 1 : i32
      "tpu.region"() ({
        %run_scoped3A_151 = tpu.sem_alloc : memref<!tpu.dma_semaphore, #tpu.memory_space<semaphore_mem>>
        %dma_start3A_152 = arith.constant 0 : i32
        %dma_start3A_153 = tpu.memref_slice %arg7[%run_scoped3A_52, %dma_start3A_152] : memref<8x80xi32, #tpu.memory_space<vmem>> -> memref<1x80xi32, #tpu.memory_space<vmem>>
        %dma_start3A_154 = tpu.memref_squeeze %dma_start3A_153 : memref<1x80xi32, #tpu.memory_space<vmem>> -> memref<80xi32, #tpu.memory_space<vmem>>
        %dma_start3A_155 = arith.constant 0 : i32
        %dma_start3A_156 = tpu.memref_slice %arg3[%add3A, %arg1, %run_scoped3A_51, %dma_start3A_155] : memref<4x16x250x80xi32, #tpu.memory_space<hbm>> -> memref<1x1x1x80xi32, #tpu.memory_space<hbm>>
        %dma_start3A_157 = tpu.memref_squeeze %dma_start3A_156 : memref<1x1x1x80xi32, #tpu.memory_space<hbm>> -> memref<80xi32, #tpu.memory_space<hbm>>
        %dma_start3A_158 = arith.constant 0 : i32
        %dma_start3A_159 = tpu.memref_slice %arg7[%run_scoped3A_52, %dma_start3A_158] : memref<8x80xi32, #tpu.memory_space<vmem>> -> memref<1x80xi32, #tpu.memory_space<vmem>>
        %dma_start3A_160 = tpu.memref_squeeze %dma_start3A_159 : memref<1x80xi32, #tpu.memory_space<vmem>> -> memref<80xi32, #tpu.memory_space<vmem>>
        %dma_start3A_161 = arith.constant 0 : i32
        %dma_start3A_162 = tpu.memref_slice %arg3[%add3A, %arg1, %run_scoped3A_51, %dma_start3A_161] : memref<4x16x250x80xi32, #tpu.memory_space<hbm>> -> memref<1x1x1x80xi32, #tpu.memory_space<hbm>>
        %dma_start3A_163 = tpu.memref_squeeze %dma_start3A_162 : memref<1x1x1x80xi32, #tpu.memory_space<hbm>> -> memref<80xi32, #tpu.memory_space<hbm>>
        tpu.enqueue_dma source(%dma_start3A_163 : memref<80xi32, #tpu.memory_space<hbm>>) target(%dma_start3A_160 : memref<80xi32, #tpu.memory_space<vmem>>) target_semaphore(%run_scoped3A_151 : memref<!tpu.dma_semaphore, #tpu.memory_space<semaphore_mem>>)
        %dma_wait3A_164 = arith.constant 0 : i32
        %dma_wait3A_165 = tpu.memref_slice %arg7[%run_scoped3A_52, %dma_wait3A_164] : memref<8x80xi32, #tpu.memory_space<vmem>> -> memref<1x80xi32, #tpu.memory_space<vmem>>
        %dma_wait3A_166 = tpu.memref_squeeze %dma_wait3A_165 : memref<1x80xi32, #tpu.memory_space<vmem>> -> memref<80xi32, #tpu.memory_space<vmem>>
        %dma_wait3A_167 = arith.constant 0 : i32
        %dma_wait3A_168 = tpu.memref_slice %arg3[%add3A, %arg1, %run_scoped3A_51, %dma_wait3A_167] : memref<4x16x250x80xi32, #tpu.memory_space<hbm>> -> memref<1x1x1x80xi32, #tpu.memory_space<hbm>>
        %dma_wait3A_169 = tpu.memref_squeeze %dma_wait3A_168 : memref<1x1x1x80xi32, #tpu.memory_space<hbm>> -> memref<80xi32, #tpu.memory_space<hbm>>
        %dma_wait3A_170 = arith.constant 0 : i32
        %dma_wait3A_171 = tpu.memref_slice %arg7[%run_scoped3A_52, %dma_wait3A_170] : memref<8x80xi32, #tpu.memory_space<vmem>> -> memref<1x80xi32, #tpu.memory_space<vmem>>
        %dma_wait3A_172 = tpu.memref_squeeze %dma_wait3A_171 : memref<1x80xi32, #tpu.memory_space<vmem>> -> memref<80xi32, #tpu.memory_space<vmem>>
        %dma_wait3A_173 = arith.constant 0 : i32
        %dma_wait3A_174 = tpu.memref_slice %arg3[%add3A, %arg1, %run_scoped3A_51, %dma_wait3A_173] : memref<4x16x250x80xi32, #tpu.memory_space<hbm>> -> memref<1x1x1x80xi32, #tpu.memory_space<hbm>>
        %dma_wait3A_175 = tpu.memref_squeeze %dma_wait3A_174 : memref<1x1x1x80xi32, #tpu.memory_space<hbm>> -> memref<80xi32, #tpu.memory_space<hbm>>
        tpu.wait_dma2 semaphore(%run_scoped3A_151 : memref<!tpu.dma_semaphore, #tpu.memory_space<semaphore_mem>>) src(%dma_wait3A_175 : memref<80xi32, #tpu.memory_space<hbm>>) dst(%dma_wait3A_172 : memref<80xi32, #tpu.memory_space<vmem>>)
        tpu.yield
      }) : () -> ()
      %run_scoped3A_53 = arith.constant 1 : i32
      %run_scoped3A_54 = arith.constant 1 : i32
      "tpu.region"() ({
        %run_scoped3A_151 = tpu.sem_alloc : memref<!tpu.dma_semaphore, #tpu.memory_space<semaphore_mem>>
        %dma_start3A_152 = arith.constant 0 : i32
        %dma_start3A_153 = tpu.memref_slice %arg8[%run_scoped3A_54, %dma_start3A_152] : memref<8x80xi32, #tpu.memory_space<vmem>> -> memref<1x80xi32, #tpu.memory_space<vmem>>
        %dma_start3A_154 = tpu.memref_squeeze %dma_start3A_153 : memref<1x80xi32, #tpu.memory_space<vmem>> -> memref<80xi32, #tpu.memory_space<vmem>>
        %dma_start3A_155 = arith.constant 0 : i32
        %dma_start3A_156 = tpu.memref_slice %arg4[%add3A, %arg1, %run_scoped3A_53, %dma_start3A_155] : memref<4x16x250x80xi32, #tpu.memory_space<hbm>> -> memref<1x1x1x80xi32, #tpu.memory_space<hbm>>
        %dma_start3A_157 = tpu.memref_squeeze %dma_start3A_156 : memref<1x1x1x80xi32, #tpu.memory_space<hbm>> -> memref<80xi32, #tpu.memory_space<hbm>>
        %dma_start3A_158 = arith.constant 0 : i32
        %dma_start3A_159 = tpu.memref_slice %arg8[%run_scoped3A_54, %dma_start3A_158] : memref<8x80xi32, #tpu.memory_space<vmem>> -> memref<1x80xi32, #tpu.memory_space<vmem>>
        %dma_start3A_160 = tpu.memref_squeeze %dma_start3A_159 : memref<1x80xi32, #tpu.memory_space<vmem>> -> memref<80xi32, #tpu.memory_space<vmem>>
        %dma_start3A_161 = arith.constant 0 : i32
        %dma_start3A_162 = tpu.memref_slice %arg4[%add3A, %arg1, %run_scoped3A_53, %dma_start3A_161] : memref<4x16x250x80xi32, #tpu.memory_space<hbm>> -> memref<1x1x1x80xi32, #tpu.memory_space<hbm>>
        %dma_start3A_163 = tpu.memref_squeeze %dma_start3A_162 : memref<1x1x1x80xi32, #tpu.memory_space<hbm>> -> memref<80xi32, #tpu.memory_space<hbm>>
        tpu.enqueue_dma source(%dma_start3A_163 : memref<80xi32, #tpu.memory_space<hbm>>) target(%dma_start3A_160 : memref<80xi32, #tpu.memory_space<vmem>>) target_semaphore(%run_scoped3A_151 : memref<!tpu.dma_semaphore, #tpu.memory_space<semaphore_mem>>)
        %dma_wait3A_164 = arith.constant 0 : i32
        %dma_wait3A_165 = tpu.memref_slice %arg8[%run_scoped3A_54, %dma_wait3A_164] : memref<8x80xi32, #tpu.memory_space<vmem>> -> memref<1x80xi32, #tpu.memory_space<vmem>>
        %dma_wait3A_166 = tpu.memref_squeeze %dma_wait3A_165 : memref<1x80xi32, #tpu.memory_space<vmem>> -> memref<80xi32, #tpu.memory_space<vmem>>
        %dma_wait3A_167 = arith.constant 0 : i32
        %dma_wait3A_168 = tpu.memref_slice %arg4[%add3A, %arg1, %run_scoped3A_53, %dma_wait3A_167] : memref<4x16x250x80xi32, #tpu.memory_space<hbm>> -> memref<1x1x1x80xi32, #tpu.memory_space<hbm>>
        %dma_wait3A_169 = tpu.memref_squeeze %dma_wait3A_168 : memref<1x1x1x80xi32, #tpu.memory_space<hbm>> -> memref<80xi32, #tpu.memory_space<hbm>>
        %dma_wait3A_170 = arith.constant 0 : i32
        %dma_wait3A_171 = tpu.memref_slice %arg8[%run_scoped3A_54, %dma_wait3A_170] : memref<8x80xi32, #tpu.memory_space<vmem>> -> memref<1x80xi32, #tpu.memory_space<vmem>>
        %dma_wait3A_172 = tpu.memref_squeeze %dma_wait3A_171 : memref<1x80xi32, #tpu.memory_space<vmem>> -> memref<80xi32, #tpu.memory_space<vmem>>
        %dma_wait3A_173 = arith.constant 0 : i32
        %dma_wait3A_174 = tpu.memref_slice %arg4[%add3A, %arg1, %run_scoped3A_53, %dma_wait3A_173] : memref<4x16x250x80xi32, #tpu.memory_space<hbm>> -> memref<1x1x1x80xi32, #tpu.memory_space<hbm>>
        %dma_wait3A_175 = tpu.memref_squeeze %dma_wait3A_174 : memref<1x1x1x80xi32, #tpu.memory_space<hbm>> -> memref<80xi32, #tpu.memory_space<hbm>>
        tpu.wait_dma2 semaphore(%run_scoped3A_151 : memref<!tpu.dma_semaphore, #tpu.memory_space<semaphore_mem>>) src(%dma_wait3A_175 : memref<80xi32, #tpu.memory_space<hbm>>) dst(%dma_wait3A_172 : memref<80xi32, #tpu.memory_space<vmem>>)
        tpu.yield
      }) : () -> ()
      %run_scoped3A_55 = arith.constant 1 : i32
      %run_scoped3A_56 = arith.constant 1 : i32
      "tpu.region"() ({
        %run_scoped3A_151 = tpu.sem_alloc : memref<!tpu.dma_semaphore, #tpu.memory_space<semaphore_mem>>
        %dma_start3A_152 = arith.constant 0 : i32
        %dma_start3A_153 = tpu.memref_slice %arg9[%run_scoped3A_56, %dma_start3A_152] : memref<8x80xf32, #tpu.memory_space<vmem>> -> memref<1x80xf32, #tpu.memory_space<vmem>>
        %dma_start3A_154 = tpu.memref_squeeze %dma_start3A_153 : memref<1x80xf32, #tpu.memory_space<vmem>> -> memref<80xf32, #tpu.memory_space<vmem>>
        %dma_start3A_155 = arith.constant 0 : i32
        %dma_start3A_156 = tpu.memref_slice %arg5[%add3A, %arg1, %run_scoped3A_55, %dma_start3A_155] : memref<4x16x250x80xf32, #tpu.memory_space<hbm>> -> memref<1x1x1x80xf32, #tpu.memory_space<hbm>>
        %dma_start3A_157 = tpu.memref_squeeze %dma_start3A_156 : memref<1x1x1x80xf32, #tpu.memory_space<hbm>> -> memref<80xf32, #tpu.memory_space<hbm>>
        %dma_start3A_158 = arith.constant 0 : i32
        %dma_start3A_159 = tpu.memref_slice %arg9[%run_scoped3A_56, %dma_start3A_158] : memref<8x80xf32, #tpu.memory_space<vmem>> -> memref<1x80xf32, #tpu.memory_space<vmem>>
        %dma_start3A_160 = tpu.memref_squeeze %dma_start3A_159 : memref<1x80xf32, #tpu.memory_space<vmem>> -> memref<80xf32, #tpu.memory_space<vmem>>
        %dma_start3A_161 = arith.constant 0 : i32
        %dma_start3A_162 = tpu.memref_slice %arg5[%add3A, %arg1, %run_scoped3A_55, %dma_start3A_161] : memref<4x16x250x80xf32, #tpu.memory_space<hbm>> -> memref<1x1x1x80xf32, #tpu.memory_space<hbm>>
        %dma_start3A_163 = tpu.memref_squeeze %dma_start3A_162 : memref<1x1x1x80xf32, #tpu.memory_space<hbm>> -> memref<80xf32, #tpu.memory_space<hbm>>
        tpu.enqueue_dma source(%dma_start3A_163 : memref<80xf32, #tpu.memory_space<hbm>>) target(%dma_start3A_160 : memref<80xf32, #tpu.memory_space<vmem>>) target_semaphore(%run_scoped3A_151 : memref<!tpu.dma_semaphore, #tpu.memory_space<semaphore_mem>>)
        %dma_wait3A_164 = arith.constant 0 : i32
        %dma_wait3A_165 = tpu.memref_slice %arg9[%run_scoped3A_56, %dma_wait3A_164] : memref<8x80xf32, #tpu.memory_space<vmem>> -> memref<1x80xf32, #tpu.memory_space<vmem>>
        %dma_wait3A_166 = tpu.memref_squeeze %dma_wait3A_165 : memref<1x80xf32, #tpu.memory_space<vmem>> -> memref<80xf32, #tpu.memory_space<vmem>>
        %dma_wait3A_167 = arith.constant 0 : i32
        %dma_wait3A_168 = tpu.memref_slice %arg5[%add3A, %arg1, %run_scoped3A_55, %dma_wait3A_167] : memref<4x16x250x80xf32, #tpu.memory_space<hbm>> -> memref<1x1x1x80xf32, #tpu.memory_space<hbm>>
        %dma_wait3A_169 = tpu.memref_squeeze %dma_wait3A_168 : memref<1x1x1x80xf32, #tpu.memory_space<hbm>> -> memref<80xf32, #tpu.memory_space<hbm>>
        %dma_wait3A_170 = arith.constant 0 : i32
        %dma_wait3A_171 = tpu.memref_slice %arg9[%run_scoped3A_56, %dma_wait3A_170] : memref<8x80xf32, #tpu.memory_space<vmem>> -> memref<1x80xf32, #tpu.memory_space<vmem>>
        %dma_wait3A_172 = tpu.memref_squeeze %dma_wait3A_171 : memref<1x80xf32, #tpu.memory_space<vmem>> -> memref<80xf32, #tpu.memory_space<vmem>>
        %dma_wait3A_173 = arith.constant 0 : i32
        %dma_wait3A_174 = tpu.memref_slice %arg5[%add3A, %arg1, %run_scoped3A_55, %dma_wait3A_173] : memref<4x16x250x80xf32, #tpu.memory_space<hbm>> -> memref<1x1x1x80xf32, #tpu.memory_space<hbm>>
        %dma_wait3A_175 = tpu.memref_squeeze %dma_wait3A_174 : memref<1x1x1x80xf32, #tpu.memory_space<hbm>> -> memref<80xf32, #tpu.memory_space<hbm>>
        tpu.wait_dma2 semaphore(%run_scoped3A_151 : memref<!tpu.dma_semaphore, #tpu.memory_space<semaphore_mem>>) src(%dma_wait3A_175 : memref<80xf32, #tpu.memory_space<hbm>>) dst(%dma_wait3A_172 : memref<80xf32, #tpu.memory_space<vmem>>)
        tpu.yield
      }) : () -> ()
      %dma_start3A = arith.constant 0 : i32
      %dma_start3A_57 = arith.constant 0 : i32
      %dma_start3A_58 = arith.constant 0 : i32
      %dma_start3A_59 = tpu.memref_slice %arg10[%dma_start3A_57, %dma_start3A_58] : memref<320x128xf32, #tpu.memory_space<vmem>> -> memref<80x128xf32, #tpu.memory_space<vmem>>
      %dma_start3A_60 = arith.constant 0 : i32
      %dma_start3A_61 = tpu.memref_slice %arg7[%dma_start3A, %dma_start3A_60] : memref<8x80xi32, #tpu.memory_space<vmem>> -> memref<1x80xi32, #tpu.memory_space<vmem>>
      %dma_start3A_62 = tpu.memref_squeeze %dma_start3A_61 : memref<1x80xi32, #tpu.memory_space<vmem>> -> memref<80xi32, #tpu.memory_space<vmem>>
      %dma_start3A_63 = arith.constant 0 : i32
      %dma_start3A_64 = arith.constant 0 : i32
      %dma_start3A_65 = tpu.memref_slice %arg2[%dma_start3A_63, %dma_start3A_64] : memref<40000x128xf32, #tpu.memory_space<hbm>> -> memref<40000x128xf32, #tpu.memory_space<hbm>>
      tpu.enqueue_indirect_dma source(%dma_start3A_65 : memref<40000x128xf32, #tpu.memory_space<hbm>>) target(%dma_start3A_59 : memref<80x128xf32, #tpu.memory_space<vmem>>) offsets(%dma_start3A_62 : memref<80xi32, #tpu.memory_space<vmem>>) semaphore(%arg12 : memref<!tpu.dma_semaphore, #tpu.memory_space<semaphore_mem>>)
      %dma_start3A_66 = arith.constant 1 : i32
      %dma_start3A_67 = arith.constant 80 : i32
      %dma_start3A_68 = arith.constant 0 : i32
      %dma_start3A_69 = tpu.memref_slice %arg10[%dma_start3A_67, %dma_start3A_68] : memref<320x128xf32, #tpu.memory_space<vmem>> -> memref<80x128xf32, #tpu.memory_space<vmem>>
      %dma_start3A_70 = arith.constant 0 : i32
      %dma_start3A_71 = tpu.memref_slice %arg7[%dma_start3A_66, %dma_start3A_70] : memref<8x80xi32, #tpu.memory_space<vmem>> -> memref<1x80xi32, #tpu.memory_space<vmem>>
      %dma_start3A_72 = tpu.memref_squeeze %dma_start3A_71 : memref<1x80xi32, #tpu.memory_space<vmem>> -> memref<80xi32, #tpu.memory_space<vmem>>
      %dma_start3A_73 = arith.constant 0 : i32
      %dma_start3A_74 = arith.constant 0 : i32
      %dma_start3A_75 = tpu.memref_slice %arg2[%dma_start3A_73, %dma_start3A_74] : memref<40000x128xf32, #tpu.memory_space<hbm>> -> memref<40000x128xf32, #tpu.memory_space<hbm>>
      tpu.enqueue_indirect_dma source(%dma_start3A_75 : memref<40000x128xf32, #tpu.memory_space<hbm>>) target(%dma_start3A_69 : memref<80x128xf32, #tpu.memory_space<vmem>>) offsets(%dma_start3A_72 : memref<80xi32, #tpu.memory_space<vmem>>) semaphore(%arg12 : memref<!tpu.dma_semaphore, #tpu.memory_space<semaphore_mem>>)
      %dma_start3A_76 = arith.constant 2 : i32
      %dma_start3A_77 = arith.constant 2 : i32
      %dma_start3A_78 = arith.constant 0 : i32
      %dma_start3A_79 = tpu.memref_slice %arg7[%dma_start3A_77, %dma_start3A_78] : memref<8x80xi32, #tpu.memory_space<vmem>> -> memref<1x80xi32, #tpu.memory_space<vmem>>
      %dma_start3A_80 = tpu.memref_squeeze %dma_start3A_79 : memref<1x80xi32, #tpu.memory_space<vmem>> -> memref<80xi32, #tpu.memory_space<vmem>>
      %dma_start3A_81 = arith.constant 0 : i32
      %dma_start3A_82 = tpu.memref_slice %arg3[%add3A, %arg1, %dma_start3A_76, %dma_start3A_81] : memref<4x16x250x80xi32, #tpu.memory_space<hbm>> -> memref<1x1x1x80xi32, #tpu.memory_space<hbm>>
      %dma_start3A_83 = tpu.memref_squeeze %dma_start3A_82 : memref<1x1x1x80xi32, #tpu.memory_space<hbm>> -> memref<80xi32, #tpu.memory_space<hbm>>
      %dma_start3A_84 = arith.constant 0 : i32
      %dma_start3A_85 = tpu.memref_slice %arg7[%dma_start3A_77, %dma_start3A_84] : memref<8x80xi32, #tpu.memory_space<vmem>> -> memref<1x80xi32, #tpu.memory_space<vmem>>
      %dma_start3A_86 = tpu.memref_squeeze %dma_start3A_85 : memref<1x80xi32, #tpu.memory_space<vmem>> -> memref<80xi32, #tpu.memory_space<vmem>>
      %dma_start3A_87 = arith.constant 0 : i32
      %dma_start3A_88 = tpu.memref_slice %arg3[%add3A, %arg1, %dma_start3A_76, %dma_start3A_87] : memref<4x16x250x80xi32, #tpu.memory_space<hbm>> -> memref<1x1x1x80xi32, #tpu.memory_space<hbm>>
      %dma_start3A_89 = tpu.memref_squeeze %dma_start3A_88 : memref<1x1x1x80xi32, #tpu.memory_space<hbm>> -> memref<80xi32, #tpu.memory_space<hbm>>
      tpu.enqueue_dma source(%dma_start3A_89 : memref<80xi32, #tpu.memory_space<hbm>>) target(%dma_start3A_86 : memref<80xi32, #tpu.memory_space<vmem>>) target_semaphore(%arg13 : memref<!tpu.dma_semaphore, #tpu.memory_space<semaphore_mem>>)
      %dma_start3A_90 = arith.constant 2 : i32
      %dma_start3A_91 = arith.constant 2 : i32
      %dma_start3A_92 = arith.constant 0 : i32
      %dma_start3A_93 = tpu.memref_slice %arg8[%dma_start3A_91, %dma_start3A_92] : memref<8x80xi32, #tpu.memory_space<vmem>> -> memref<1x80xi32, #tpu.memory_space<vmem>>
      %dma_start3A_94 = tpu.memref_squeeze %dma_start3A_93 : memref<1x80xi32, #tpu.memory_space<vmem>> -> memref<80xi32, #tpu.memory_space<vmem>>
      %dma_start3A_95 = arith.constant 0 : i32
      %dma_start3A_96 = tpu.memref_slice %arg4[%add3A, %arg1, %dma_start3A_90, %dma_start3A_95] : memref<4x16x250x80xi32, #tpu.memory_space<hbm>> -> memref<1x1x1x80xi32, #tpu.memory_space<hbm>>
      %dma_start3A_97 = tpu.memref_squeeze %dma_start3A_96 : memref<1x1x1x80xi32, #tpu.memory_space<hbm>> -> memref<80xi32, #tpu.memory_space<hbm>>
      %dma_start3A_98 = arith.constant 0 : i32
      %dma_start3A_99 = tpu.memref_slice %arg8[%dma_start3A_91, %dma_start3A_98] : memref<8x80xi32, #tpu.memory_space<vmem>> -> memref<1x80xi32, #tpu.memory_space<vmem>>
      %dma_start3A_100 = tpu.memref_squeeze %dma_start3A_99 : memref<1x80xi32, #tpu.memory_space<vmem>> -> memref<80xi32, #tpu.memory_space<vmem>>
      %dma_start3A_101 = arith.constant 0 : i32
      %dma_start3A_102 = tpu.memref_slice %arg4[%add3A, %arg1, %dma_start3A_90, %dma_start3A_101] : memref<4x16x250x80xi32, #tpu.memory_space<hbm>> -> memref<1x1x1x80xi32, #tpu.memory_space<hbm>>
      %dma_start3A_103 = tpu.memref_squeeze %dma_start3A_102 : memref<1x1x1x80xi32, #tpu.memory_space<hbm>> -> memref<80xi32, #tpu.memory_space<hbm>>
      tpu.enqueue_dma source(%dma_start3A_103 : memref<80xi32, #tpu.memory_space<hbm>>) target(%dma_start3A_100 : memref<80xi32, #tpu.memory_space<vmem>>) target_semaphore(%arg13 : memref<!tpu.dma_semaphore, #tpu.memory_space<semaphore_mem>>)
      %dma_start3A_104 = arith.constant 2 : i32
      %dma_start3A_105 = arith.constant 2 : i32
      %dma_start3A_106 = arith.constant 0 : i32
      %dma_start3A_107 = tpu.memref_slice %arg9[%dma_start3A_105, %dma_start3A_106] : memref<8x80xf32, #tpu.memory_space<vmem>> -> memref<1x80xf32, #tpu.memory_space<vmem>>
      %dma_start3A_108 = tpu.memref_squeeze %dma_start3A_107 : memref<1x80xf32, #tpu.memory_space<vmem>> -> memref<80xf32, #tpu.memory_space<vmem>>
      %dma_start3A_109 = arith.constant 0 : i32
      %dma_start3A_110 = tpu.memref_slice %arg5[%add3A, %arg1, %dma_start3A_104, %dma_start3A_109] : memref<4x16x250x80xf32, #tpu.memory_space<hbm>> -> memref<1x1x1x80xf32, #tpu.memory_space<hbm>>
      %dma_start3A_111 = tpu.memref_squeeze %dma_start3A_110 : memref<1x1x1x80xf32, #tpu.memory_space<hbm>> -> memref<80xf32, #tpu.memory_space<hbm>>
      %dma_start3A_112 = arith.constant 0 : i32
      %dma_start3A_113 = tpu.memref_slice %arg9[%dma_start3A_105, %dma_start3A_112] : memref<8x80xf32, #tpu.memory_space<vmem>> -> memref<1x80xf32, #tpu.memory_space<vmem>>
      %dma_start3A_114 = tpu.memref_squeeze %dma_start3A_113 : memref<1x80xf32, #tpu.memory_space<vmem>> -> memref<80xf32, #tpu.memory_space<vmem>>
      %dma_start3A_115 = arith.constant 0 : i32
      %dma_start3A_116 = tpu.memref_slice %arg5[%add3A, %arg1, %dma_start3A_104, %dma_start3A_115] : memref<4x16x250x80xf32, #tpu.memory_space<hbm>> -> memref<1x1x1x80xf32, #tpu.memory_space<hbm>>
      %dma_start3A_117 = tpu.memref_squeeze %dma_start3A_116 : memref<1x1x1x80xf32, #tpu.memory_space<hbm>> -> memref<80xf32, #tpu.memory_space<hbm>>
      tpu.enqueue_dma source(%dma_start3A_117 : memref<80xf32, #tpu.memory_space<hbm>>) target(%dma_start3A_114 : memref<80xf32, #tpu.memory_space<vmem>>) target_semaphore(%arg13 : memref<!tpu.dma_semaphore, #tpu.memory_space<semaphore_mem>>)
      %scan3A_118 = arith.constant 0 : i32
      %scan3A_119 = arith.constant 0 : i32
      %scan3A_120 = arith.constant 250 : i32
      %scan3A_121 = arith.addi %scan3A_119, %scan3A_120 : i32
      %scan3A_122 = arith.constant 1 : i32
      scf.for %scan3A_151 = %scan3A_119 to %scan3A_121 step %scan3A_122  : i32 {
        %and3A = arith.constant 7 : i32
        %and3A_152 = arith.andi %scan3A_151, %and3A : i32
        %and3A_153 = arith.constant 3 : i32
        %and3A_154 = arith.andi %scan3A_151, %and3A_153 : i32
        %mul3A_155 = arith.constant 80 : i32
        %mul3A_156 = arith.muli %and3A_154, %mul3A_155 : i32
        %dma_wait3A_157 = arith.constant 0 : i32
        %dma_wait3A_158 = tpu.memref_slice %arg10[%mul3A_156, %dma_wait3A_157] : memref<320x128xf32, #tpu.memory_space<vmem>> -> memref<80x128xf32, #tpu.memory_space<vmem>>
        %dma_wait3A_159 = arith.constant 0 : i32
        %dma_wait3A_160 = tpu.memref_slice %arg7[%and3A_152, %dma_wait3A_159] : memref<8x80xi32, #tpu.memory_space<vmem>> -> memref<1x80xi32, #tpu.memory_space<vmem>>
        %dma_wait3A_161 = tpu.memref_squeeze %dma_wait3A_160 : memref<1x80xi32, #tpu.memory_space<vmem>> -> memref<80xi32, #tpu.memory_space<vmem>>
        %dma_wait3A_162 = arith.constant 0 : i32
        %dma_wait3A_163 = arith.constant 0 : i32
        %dma_wait3A_164 = tpu.memref_slice %arg2[%dma_wait3A_162, %dma_wait3A_163] : memref<40000x128xf32, #tpu.memory_space<hbm>> -> memref<40000x128xf32, #tpu.memory_space<hbm>>
        tpu.wait_indirect_dma semaphore(%arg12 : memref<!tpu.dma_semaphore, #tpu.memory_space<semaphore_mem>>) src(%dma_wait3A_164 : memref<40000x128xf32, #tpu.memory_space<hbm>>) dst(%dma_wait3A_158 : memref<80x128xf32, #tpu.memory_space<vmem>>)
        %ge3A = arith.constant 2 : i32
        %ge3A_165 = arith.cmpi sge, %scan3A_151, %ge3A : i32
        %convert_element_type3A_166 = arith.extui %ge3A_165 : i1 to i32
        %cond3A_167 = arith.constant 0 : i32
        %cond3A_168 = arith.cmpi ne, %convert_element_type3A_166, %cond3A_167 : i32
        scf.if %cond3A_168 {
          %sub3A = arith.constant 2 : i32
          %sub3A_209 = arith.subi %scan3A_151, %sub3A : i32
          %and3A_210 = arith.constant 3 : i32
          %and3A_211 = arith.andi %sub3A_209, %and3A_210 : i32
          %mul3A_212 = arith.constant 80 : i32
          %mul3A_213 = arith.muli %and3A_211, %mul3A_212 : i32
          %and3A_214 = arith.constant 7 : i32
          %and3A_215 = arith.andi %sub3A_209, %and3A_214 : i32
          %dma_wait3A_216 = arith.constant 0 : i32
          %dma_wait3A_217 = tpu.memref_slice %arg10[%mul3A_213, %dma_wait3A_216] : memref<320x128xf32, #tpu.memory_space<vmem>> -> memref<80x128xf32, #tpu.memory_space<vmem>>
          %dma_wait3A_218 = arith.constant 0 : i32
          %dma_wait3A_219 = tpu.memref_slice %arg8[%and3A_215, %dma_wait3A_218] : memref<8x80xi32, #tpu.memory_space<vmem>> -> memref<1x80xi32, #tpu.memory_space<vmem>>
          %dma_wait3A_220 = tpu.memref_squeeze %dma_wait3A_219 : memref<1x80xi32, #tpu.memory_space<vmem>> -> memref<80xi32, #tpu.memory_space<vmem>>
          %dma_wait3A_221 = arith.constant 0 : i32
          %dma_wait3A_222 = arith.constant 0 : i32
          %dma_wait3A_223 = tpu.memref_slice %arg11[%dma_wait3A_221, %dma_wait3A_222] : memref<10240x128xf32, #tpu.memory_space<vmem_shared>> -> memref<10240x128xf32, #tpu.memory_space<vmem_shared>>
          tpu.wait_indirect_dma semaphore(%arg14 : memref<!tpu.dma_semaphore, #tpu.memory_space<semaphore_mem>>) src(%dma_wait3A_217 : memref<80x128xf32, #tpu.memory_space<vmem>>) dst(%dma_wait3A_223 : memref<10240x128xf32, #tpu.memory_space<vmem_shared>>)
        } else {
        }
        %add3A_169 = arith.constant 2 : i32
        %add3A_170 = arith.addi %scan3A_151, %add3A_169 : i32
        %lt3A_171 = arith.constant 250 : i32
        %lt3A_172 = arith.cmpi slt, %add3A_170, %lt3A_171 : i32
        %convert_element_type3A_173 = arith.extui %lt3A_172 : i1 to i32
        %cond3A_174 = arith.constant 0 : i32
        %cond3A_175 = arith.cmpi ne, %convert_element_type3A_173, %cond3A_174 : i32
        scf.if %cond3A_175 {
          %add3A_209 = arith.constant 2 : i32
          %add3A_210 = arith.addi %scan3A_151, %add3A_209 : i32
          %dma_wait3A_211 = arith.constant 0 : i32
          %dma_wait3A_212 = arith.constant 0 : i32
          %dma_wait3A_213 = tpu.memref_slice %arg7[%dma_wait3A_211, %dma_wait3A_212] : memref<8x80xi32, #tpu.memory_space<vmem>> -> memref<3x80xi32, #tpu.memory_space<vmem>>
          %dma_wait3A_214 = arith.constant 0 : i32
          %dma_wait3A_215 = arith.constant 0 : i32
          %dma_wait3A_216 = tpu.memref_slice %arg3[%add3A, %arg1, %dma_wait3A_214, %dma_wait3A_215] : memref<4x16x250x80xi32, #tpu.memory_space<hbm>> -> memref<1x1x3x80xi32, #tpu.memory_space<hbm>>
          %dma_wait3A_217 = tpu.memref_squeeze %dma_wait3A_216 : memref<1x1x3x80xi32, #tpu.memory_space<hbm>> -> memref<3x80xi32, #tpu.memory_space<hbm>>
          %dma_wait3A_218 = arith.constant 0 : i32
          %dma_wait3A_219 = arith.constant 0 : i32
          %dma_wait3A_220 = tpu.memref_slice %arg7[%dma_wait3A_218, %dma_wait3A_219] : memref<8x80xi32, #tpu.memory_space<vmem>> -> memref<3x80xi32, #tpu.memory_space<vmem>>
          %dma_wait3A_221 = arith.constant 0 : i32
          %dma_wait3A_222 = arith.constant 0 : i32
          %dma_wait3A_223 = tpu.memref_slice %arg3[%add3A, %arg1, %dma_wait3A_221, %dma_wait3A_222] : memref<4x16x250x80xi32, #tpu.memory_space<hbm>> -> memref<1x1x3x80xi32, #tpu.memory_space<hbm>>
          %dma_wait3A_224 = tpu.memref_squeeze %dma_wait3A_223 : memref<1x1x3x80xi32, #tpu.memory_space<hbm>> -> memref<3x80xi32, #tpu.memory_space<hbm>>
          tpu.wait_dma2 semaphore(%arg13 : memref<!tpu.dma_semaphore, #tpu.memory_space<semaphore_mem>>) src(%dma_wait3A_224 : memref<3x80xi32, #tpu.memory_space<hbm>>) dst(%dma_wait3A_220 : memref<3x80xi32, #tpu.memory_space<vmem>>)
          %add3A_225 = arith.constant 2 : i32
          %add3A_226 = arith.addi %scan3A_151, %add3A_225 : i32
          %and3A_227 = arith.constant 7 : i32
          %and3A_228 = arith.andi %add3A_226, %and3A_227 : i32
          %and3A_229 = arith.constant 3 : i32
          %and3A_230 = arith.andi %add3A_226, %and3A_229 : i32
          %mul3A_231 = arith.constant 80 : i32
          %mul3A_232 = arith.muli %and3A_230, %mul3A_231 : i32
          %dma_start3A_233 = arith.constant 0 : i32
          %dma_start3A_234 = tpu.memref_slice %arg10[%mul3A_232, %dma_start3A_233] : memref<320x128xf32, #tpu.memory_space<vmem>> -> memref<80x128xf32, #tpu.memory_space<vmem>>
          %dma_start3A_235 = arith.constant 0 : i32
          %dma_start3A_236 = tpu.memref_slice %arg7[%and3A_228, %dma_start3A_235] : memref<8x80xi32, #tpu.memory_space<vmem>> -> memref<1x80xi32, #tpu.memory_space<vmem>>
          %dma_start3A_237 = tpu.memref_squeeze %dma_start3A_236 : memref<1x80xi32, #tpu.memory_space<vmem>> -> memref<80xi32, #tpu.memory_space<vmem>>
          %dma_start3A_238 = arith.constant 0 : i32
          %dma_start3A_239 = arith.constant 0 : i32
          %dma_start3A_240 = tpu.memref_slice %arg2[%dma_start3A_238, %dma_start3A_239] : memref<40000x128xf32, #tpu.memory_space<hbm>> -> memref<40000x128xf32, #tpu.memory_space<hbm>>
          tpu.enqueue_indirect_dma source(%dma_start3A_240 : memref<40000x128xf32, #tpu.memory_space<hbm>>) target(%dma_start3A_234 : memref<80x128xf32, #tpu.memory_space<vmem>>) offsets(%dma_start3A_237 : memref<80xi32, #tpu.memory_space<vmem>>) semaphore(%arg12 : memref<!tpu.dma_semaphore, #tpu.memory_space<semaphore_mem>>)
        } else {
        }
        %add3A_176 = arith.constant 3 : i32
        %add3A_177 = arith.addi %scan3A_151, %add3A_176 : i32
        %lt3A_178 = arith.constant 250 : i32
        %lt3A_179 = arith.cmpi slt, %add3A_177, %lt3A_178 : i32
        %convert_element_type3A_180 = arith.extui %lt3A_179 : i1 to i32
        %cond3A_181 = arith.constant 0 : i32
        %cond3A_182 = arith.cmpi ne, %convert_element_type3A_180, %cond3A_181 : i32
        scf.if %cond3A_182 {
          %add3A_209 = arith.constant 3 : i32
          %add3A_210 = arith.addi %scan3A_151, %add3A_209 : i32
          %and3A_211 = arith.constant 7 : i32
          %and3A_212 = arith.andi %add3A_210, %and3A_211 : i32
          %dma_start3A_213 = arith.constant 0 : i32
          %dma_start3A_214 = tpu.memref_slice %arg7[%and3A_212, %dma_start3A_213] : memref<8x80xi32, #tpu.memory_space<vmem>> -> memref<1x80xi32, #tpu.memory_space<vmem>>
          %dma_start3A_215 = tpu.memref_squeeze %dma_start3A_214 : memref<1x80xi32, #tpu.memory_space<vmem>> -> memref<80xi32, #tpu.memory_space<vmem>>
          %dma_start3A_216 = arith.constant 0 : i32
          %dma_start3A_217 = tpu.memref_slice %arg3[%add3A, %arg1, %add3A_210, %dma_start3A_216] : memref<4x16x250x80xi32, #tpu.memory_space<hbm>> -> memref<1x1x1x80xi32, #tpu.memory_space<hbm>>
          %dma_start3A_218 = tpu.memref_squeeze %dma_start3A_217 : memref<1x1x1x80xi32, #tpu.memory_space<hbm>> -> memref<80xi32, #tpu.memory_space<hbm>>
          %dma_start3A_219 = arith.constant 0 : i32
          %dma_start3A_220 = tpu.memref_slice %arg7[%and3A_212, %dma_start3A_219] : memref<8x80xi32, #tpu.memory_space<vmem>> -> memref<1x80xi32, #tpu.memory_space<vmem>>
          %dma_start3A_221 = tpu.memref_squeeze %dma_start3A_220 : memref<1x80xi32, #tpu.memory_space<vmem>> -> memref<80xi32, #tpu.memory_space<vmem>>
          %dma_start3A_222 = arith.constant 0 : i32
          %dma_start3A_223 = tpu.memref_slice %arg3[%add3A, %arg1, %add3A_210, %dma_start3A_222] : memref<4x16x250x80xi32, #tpu.memory_space<hbm>> -> memref<1x1x1x80xi32, #tpu.memory_space<hbm>>
          %dma_start3A_224 = tpu.memref_squeeze %dma_start3A_223 : memref<1x1x1x80xi32, #tpu.memory_space<hbm>> -> memref<80xi32, #tpu.memory_space<hbm>>
          tpu.enqueue_dma source(%dma_start3A_224 : memref<80xi32, #tpu.memory_space<hbm>>) target(%dma_start3A_221 : memref<80xi32, #tpu.memory_space<vmem>>) target_semaphore(%arg13 : memref<!tpu.dma_semaphore, #tpu.memory_space<semaphore_mem>>)
          %dma_start3A_225 = arith.constant 0 : i32
          %dma_start3A_226 = tpu.memref_slice %arg8[%and3A_212, %dma_start3A_225] : memref<8x80xi32, #tpu.memory_space<vmem>> -> memref<1x80xi32, #tpu.memory_space<vmem>>
          %dma_start3A_227 = tpu.memref_squeeze %dma_start3A_226 : memref<1x80xi32, #tpu.memory_space<vmem>> -> memref<80xi32, #tpu.memory_space<vmem>>
          %dma_start3A_228 = arith.constant 0 : i32
          %dma_start3A_229 = tpu.memref_slice %arg4[%add3A, %arg1, %add3A_210, %dma_start3A_228] : memref<4x16x250x80xi32, #tpu.memory_space<hbm>> -> memref<1x1x1x80xi32, #tpu.memory_space<hbm>>
          %dma_start3A_230 = tpu.memref_squeeze %dma_start3A_229 : memref<1x1x1x80xi32, #tpu.memory_space<hbm>> -> memref<80xi32, #tpu.memory_space<hbm>>
          %dma_start3A_231 = arith.constant 0 : i32
          %dma_start3A_232 = tpu.memref_slice %arg8[%and3A_212, %dma_start3A_231] : memref<8x80xi32, #tpu.memory_space<vmem>> -> memref<1x80xi32, #tpu.memory_space<vmem>>
          %dma_start3A_233 = tpu.memref_squeeze %dma_start3A_232 : memref<1x80xi32, #tpu.memory_space<vmem>> -> memref<80xi32, #tpu.memory_space<vmem>>
          %dma_start3A_234 = arith.constant 0 : i32
          %dma_start3A_235 = tpu.memref_slice %arg4[%add3A, %arg1, %add3A_210, %dma_start3A_234] : memref<4x16x250x80xi32, #tpu.memory_space<hbm>> -> memref<1x1x1x80xi32, #tpu.memory_space<hbm>>
          %dma_start3A_236 = tpu.memref_squeeze %dma_start3A_235 : memref<1x1x1x80xi32, #tpu.memory_space<hbm>> -> memref<80xi32, #tpu.memory_space<hbm>>
          tpu.enqueue_dma source(%dma_start3A_236 : memref<80xi32, #tpu.memory_space<hbm>>) target(%dma_start3A_233 : memref<80xi32, #tpu.memory_space<vmem>>) target_semaphore(%arg13 : memref<!tpu.dma_semaphore, #tpu.memory_space<semaphore_mem>>)
          %dma_start3A_237 = arith.constant 0 : i32
          %dma_start3A_238 = tpu.memref_slice %arg9[%and3A_212, %dma_start3A_237] : memref<8x80xf32, #tpu.memory_space<vmem>> -> memref<1x80xf32, #tpu.memory_space<vmem>>
          %dma_start3A_239 = tpu.memref_squeeze %dma_start3A_238 : memref<1x80xf32, #tpu.memory_space<vmem>> -> memref<80xf32, #tpu.memory_space<vmem>>
          %dma_start3A_240 = arith.constant 0 : i32
          %dma_start3A_241 = tpu.memref_slice %arg5[%add3A, %arg1, %add3A_210, %dma_start3A_240] : memref<4x16x250x80xf32, #tpu.memory_space<hbm>> -> memref<1x1x1x80xf32, #tpu.memory_space<hbm>>
          %dma_start3A_242 = tpu.memref_squeeze %dma_start3A_241 : memref<1x1x1x80xf32, #tpu.memory_space<hbm>> -> memref<80xf32, #tpu.memory_space<hbm>>
          %dma_start3A_243 = arith.constant 0 : i32
          %dma_start3A_244 = tpu.memref_slice %arg9[%and3A_212, %dma_start3A_243] : memref<8x80xf32, #tpu.memory_space<vmem>> -> memref<1x80xf32, #tpu.memory_space<vmem>>
          %dma_start3A_245 = tpu.memref_squeeze %dma_start3A_244 : memref<1x80xf32, #tpu.memory_space<vmem>> -> memref<80xf32, #tpu.memory_space<vmem>>
          %dma_start3A_246 = arith.constant 0 : i32
          %dma_start3A_247 = tpu.memref_slice %arg5[%add3A, %arg1, %add3A_210, %dma_start3A_246] : memref<4x16x250x80xf32, #tpu.memory_space<hbm>> -> memref<1x1x1x80xf32, #tpu.memory_space<hbm>>
          %dma_start3A_248 = tpu.memref_squeeze %dma_start3A_247 : memref<1x1x1x80xf32, #tpu.memory_space<hbm>> -> memref<80xf32, #tpu.memory_space<hbm>>
          tpu.enqueue_dma source(%dma_start3A_248 : memref<80xf32, #tpu.memory_space<hbm>>) target(%dma_start3A_245 : memref<80xf32, #tpu.memory_space<vmem>>) target_semaphore(%arg13 : memref<!tpu.dma_semaphore, #tpu.memory_space<semaphore_mem>>)
        } else {
        }
        %and3A_183 = arith.constant 7 : i32
        %and3A_184 = arith.andi %scan3A_151, %and3A_183 : i32
        %and3A_185 = arith.constant 3 : i32
        %and3A_186 = arith.andi %scan3A_151, %and3A_185 : i32
        %mul3A_187 = arith.constant 80 : i32
        %mul3A_188 = arith.muli %and3A_186, %mul3A_187 : i32
        %scan3A_189 = arith.constant 0 : i32
        %scan3A_190 = arith.constant 0 : i32
        %scan3A_191 = arith.constant 5 : i32
        %scan3A_192 = arith.addi %scan3A_190, %scan3A_191 : i32
        %scan3A_193 = arith.constant 1 : i32
        scf.for %scan3A_209 = %scan3A_190 to %scan3A_192 step %scan3A_193  : i32 {
          %mul3A_210 = arith.constant 16 : i32
          %mul3A_211 = arith.muli %scan3A_209, %mul3A_210 : i32
          %get3A = arith.index_cast %and3A_184 : i32 to index
          %get3A_212 = arith.index_cast %mul3A_211 : i32 to index
          %get3A_213 = tpu.vector_load %arg9[%get3A, %get3A_212] {strides = array<i32>} : memref<8x80xf32, #tpu.memory_space<vmem>>, vector<1x16xf32>,
          %get3A_214 = vector.shape_cast %get3A_213 : vector<1x16xf32> to vector<16xf32>
          %mul3A_215 = arith.constant 16 : i32
          %mul3A_216 = arith.muli %scan3A_209, %mul3A_215 : i32
          %add3A_217 = arith.addi %mul3A_188, %mul3A_216 : i32
          %add3A_218 = arith.constant 0 : i32
          %add3A_219 = arith.addi %add3A_217, %add3A_218 : i32
          %get3A_220 = arith.index_cast %add3A_219 : i32 to index
          %get3A_221 = arith.constant 0 : index
          %get3A_222 = tpu.vector_load %arg10[%get3A_220, %get3A_221] {strides = array<i32>} : memref<320x128xf32, #tpu.memory_space<vmem>>, vector<1x16xf32>,
          %get3A_223 = vector.shape_cast %get3A_222 : vector<1x16xf32> to vector<16xf32>
          %get3A_224 = arith.index_cast %add3A_219 : i32 to index
          %get3A_225 = arith.constant 16 : index
          %get3A_226 = tpu.vector_load %arg10[%get3A_224, %get3A_225] {strides = array<i32>} : memref<320x128xf32, #tpu.memory_space<vmem>>, vector<1x16xf32>,
          %get3A_227 = vector.shape_cast %get3A_226 : vector<1x16xf32> to vector<16xf32>
          %get3A_228 = arith.index_cast %add3A_219 : i32 to index
          %get3A_229 = arith.constant 32 : index
          %get3A_230 = tpu.vector_load %arg10[%get3A_228, %get3A_229] {strides = array<i32>} : memref<320x128xf32, #tpu.memory_space<vmem>>, vector<1x16xf32>,
          %get3A_231 = vector.shape_cast %get3A_230 : vector<1x16xf32> to vector<16xf32>
          %get3A_232 = arith.index_cast %add3A_219 : i32 to index
          %get3A_233 = arith.constant 48 : index
          %get3A_234 = tpu.vector_load %arg10[%get3A_232, %get3A_233] {strides = array<i32>} : memref<320x128xf32, #tpu.memory_space<vmem>>, vector<1x16xf32>,
          %get3A_235 = vector.shape_cast %get3A_234 : vector<1x16xf32> to vector<16xf32>
          %get3A_236 = arith.index_cast %add3A_219 : i32 to index
          %get3A_237 = arith.constant 64 : index
          %get3A_238 = tpu.vector_load %arg10[%get3A_236, %get3A_237] {strides = array<i32>} : memref<320x128xf32, #tpu.memory_space<vmem>>, vector<1x16xf32>,
          %get3A_239 = vector.shape_cast %get3A_238 : vector<1x16xf32> to vector<16xf32>
          %get3A_240 = arith.index_cast %add3A_219 : i32 to index
          %get3A_241 = arith.constant 80 : index
          %get3A_242 = tpu.vector_load %arg10[%get3A_240, %get3A_241] {strides = array<i32>} : memref<320x128xf32, #tpu.memory_space<vmem>>, vector<1x16xf32>,
          %get3A_243 = vector.shape_cast %get3A_242 : vector<1x16xf32> to vector<16xf32>
          %get3A_244 = arith.index_cast %add3A_219 : i32 to index
          %get3A_245 = arith.constant 96 : index
          %get3A_246 = tpu.vector_load %arg10[%get3A_244, %get3A_245] {strides = array<i32>} : memref<320x128xf32, #tpu.memory_space<vmem>>, vector<1x16xf32>,
          %get3A_247 = vector.shape_cast %get3A_246 : vector<1x16xf32> to vector<16xf32>
          %get3A_248 = arith.index_cast %add3A_219 : i32 to index
          %get3A_249 = arith.constant 112 : index
          %get3A_250 = tpu.vector_load %arg10[%get3A_248, %get3A_249] {strides = array<i32>} : memref<320x128xf32, #tpu.memory_space<vmem>>, vector<1x16xf32>,
          %get3A_251 = vector.shape_cast %get3A_250 : vector<1x16xf32> to vector<16xf32>
          %slice3A = vector.extract_strided_slice %get3A_214 {offsets = [0], sizes = [1], strides = [1]} : vector<16xf32> to vector<1xf32>
          %squeeze3A = vector.extract %slice3A[0] : f32 from vector<1xf32>
          %mul3A_252 = vector.broadcast %squeeze3A : f32 to vector<16xf32>
          %mul3A_253 = arith.mulf %get3A_223, %mul3A_252 : vector<16xf32>
          %swap3A = arith.index_cast %add3A_219 : i32 to index
          %swap3A_254 = arith.constant 0 : index
          %swap3A_255 = tpu.vector_load %arg10[%swap3A, %swap3A_254] {strides = array<i32>} : memref<320x128xf32, #tpu.memory_space<vmem>>, vector<1x16xf32>,
          %swap3A_256 = vector.shape_cast %swap3A_255 : vector<1x16xf32> to vector<16xf32>
          %swap3A_257 = vector.shape_cast %mul3A_253 : vector<16xf32> to vector<1x16xf32>
          tpu.vector_store %arg10[%swap3A, %swap3A_254], %swap3A_257 {strides = array<i32>} : memref<320x128xf32, #tpu.memory_space<vmem>>, vector<1x16xf32>,
          %mul3A_258 = vector.broadcast %squeeze3A : f32 to vector<16xf32>
          %mul3A_259 = arith.mulf %get3A_227, %mul3A_258 : vector<16xf32>
          %swap3A_260 = arith.index_cast %add3A_219 : i32 to index
          %swap3A_261 = arith.constant 16 : index
          %swap3A_262 = tpu.vector_load %arg10[%swap3A_260, %swap3A_261] {strides = array<i32>} : memref<320x128xf32, #tpu.memory_space<vmem>>, vector<1x16xf32>,
          %swap3A_263 = vector.shape_cast %swap3A_262 : vector<1x16xf32> to vector<16xf32>
          %swap3A_264 = vector.shape_cast %mul3A_259 : vector<16xf32> to vector<1x16xf32>
          tpu.vector_store %arg10[%swap3A_260, %swap3A_261], %swap3A_264 {strides = array<i32>} : memref<320x128xf32, #tpu.memory_space<vmem>>, vector<1x16xf32>,
          %mul3A_265 = vector.broadcast %squeeze3A : f32 to vector<16xf32>
          %mul3A_266 = arith.mulf %get3A_231, %mul3A_265 : vector<16xf32>
          %swap3A_267 = arith.index_cast %add3A_219 : i32 to index
          %swap3A_268 = arith.constant 32 : index
          %swap3A_269 = tpu.vector_load %arg10[%swap3A_267, %swap3A_268] {strides = array<i32>} : memref<320x128xf32, #tpu.memory_space<vmem>>, vector<1x16xf32>,
          %swap3A_270 = vector.shape_cast %swap3A_269 : vector<1x16xf32> to vector<16xf32>
          %swap3A_271 = vector.shape_cast %mul3A_266 : vector<16xf32> to vector<1x16xf32>
          tpu.vector_store %arg10[%swap3A_267, %swap3A_268], %swap3A_271 {strides = array<i32>} : memref<320x128xf32, #tpu.memory_space<vmem>>, vector<1x16xf32>,
          %mul3A_272 = vector.broadcast %squeeze3A : f32 to vector<16xf32>
          %mul3A_273 = arith.mulf %get3A_235, %mul3A_272 : vector<16xf32>
          %swap3A_274 = arith.index_cast %add3A_219 : i32 to index
          %swap3A_275 = arith.constant 48 : index
          %swap3A_276 = tpu.vector_load %arg10[%swap3A_274, %swap3A_275] {strides = array<i32>} : memref<320x128xf32, #tpu.memory_space<vmem>>, vector<1x16xf32>,
          %swap3A_277 = vector.shape_cast %swap3A_276 : vector<1x16xf32> to vector<16xf32>
          %swap3A_278 = vector.shape_cast %mul3A_273 : vector<16xf32> to vector<1x16xf32>
          tpu.vector_store %arg10[%swap3A_274, %swap3A_275], %swap3A_278 {strides = array<i32>} : memref<320x128xf32, #tpu.memory_space<vmem>>, vector<1x16xf32>,
          %mul3A_279 = vector.broadcast %squeeze3A : f32 to vector<16xf32>
          %mul3A_280 = arith.mulf %get3A_239, %mul3A_279 : vector<16xf32>
          %swap3A_281 = arith.index_cast %add3A_219 : i32 to index
          %swap3A_282 = arith.constant 64 : index
          %swap3A_283 = tpu.vector_load %arg10[%swap3A_281, %swap3A_282] {strides = array<i32>} : memref<320x128xf32, #tpu.memory_space<vmem>>, vector<1x16xf32>,
          %swap3A_284 = vector.shape_cast %swap3A_283 : vector<1x16xf32> to vector<16xf32>
          %swap3A_285 = vector.shape_cast %mul3A_280 : vector<16xf32> to vector<1x16xf32>
          tpu.vector_store %arg10[%swap3A_281, %swap3A_282], %swap3A_285 {strides = array<i32>} : memref<320x128xf32, #tpu.memory_space<vmem>>, vector<1x16xf32>,
          %mul3A_286 = vector.broadcast %squeeze3A : f32 to vector<16xf32>
          %mul3A_287 = arith.mulf %get3A_243, %mul3A_286 : vector<16xf32>
          %swap3A_288 = arith.index_cast %add3A_219 : i32 to index
          %swap3A_289 = arith.constant 80 : index
          %swap3A_290 = tpu.vector_load %arg10[%swap3A_288, %swap3A_289] {strides = array<i32>} : memref<320x128xf32, #tpu.memory_space<vmem>>, vector<1x16xf32>,
          %swap3A_291 = vector.shape_cast %swap3A_290 : vector<1x16xf32> to vector<16xf32>
          %swap3A_292 = vector.shape_cast %mul3A_287 : vector<16xf32> to vector<1x16xf32>
          tpu.vector_store %arg10[%swap3A_288, %swap3A_289], %swap3A_292 {strides = array<i32>} : memref<320x128xf32, #tpu.memory_space<vmem>>, vector<1x16xf32>,
          %mul3A_293 = vector.broadcast %squeeze3A : f32 to vector<16xf32>
          %mul3A_294 = arith.mulf %get3A_247, %mul3A_293 : vector<16xf32>
          %swap3A_295 = arith.index_cast %add3A_219 : i32 to index
          %swap3A_296 = arith.constant 96 : index
          %swap3A_297 = tpu.vector_load %arg10[%swap3A_295, %swap3A_296] {strides = array<i32>} : memref<320x128xf32, #tpu.memory_space<vmem>>, vector<1x16xf32>,
          %swap3A_298 = vector.shape_cast %swap3A_297 : vector<1x16xf32> to vector<16xf32>
          %swap3A_299 = vector.shape_cast %mul3A_294 : vector<16xf32> to vector<1x16xf32>
          tpu.vector_store %arg10[%swap3A_295, %swap3A_296], %swap3A_299 {strides = array<i32>} : memref<320x128xf32, #tpu.memory_space<vmem>>, vector<1x16xf32>,
          %mul3A_300 = vector.broadcast %squeeze3A : f32 to vector<16xf32>
          %mul3A_301 = arith.mulf %get3A_251, %mul3A_300 : vector<16xf32>
          %swap3A_302 = arith.index_cast %add3A_219 : i32 to index
          %swap3A_303 = arith.constant 112 : index
          %swap3A_304 = tpu.vector_load %arg10[%swap3A_302, %swap3A_303] {strides = array<i32>} : memref<320x128xf32, #tpu.memory_space<vmem>>, vector<1x16xf32>,
          %swap3A_305 = vector.shape_cast %swap3A_304 : vector<1x16xf32> to vector<16xf32>
          %swap3A_306 = vector.shape_cast %mul3A_301 : vector<16xf32> to vector<1x16xf32>
          tpu.vector_store %arg10[%swap3A_302, %swap3A_303], %swap3A_306 {strides = array<i32>} : memref<320x128xf32, #tpu.memory_space<vmem>>, vector<1x16xf32>,
          %add3A_307 = arith.constant 1 : i32
          %add3A_308 = arith.addi %add3A_217, %add3A_307 : i32
          %get3A_309 = arith.index_cast %add3A_308 : i32 to index
          %get3A_310 = arith.constant 0 : index
          %get3A_311 = tpu.vector_load %arg10[%get3A_309, %get3A_310] {strides = array<i32>} : memref<320x128xf32, #tpu.memory_space<vmem>>, vector<1x16xf32>,
          %get3A_312 = vector.shape_cast %get3A_311 : vector<1x16xf32> to vector<16xf32>
          %get3A_313 = arith.index_cast %add3A_308 : i32 to index
          %get3A_314 = arith.constant 16 : index
          %get3A_315 = tpu.vector_load %arg10[%get3A_313, %get3A_314] {strides = array<i32>} : memref<320x128xf32, #tpu.memory_space<vmem>>, vector<1x16xf32>,
          %get3A_316 = vector.shape_cast %get3A_315 : vector<1x16xf32> to vector<16xf32>
          %get3A_317 = arith.index_cast %add3A_308 : i32 to index
          %get3A_318 = arith.constant 32 : index
          %get3A_319 = tpu.vector_load %arg10[%get3A_317, %get3A_318] {strides = array<i32>} : memref<320x128xf32, #tpu.memory_space<vmem>>, vector<1x16xf32>,
          %get3A_320 = vector.shape_cast %get3A_319 : vector<1x16xf32> to vector<16xf32>
          %get3A_321 = arith.index_cast %add3A_308 : i32 to index
          %get3A_322 = arith.constant 48 : index
          %get3A_323 = tpu.vector_load %arg10[%get3A_321, %get3A_322] {strides = array<i32>} : memref<320x128xf32, #tpu.memory_space<vmem>>, vector<1x16xf32>,
          %get3A_324 = vector.shape_cast %get3A_323 : vector<1x16xf32> to vector<16xf32>
          %get3A_325 = arith.index_cast %add3A_308 : i32 to index
          %get3A_326 = arith.constant 64 : index
          %get3A_327 = tpu.vector_load %arg10[%get3A_325, %get3A_326] {strides = array<i32>} : memref<320x128xf32, #tpu.memory_space<vmem>>, vector<1x16xf32>,
          %get3A_328 = vector.shape_cast %get3A_327 : vector<1x16xf32> to vector<16xf32>
          %get3A_329 = arith.index_cast %add3A_308 : i32 to index
          %get3A_330 = arith.constant 80 : index
          %get3A_331 = tpu.vector_load %arg10[%get3A_329, %get3A_330] {strides = array<i32>} : memref<320x128xf32, #tpu.memory_space<vmem>>, vector<1x16xf32>,
          %get3A_332 = vector.shape_cast %get3A_331 : vector<1x16xf32> to vector<16xf32>
          %get3A_333 = arith.index_cast %add3A_308 : i32 to index
          %get3A_334 = arith.constant 96 : index
          %get3A_335 = tpu.vector_load %arg10[%get3A_333, %get3A_334] {strides = array<i32>} : memref<320x128xf32, #tpu.memory_space<vmem>>, vector<1x16xf32>,
          %get3A_336 = vector.shape_cast %get3A_335 : vector<1x16xf32> to vector<16xf32>
          %get3A_337 = arith.index_cast %add3A_308 : i32 to index
          %get3A_338 = arith.constant 112 : index
          %get3A_339 = tpu.vector_load %arg10[%get3A_337, %get3A_338] {strides = array<i32>} : memref<320x128xf32, #tpu.memory_space<vmem>>, vector<1x16xf32>,
          %get3A_340 = vector.shape_cast %get3A_339 : vector<1x16xf32> to vector<16xf32>
          %slice3A_341 = vector.extract_strided_slice %get3A_214 {offsets = [1], sizes = [1], strides = [1]} : vector<16xf32> to vector<1xf32>
          %squeeze3A_342 = vector.extract %slice3A_341[0] : f32 from vector<1xf32>
          %mul3A_343 = vector.broadcast %squeeze3A_342 : f32 to vector<16xf32>
          %mul3A_344 = arith.mulf %get3A_312, %mul3A_343 : vector<16xf32>
          %swap3A_345 = arith.index_cast %add3A_308 : i32 to index
          %swap3A_346 = arith.constant 0 : index
          %swap3A_347 = tpu.vector_load %arg10[%swap3A_345, %swap3A_346] {strides = array<i32>} : memref<320x128xf32, #tpu.memory_space<vmem>>, vector<1x16xf32>,
          %swap3A_348 = vector.shape_cast %swap3A_347 : vector<1x16xf32> to vector<16xf32>
          %swap3A_349 = vector.shape_cast %mul3A_344 : vector<16xf32> to vector<1x16xf32>
          tpu.vector_store %arg10[%swap3A_345, %swap3A_346], %swap3A_349 {strides = array<i32>} : memref<320x128xf32, #tpu.memory_space<vmem>>, vector<1x16xf32>,
          %mul3A_350 = vector.broadcast %squeeze3A_342 : f32 to vector<16xf32>
          %mul3A_351 = arith.mulf %get3A_316, %mul3A_350 : vector<16xf32>
          %swap3A_352 = arith.index_cast %add3A_308 : i32 to index
          %swap3A_353 = arith.constant 16 : index
          %swap3A_354 = tpu.vector_load %arg10[%swap3A_352, %swap3A_353] {strides = array<i32>} : memref<320x128xf32, #tpu.memory_space<vmem>>, vector<1x16xf32>,
          %swap3A_355 = vector.shape_cast %swap3A_354 : vector<1x16xf32> to vector<16xf32>
          %swap3A_356 = vector.shape_cast %mul3A_351 : vector<16xf32> to vector<1x16xf32>
          tpu.vector_store %arg10[%swap3A_352, %swap3A_353], %swap3A_356 {strides = array<i32>} : memref<320x128xf32, #tpu.memory_space<vmem>>, vector<1x16xf32>,
          %mul3A_357 = vector.broadcast %squeeze3A_342 : f32 to vector<16xf32>
          %mul3A_358 = arith.mulf %get3A_320, %mul3A_357 : vector<16xf32>
          %swap3A_359 = arith.index_cast %add3A_308 : i32 to index
          %swap3A_360 = arith.constant 32 : index
          %swap3A_361 = tpu.vector_load %arg10[%swap3A_359, %swap3A_360] {strides = array<i32>} : memref<320x128xf32, #tpu.memory_space<vmem>>, vector<1x16xf32>,
          %swap3A_362 = vector.shape_cast %swap3A_361 : vector<1x16xf32> to vector<16xf32>
          %swap3A_363 = vector.shape_cast %mul3A_358 : vector<16xf32> to vector<1x16xf32>
          tpu.vector_store %arg10[%swap3A_359, %swap3A_360], %swap3A_363 {strides = array<i32>} : memref<320x128xf32, #tpu.memory_space<vmem>>, vector<1x16xf32>,
          %mul3A_364 = vector.broadcast %squeeze3A_342 : f32 to vector<16xf32>
          %mul3A_365 = arith.mulf %get3A_324, %mul3A_364 : vector<16xf32>
          %swap3A_366 = arith.index_cast %add3A_308 : i32 to index
          %swap3A_367 = arith.constant 48 : index
          %swap3A_368 = tpu.vector_load %arg10[%swap3A_366, %swap3A_367] {strides = array<i32>} : memref<320x128xf32, #tpu.memory_space<vmem>>, vector<1x16xf32>,
          %swap3A_369 = vector.shape_cast %swap3A_368 : vector<1x16xf32> to vector<16xf32>
          %swap3A_370 = vector.shape_cast %mul3A_365 : vector<16xf32> to vector<1x16xf32>
          tpu.vector_store %arg10[%swap3A_366, %swap3A_367], %swap3A_370 {strides = array<i32>} : memref<320x128xf32, #tpu.memory_space<vmem>>, vector<1x16xf32>,
          %mul3A_371 = vector.broadcast %squeeze3A_342 : f32 to vector<16xf32>
          %mul3A_372 = arith.mulf %get3A_328, %mul3A_371 : vector<16xf32>
          %swap3A_373 = arith.index_cast %add3A_308 : i32 to index
          %swap3A_374 = arith.constant 64 : index
          %swap3A_375 = tpu.vector_load %arg10[%swap3A_373, %swap3A_374] {strides = array<i32>} : memref<320x128xf32, #tpu.memory_space<vmem>>, vector<1x16xf32>,
          %swap3A_376 = vector.shape_cast %swap3A_375 : vector<1x16xf32> to vector<16xf32>
          %swap3A_377 = vector.shape_cast %mul3A_372 : vector<16xf32> to vector<1x16xf32>
          tpu.vector_store %arg10[%swap3A_373, %swap3A_374], %swap3A_377 {strides = array<i32>} : memref<320x128xf32, #tpu.memory_space<vmem>>, vector<1x16xf32>,
          %mul3A_378 = vector.broadcast %squeeze3A_342 : f32 to vector<16xf32>
          %mul3A_379 = arith.mulf %get3A_332, %mul3A_378 : vector<16xf32>
          %swap3A_380 = arith.index_cast %add3A_308 : i32 to index
          %swap3A_381 = arith.constant 80 : index
          %swap3A_382 = tpu.vector_load %arg10[%swap3A_380, %swap3A_381] {strides = array<i32>} : memref<320x128xf32, #tpu.memory_space<vmem>>, vector<1x16xf32>,
          %swap3A_383 = vector.shape_cast %swap3A_382 : vector<1x16xf32> to vector<16xf32>
          %swap3A_384 = vector.shape_cast %mul3A_379 : vector<16xf32> to vector<1x16xf32>
          tpu.vector_store %arg10[%swap3A_380, %swap3A_381], %swap3A_384 {strides = array<i32>} : memref<320x128xf32, #tpu.memory_space<vmem>>, vector<1x16xf32>,
          %mul3A_385 = vector.broadcast %squeeze3A_342 : f32 to vector<16xf32>
          %mul3A_386 = arith.mulf %get3A_336, %mul3A_385 : vector<16xf32>
          %swap3A_387 = arith.index_cast %add3A_308 : i32 to index
          %swap3A_388 = arith.constant 96 : index
          %swap3A_389 = tpu.vector_load %arg10[%swap3A_387, %swap3A_388] {strides = array<i32>} : memref<320x128xf32, #tpu.memory_space<vmem>>, vector<1x16xf32>,
          %swap3A_390 = vector.shape_cast %swap3A_389 : vector<1x16xf32> to vector<16xf32>
          %swap3A_391 = vector.shape_cast %mul3A_386 : vector<16xf32> to vector<1x16xf32>
          tpu.vector_store %arg10[%swap3A_387, %swap3A_388], %swap3A_391 {strides = array<i32>} : memref<320x128xf32, #tpu.memory_space<vmem>>, vector<1x16xf32>,
          %mul3A_392 = vector.broadcast %squeeze3A_342 : f32 to vector<16xf32>
          %mul3A_393 = arith.mulf %get3A_340, %mul3A_392 : vector<16xf32>
          %swap3A_394 = arith.index_cast %add3A_308 : i32 to index
          %swap3A_395 = arith.constant 112 : index
          %swap3A_396 = tpu.vector_load %arg10[%swap3A_394, %swap3A_395] {strides = array<i32>} : memref<320x128xf32, #tpu.memory_space<vmem>>, vector<1x16xf32>,
          %swap3A_397 = vector.shape_cast %swap3A_396 : vector<1x16xf32> to vector<16xf32>
          %swap3A_398 = vector.shape_cast %mul3A_393 : vector<16xf32> to vector<1x16xf32>
          tpu.vector_store %arg10[%swap3A_394, %swap3A_395], %swap3A_398 {strides = array<i32>} : memref<320x128xf32, #tpu.memory_space<vmem>>, vector<1x16xf32>,
          %add3A_399 = arith.constant 2 : i32
          %add3A_400 = arith.addi %add3A_217, %add3A_399 : i32
          %get3A_401 = arith.index_cast %add3A_400 : i32 to index
          %get3A_402 = arith.constant 0 : index
          %get3A_403 = tpu.vector_load %arg10[%get3A_401, %get3A_402] {strides = array<i32>} : memref<320x128xf32, #tpu.memory_space<vmem>>, vector<1x16xf32>,
          %get3A_404 = vector.shape_cast %get3A_403 : vector<1x16xf32> to vector<16xf32>
          %get3A_405 = arith.index_cast %add3A_400 : i32 to index
          %get3A_406 = arith.constant 16 : index
          %get3A_407 = tpu.vector_load %arg10[%get3A_405, %get3A_406] {strides = array<i32>} : memref<320x128xf32, #tpu.memory_space<vmem>>, vector<1x16xf32>,
          %get3A_408 = vector.shape_cast %get3A_407 : vector<1x16xf32> to vector<16xf32>
          %get3A_409 = arith.index_cast %add3A_400 : i32 to index
          %get3A_410 = arith.constant 32 : index
          %get3A_411 = tpu.vector_load %arg10[%get3A_409, %get3A_410] {strides = array<i32>} : memref<320x128xf32, #tpu.memory_space<vmem>>, vector<1x16xf32>,
          %get3A_412 = vector.shape_cast %get3A_411 : vector<1x16xf32> to vector<16xf32>
          %get3A_413 = arith.index_cast %add3A_400 : i32 to index
          %get3A_414 = arith.constant 48 : index
          %get3A_415 = tpu.vector_load %arg10[%get3A_413, %get3A_414] {strides = array<i32>} : memref<320x128xf32, #tpu.memory_space<vmem>>, vector<1x16xf32>,
          %get3A_416 = vector.shape_cast %get3A_415 : vector<1x16xf32> to vector<16xf32>
          %get3A_417 = arith.index_cast %add3A_400 : i32 to index
          %get3A_418 = arith.constant 64 : index
          %get3A_419 = tpu.vector_load %arg10[%get3A_417, %get3A_418] {strides = array<i32>} : memref<320x128xf32, #tpu.memory_space<vmem>>, vector<1x16xf32>,
          %get3A_420 = vector.shape_cast %get3A_419 : vector<1x16xf32> to vector<16xf32>
          %get3A_421 = arith.index_cast %add3A_400 : i32 to index
          %get3A_422 = arith.constant 80 : index
          %get3A_423 = tpu.vector_load %arg10[%get3A_421, %get3A_422] {strides = array<i32>} : memref<320x128xf32, #tpu.memory_space<vmem>>, vector<1x16xf32>,
          %get3A_424 = vector.shape_cast %get3A_423 : vector<1x16xf32> to vector<16xf32>
          %get3A_425 = arith.index_cast %add3A_400 : i32 to index
          %get3A_426 = arith.constant 96 : index
          %get3A_427 = tpu.vector_load %arg10[%get3A_425, %get3A_426] {strides = array<i32>} : memref<320x128xf32, #tpu.memory_space<vmem>>, vector<1x16xf32>,
          %get3A_428 = vector.shape_cast %get3A_427 : vector<1x16xf32> to vector<16xf32>
          %get3A_429 = arith.index_cast %add3A_400 : i32 to index
          %get3A_430 = arith.constant 112 : index
          %get3A_431 = tpu.vector_load %arg10[%get3A_429, %get3A_430] {strides = array<i32>} : memref<320x128xf32, #tpu.memory_space<vmem>>, vector<1x16xf32>,
          %get3A_432 = vector.shape_cast %get3A_431 : vector<1x16xf32> to vector<16xf32>
          %slice3A_433 = vector.extract_strided_slice %get3A_214 {offsets = [2], sizes = [1], strides = [1]} : vector<16xf32> to vector<1xf32>
          %squeeze3A_434 = vector.extract %slice3A_433[0] : f32 from vector<1xf32>
          %mul3A_435 = vector.broadcast %squeeze3A_434 : f32 to vector<16xf32>
          %mul3A_436 = arith.mulf %get3A_404, %mul3A_435 : vector<16xf32>
          %swap3A_437 = arith.index_cast %add3A_400 : i32 to index
          %swap3A_438 = arith.constant 0 : index
          %swap3A_439 = tpu.vector_load %arg10[%swap3A_437, %swap3A_438] {strides = array<i32>} : memref<320x128xf32, #tpu.memory_space<vmem>>, vector<1x16xf32>,
          %swap3A_440 = vector.shape_cast %swap3A_439 : vector<1x16xf32> to vector<16xf32>
          %swap3A_441 = vector.shape_cast %mul3A_436 : vector<16xf32> to vector<1x16xf32>
          tpu.vector_store %arg10[%swap3A_437, %swap3A_438], %swap3A_441 {strides = array<i32>} : memref<320x128xf32, #tpu.memory_space<vmem>>, vector<1x16xf32>,
          %mul3A_442 = vector.broadcast %squeeze3A_434 : f32 to vector<16xf32>
          %mul3A_443 = arith.mulf %get3A_408, %mul3A_442 : vector<16xf32>
          %swap3A_444 = arith.index_cast %add3A_400 : i32 to index
          %swap3A_445 = arith.constant 16 : index
          %swap3A_446 = tpu.vector_load %arg10[%swap3A_444, %swap3A_445] {strides = array<i32>} : memref<320x128xf32, #tpu.memory_space<vmem>>, vector<1x16xf32>,
          %swap3A_447 = vector.shape_cast %swap3A_446 : vector<1x16xf32> to vector<16xf32>
          %swap3A_448 = vector.shape_cast %mul3A_443 : vector<16xf32> to vector<1x16xf32>
          tpu.vector_store %arg10[%swap3A_444, %swap3A_445], %swap3A_448 {strides = array<i32>} : memref<320x128xf32, #tpu.memory_space<vmem>>, vector<1x16xf32>,
          %mul3A_449 = vector.broadcast %squeeze3A_434 : f32 to vector<16xf32>
          %mul3A_450 = arith.mulf %get3A_412, %mul3A_449 : vector<16xf32>
          %swap3A_451 = arith.index_cast %add3A_400 : i32 to index
          %swap3A_452 = arith.constant 32 : index
          %swap3A_453 = tpu.vector_load %arg10[%swap3A_451, %swap3A_452] {strides = array<i32>} : memref<320x128xf32, #tpu.memory_space<vmem>>, vector<1x16xf32>,
          %swap3A_454 = vector.shape_cast %swap3A_453 : vector<1x16xf32> to vector<16xf32>
          %swap3A_455 = vector.shape_cast %mul3A_450 : vector<16xf32> to vector<1x16xf32>
          tpu.vector_store %arg10[%swap3A_451, %swap3A_452], %swap3A_455 {strides = array<i32>} : memref<320x128xf32, #tpu.memory_space<vmem>>, vector<1x16xf32>,
          %mul3A_456 = vector.broadcast %squeeze3A_434 : f32 to vector<16xf32>
          %mul3A_457 = arith.mulf %get3A_416, %mul3A_456 : vector<16xf32>
          %swap3A_458 = arith.index_cast %add3A_400 : i32 to index
          %swap3A_459 = arith.constant 48 : index
          %swap3A_460 = tpu.vector_load %arg10[%swap3A_458, %swap3A_459] {strides = array<i32>} : memref<320x128xf32, #tpu.memory_space<vmem>>, vector<1x16xf32>,
          %swap3A_461 = vector.shape_cast %swap3A_460 : vector<1x16xf32> to vector<16xf32>
          %swap3A_462 = vector.shape_cast %mul3A_457 : vector<16xf32> to vector<1x16xf32>
          tpu.vector_store %arg10[%swap3A_458, %swap3A_459], %swap3A_462 {strides = array<i32>} : memref<320x128xf32, #tpu.memory_space<vmem>>, vector<1x16xf32>,
          %mul3A_463 = vector.broadcast %squeeze3A_434 : f32 to vector<16xf32>
          %mul3A_464 = arith.mulf %get3A_420, %mul3A_463 : vector<16xf32>
          %swap3A_465 = arith.index_cast %add3A_400 : i32 to index
          %swap3A_466 = arith.constant 64 : index
          %swap3A_467 = tpu.vector_load %arg10[%swap3A_465, %swap3A_466] {strides = array<i32>} : memref<320x128xf32, #tpu.memory_space<vmem>>, vector<1x16xf32>,
          %swap3A_468 = vector.shape_cast %swap3A_467 : vector<1x16xf32> to vector<16xf32>
          %swap3A_469 = vector.shape_cast %mul3A_464 : vector<16xf32> to vector<1x16xf32>
          tpu.vector_store %arg10[%swap3A_465, %swap3A_466], %swap3A_469 {strides = array<i32>} : memref<320x128xf32, #tpu.memory_space<vmem>>, vector<1x16xf32>,
          %mul3A_470 = vector.broadcast %squeeze3A_434 : f32 to vector<16xf32>
          %mul3A_471 = arith.mulf %get3A_424, %mul3A_470 : vector<16xf32>
          %swap3A_472 = arith.index_cast %add3A_400 : i32 to index
          %swap3A_473 = arith.constant 80 : index
          %swap3A_474 = tpu.vector_load %arg10[%swap3A_472, %swap3A_473] {strides = array<i32>} : memref<320x128xf32, #tpu.memory_space<vmem>>, vector<1x16xf32>,
          %swap3A_475 = vector.shape_cast %swap3A_474 : vector<1x16xf32> to vector<16xf32>
          %swap3A_476 = vector.shape_cast %mul3A_471 : vector<16xf32> to vector<1x16xf32>
          tpu.vector_store %arg10[%swap3A_472, %swap3A_473], %swap3A_476 {strides = array<i32>} : memref<320x128xf32, #tpu.memory_space<vmem>>, vector<1x16xf32>,
          %mul3A_477 = vector.broadcast %squeeze3A_434 : f32 to vector<16xf32>
          %mul3A_478 = arith.mulf %get3A_428, %mul3A_477 : vector<16xf32>
          %swap3A_479 = arith.index_cast %add3A_400 : i32 to index
          %swap3A_480 = arith.constant 96 : index
          %swap3A_481 = tpu.vector_load %arg10[%swap3A_479, %swap3A_480] {strides = array<i32>} : memref<320x128xf32, #tpu.memory_space<vmem>>, vector<1x16xf32>,
          %swap3A_482 = vector.shape_cast %swap3A_481 : vector<1x16xf32> to vector<16xf32>
          %swap3A_483 = vector.shape_cast %mul3A_478 : vector<16xf32> to vector<1x16xf32>
          tpu.vector_store %arg10[%swap3A_479, %swap3A_480], %swap3A_483 {strides = array<i32>} : memref<320x128xf32, #tpu.memory_space<vmem>>, vector<1x16xf32>,
          %mul3A_484 = vector.broadcast %squeeze3A_434 : f32 to vector<16xf32>
          %mul3A_485 = arith.mulf %get3A_432, %mul3A_484 : vector<16xf32>
          %swap3A_486 = arith.index_cast %add3A_400 : i32 to index
          %swap3A_487 = arith.constant 112 : index
          %swap3A_488 = tpu.vector_load %arg10[%swap3A_486, %swap3A_487] {strides = array<i32>} : memref<320x128xf32, #tpu.memory_space<vmem>>, vector<1x16xf32>,
          %swap3A_489 = vector.shape_cast %swap3A_488 : vector<1x16xf32> to vector<16xf32>
          %swap3A_490 = vector.shape_cast %mul3A_485 : vector<16xf32> to vector<1x16xf32>
          tpu.vector_store %arg10[%swap3A_486, %swap3A_487], %swap3A_490 {strides = array<i32>} : memref<320x128xf32, #tpu.memory_space<vmem>>, vector<1x16xf32>,
          %add3A_491 = arith.constant 3 : i32
          %add3A_492 = arith.addi %add3A_217, %add3A_491 : i32
          %get3A_493 = arith.index_cast %add3A_492 : i32 to index
          %get3A_494 = arith.constant 0 : index
          %get3A_495 = tpu.vector_load %arg10[%get3A_493, %get3A_494] {strides = array<i32>} : memref<320x128xf32, #tpu.memory_space<vmem>>, vector<1x16xf32>,
          %get3A_496 = vector.shape_cast %get3A_495 : vector<1x16xf32> to vector<16xf32>
          %get3A_497 = arith.index_cast %add3A_492 : i32 to index
          %get3A_498 = arith.constant 16 : index
          %get3A_499 = tpu.vector_load %arg10[%get3A_497, %get3A_498] {strides = array<i32>} : memref<320x128xf32, #tpu.memory_space<vmem>>, vector<1x16xf32>,
          %get3A_500 = vector.shape_cast %get3A_499 : vector<1x16xf32> to vector<16xf32>
          %get3A_501 = arith.index_cast %add3A_492 : i32 to index
          %get3A_502 = arith.constant 32 : index
          %get3A_503 = tpu.vector_load %arg10[%get3A_501, %get3A_502] {strides = array<i32>} : memref<320x128xf32, #tpu.memory_space<vmem>>, vector<1x16xf32>,
          %get3A_504 = vector.shape_cast %get3A_503 : vector<1x16xf32> to vector<16xf32>
          %get3A_505 = arith.index_cast %add3A_492 : i32 to index
          %get3A_506 = arith.constant 48 : index
          %get3A_507 = tpu.vector_load %arg10[%get3A_505, %get3A_506] {strides = array<i32>} : memref<320x128xf32, #tpu.memory_space<vmem>>, vector<1x16xf32>,
          %get3A_508 = vector.shape_cast %get3A_507 : vector<1x16xf32> to vector<16xf32>
          %get3A_509 = arith.index_cast %add3A_492 : i32 to index
          %get3A_510 = arith.constant 64 : index
          %get3A_511 = tpu.vector_load %arg10[%get3A_509, %get3A_510] {strides = array<i32>} : memref<320x128xf32, #tpu.memory_space<vmem>>, vector<1x16xf32>,
          %get3A_512 = vector.shape_cast %get3A_511 : vector<1x16xf32> to vector<16xf32>
          %get3A_513 = arith.index_cast %add3A_492 : i32 to index
          %get3A_514 = arith.constant 80 : index
          %get3A_515 = tpu.vector_load %arg10[%get3A_513, %get3A_514] {strides = array<i32>} : memref<320x128xf32, #tpu.memory_space<vmem>>, vector<1x16xf32>,
          %get3A_516 = vector.shape_cast %get3A_515 : vector<1x16xf32> to vector<16xf32>
          %get3A_517 = arith.index_cast %add3A_492 : i32 to index
          %get3A_518 = arith.constant 96 : index
          %get3A_519 = tpu.vector_load %arg10[%get3A_517, %get3A_518] {strides = array<i32>} : memref<320x128xf32, #tpu.memory_space<vmem>>, vector<1x16xf32>,
          %get3A_520 = vector.shape_cast %get3A_519 : vector<1x16xf32> to vector<16xf32>
          %get3A_521 = arith.index_cast %add3A_492 : i32 to index
          %get3A_522 = arith.constant 112 : index
          %get3A_523 = tpu.vector_load %arg10[%get3A_521, %get3A_522] {strides = array<i32>} : memref<320x128xf32, #tpu.memory_space<vmem>>, vector<1x16xf32>,
          %get3A_524 = vector.shape_cast %get3A_523 : vector<1x16xf32> to vector<16xf32>
          %slice3A_525 = vector.extract_strided_slice %get3A_214 {offsets = [3], sizes = [1], strides = [1]} : vector<16xf32> to vector<1xf32>
          %squeeze3A_526 = vector.extract %slice3A_525[0] : f32 from vector<1xf32>
          %mul3A_527 = vector.broadcast %squeeze3A_526 : f32 to vector<16xf32>
          %mul3A_528 = arith.mulf %get3A_496, %mul3A_527 : vector<16xf32>
          %swap3A_529 = arith.index_cast %add3A_492 : i32 to index
          %swap3A_530 = arith.constant 0 : index
          %swap3A_531 = tpu.vector_load %arg10[%swap3A_529, %swap3A_530] {strides = array<i32>} : memref<320x128xf32, #tpu.memory_space<vmem>>, vector<1x16xf32>,
          %swap3A_532 = vector.shape_cast %swap3A_531 : vector<1x16xf32> to vector<16xf32>
          %swap3A_533 = vector.shape_cast %mul3A_528 : vector<16xf32> to vector<1x16xf32>
          tpu.vector_store %arg10[%swap3A_529, %swap3A_530], %swap3A_533 {strides = array<i32>} : memref<320x128xf32, #tpu.memory_space<vmem>>, vector<1x16xf32>,
          %mul3A_534 = vector.broadcast %squeeze3A_526 : f32 to vector<16xf32>
          %mul3A_535 = arith.mulf %get3A_500, %mul3A_534 : vector<16xf32>
          %swap3A_536 = arith.index_cast %add3A_492 : i32 to index
          %swap3A_537 = arith.constant 16 : index
          %swap3A_538 = tpu.vector_load %arg10[%swap3A_536, %swap3A_537] {strides = array<i32>} : memref<320x128xf32, #tpu.memory_space<vmem>>, vector<1x16xf32>,
          %swap3A_539 = vector.shape_cast %swap3A_538 : vector<1x16xf32> to vector<16xf32>
          %swap3A_540 = vector.shape_cast %mul3A_535 : vector<16xf32> to vector<1x16xf32>
          tpu.vector_store %arg10[%swap3A_536, %swap3A_537], %swap3A_540 {strides = array<i32>} : memref<320x128xf32, #tpu.memory_space<vmem>>, vector<1x16xf32>,
          %mul3A_541 = vector.broadcast %squeeze3A_526 : f32 to vector<16xf32>
          %mul3A_542 = arith.mulf %get3A_504, %mul3A_541 : vector<16xf32>
          %swap3A_543 = arith.index_cast %add3A_492 : i32 to index
          %swap3A_544 = arith.constant 32 : index
          %swap3A_545 = tpu.vector_load %arg10[%swap3A_543, %swap3A_544] {strides = array<i32>} : memref<320x128xf32, #tpu.memory_space<vmem>>, vector<1x16xf32>,
          %swap3A_546 = vector.shape_cast %swap3A_545 : vector<1x16xf32> to vector<16xf32>
          %swap3A_547 = vector.shape_cast %mul3A_542 : vector<16xf32> to vector<1x16xf32>
          tpu.vector_store %arg10[%swap3A_543, %swap3A_544], %swap3A_547 {strides = array<i32>} : memref<320x128xf32, #tpu.memory_space<vmem>>, vector<1x16xf32>,
          %mul3A_548 = vector.broadcast %squeeze3A_526 : f32 to vector<16xf32>
          %mul3A_549 = arith.mulf %get3A_508, %mul3A_548 : vector<16xf32>
          %swap3A_550 = arith.index_cast %add3A_492 : i32 to index
          %swap3A_551 = arith.constant 48 : index
          %swap3A_552 = tpu.vector_load %arg10[%swap3A_550, %swap3A_551] {strides = array<i32>} : memref<320x128xf32, #tpu.memory_space<vmem>>, vector<1x16xf32>,
          %swap3A_553 = vector.shape_cast %swap3A_552 : vector<1x16xf32> to vector<16xf32>
          %swap3A_554 = vector.shape_cast %mul3A_549 : vector<16xf32> to vector<1x16xf32>
          tpu.vector_store %arg10[%swap3A_550, %swap3A_551], %swap3A_554 {strides = array<i32>} : memref<320x128xf32, #tpu.memory_space<vmem>>, vector<1x16xf32>,
          %mul3A_555 = vector.broadcast %squeeze3A_526 : f32 to vector<16xf32>
          %mul3A_556 = arith.mulf %get3A_512, %mul3A_555 : vector<16xf32>
          %swap3A_557 = arith.index_cast %add3A_492 : i32 to index
          %swap3A_558 = arith.constant 64 : index
          %swap3A_559 = tpu.vector_load %arg10[%swap3A_557, %swap3A_558] {strides = array<i32>} : memref<320x128xf32, #tpu.memory_space<vmem>>, vector<1x16xf32>,
          %swap3A_560 = vector.shape_cast %swap3A_559 : vector<1x16xf32> to vector<16xf32>
          %swap3A_561 = vector.shape_cast %mul3A_556 : vector<16xf32> to vector<1x16xf32>
          tpu.vector_store %arg10[%swap3A_557, %swap3A_558], %swap3A_561 {strides = array<i32>} : memref<320x128xf32, #tpu.memory_space<vmem>>, vector<1x16xf32>,
          %mul3A_562 = vector.broadcast %squeeze3A_526 : f32 to vector<16xf32>
          %mul3A_563 = arith.mulf %get3A_516, %mul3A_562 : vector<16xf32>
          %swap3A_564 = arith.index_cast %add3A_492 : i32 to index
          %swap3A_565 = arith.constant 80 : index
          %swap3A_566 = tpu.vector_load %arg10[%swap3A_564, %swap3A_565] {strides = array<i32>} : memref<320x128xf32, #tpu.memory_space<vmem>>, vector<1x16xf32>,
          %swap3A_567 = vector.shape_cast %swap3A_566 : vector<1x16xf32> to vector<16xf32>
          %swap3A_568 = vector.shape_cast %mul3A_563 : vector<16xf32> to vector<1x16xf32>
          tpu.vector_store %arg10[%swap3A_564, %swap3A_565], %swap3A_568 {strides = array<i32>} : memref<320x128xf32, #tpu.memory_space<vmem>>, vector<1x16xf32>,
          %mul3A_569 = vector.broadcast %squeeze3A_526 : f32 to vector<16xf32>
          %mul3A_570 = arith.mulf %get3A_520, %mul3A_569 : vector<16xf32>
          %swap3A_571 = arith.index_cast %add3A_492 : i32 to index
          %swap3A_572 = arith.constant 96 : index
          %swap3A_573 = tpu.vector_load %arg10[%swap3A_571, %swap3A_572] {strides = array<i32>} : memref<320x128xf32, #tpu.memory_space<vmem>>, vector<1x16xf32>,
          %swap3A_574 = vector.shape_cast %swap3A_573 : vector<1x16xf32> to vector<16xf32>
          %swap3A_575 = vector.shape_cast %mul3A_570 : vector<16xf32> to vector<1x16xf32>
          tpu.vector_store %arg10[%swap3A_571, %swap3A_572], %swap3A_575 {strides = array<i32>} : memref<320x128xf32, #tpu.memory_space<vmem>>, vector<1x16xf32>,
          %mul3A_576 = vector.broadcast %squeeze3A_526 : f32 to vector<16xf32>
          %mul3A_577 = arith.mulf %get3A_524, %mul3A_576 : vector<16xf32>
          %swap3A_578 = arith.index_cast %add3A_492 : i32 to index
          %swap3A_579 = arith.constant 112 : index
          %swap3A_580 = tpu.vector_load %arg10[%swap3A_578, %swap3A_579] {strides = array<i32>} : memref<320x128xf32, #tpu.memory_space<vmem>>, vector<1x16xf32>,
          %swap3A_581 = vector.shape_cast %swap3A_580 : vector<1x16xf32> to vector<16xf32>
          %swap3A_582 = vector.shape_cast %mul3A_577 : vector<16xf32> to vector<1x16xf32>
          tpu.vector_store %arg10[%swap3A_578, %swap3A_579], %swap3A_582 {strides = array<i32>} : memref<320x128xf32, #tpu.memory_space<vmem>>, vector<1x16xf32>,
          %add3A_583 = arith.constant 4 : i32
          %add3A_584 = arith.addi %add3A_217, %add3A_583 : i32
          %get3A_585 = arith.index_cast %add3A_584 : i32 to index
          %get3A_586 = arith.constant 0 : index
          %get3A_587 = tpu.vector_load %arg10[%get3A_585, %get3A_586] {strides = array<i32>} : memref<320x128xf32, #tpu.memory_space<vmem>>, vector<1x16xf32>,
          %get3A_588 = vector.shape_cast %get3A_587 : vector<1x16xf32> to vector<16xf32>
          %get3A_589 = arith.index_cast %add3A_584 : i32 to index
          %get3A_590 = arith.constant 16 : index
          %get3A_591 = tpu.vector_load %arg10[%get3A_589, %get3A_590] {strides = array<i32>} : memref<320x128xf32, #tpu.memory_space<vmem>>, vector<1x16xf32>,
          %get3A_592 = vector.shape_cast %get3A_591 : vector<1x16xf32> to vector<16xf32>
          %get3A_593 = arith.index_cast %add3A_584 : i32 to index
          %get3A_594 = arith.constant 32 : index
          %get3A_595 = tpu.vector_load %arg10[%get3A_593, %get3A_594] {strides = array<i32>} : memref<320x128xf32, #tpu.memory_space<vmem>>, vector<1x16xf32>,
          %get3A_596 = vector.shape_cast %get3A_595 : vector<1x16xf32> to vector<16xf32>
          %get3A_597 = arith.index_cast %add3A_584 : i32 to index
          %get3A_598 = arith.constant 48 : index
          %get3A_599 = tpu.vector_load %arg10[%get3A_597, %get3A_598] {strides = array<i32>} : memref<320x128xf32, #tpu.memory_space<vmem>>, vector<1x16xf32>,
          %get3A_600 = vector.shape_cast %get3A_599 : vector<1x16xf32> to vector<16xf32>
          %get3A_601 = arith.index_cast %add3A_584 : i32 to index
          %get3A_602 = arith.constant 64 : index
          %get3A_603 = tpu.vector_load %arg10[%get3A_601, %get3A_602] {strides = array<i32>} : memref<320x128xf32, #tpu.memory_space<vmem>>, vector<1x16xf32>,
          %get3A_604 = vector.shape_cast %get3A_603 : vector<1x16xf32> to vector<16xf32>
          %get3A_605 = arith.index_cast %add3A_584 : i32 to index
          %get3A_606 = arith.constant 80 : index
          %get3A_607 = tpu.vector_load %arg10[%get3A_605, %get3A_606] {strides = array<i32>} : memref<320x128xf32, #tpu.memory_space<vmem>>, vector<1x16xf32>,
          %get3A_608 = vector.shape_cast %get3A_607 : vector<1x16xf32> to vector<16xf32>
          %get3A_609 = arith.index_cast %add3A_584 : i32 to index
          %get3A_610 = arith.constant 96 : index
          %get3A_611 = tpu.vector_load %arg10[%get3A_609, %get3A_610] {strides = array<i32>} : memref<320x128xf32, #tpu.memory_space<vmem>>, vector<1x16xf32>,
          %get3A_612 = vector.shape_cast %get3A_611 : vector<1x16xf32> to vector<16xf32>
          %get3A_613 = arith.index_cast %add3A_584 : i32 to index
          %get3A_614 = arith.constant 112 : index
          %get3A_615 = tpu.vector_load %arg10[%get3A_613, %get3A_614] {strides = array<i32>} : memref<320x128xf32, #tpu.memory_space<vmem>>, vector<1x16xf32>,
          %get3A_616 = vector.shape_cast %get3A_615 : vector<1x16xf32> to vector<16xf32>
          %slice3A_617 = vector.extract_strided_slice %get3A_214 {offsets = [4], sizes = [1], strides = [1]} : vector<16xf32> to vector<1xf32>
          %squeeze3A_618 = vector.extract %slice3A_617[0] : f32 from vector<1xf32>
          %mul3A_619 = vector.broadcast %squeeze3A_618 : f32 to vector<16xf32>
          %mul3A_620 = arith.mulf %get3A_588, %mul3A_619 : vector<16xf32>
          %swap3A_621 = arith.index_cast %add3A_584 : i32 to index
          %swap3A_622 = arith.constant 0 : index
          %swap3A_623 = tpu.vector_load %arg10[%swap3A_621, %swap3A_622] {strides = array<i32>} : memref<320x128xf32, #tpu.memory_space<vmem>>, vector<1x16xf32>,
          %swap3A_624 = vector.shape_cast %swap3A_623 : vector<1x16xf32> to vector<16xf32>
          %swap3A_625 = vector.shape_cast %mul3A_620 : vector<16xf32> to vector<1x16xf32>
          tpu.vector_store %arg10[%swap3A_621, %swap3A_622], %swap3A_625 {strides = array<i32>} : memref<320x128xf32, #tpu.memory_space<vmem>>, vector<1x16xf32>,
          %mul3A_626 = vector.broadcast %squeeze3A_618 : f32 to vector<16xf32>
          %mul3A_627 = arith.mulf %get3A_592, %mul3A_626 : vector<16xf32>
          %swap3A_628 = arith.index_cast %add3A_584 : i32 to index
          %swap3A_629 = arith.constant 16 : index
          %swap3A_630 = tpu.vector_load %arg10[%swap3A_628, %swap3A_629] {strides = array<i32>} : memref<320x128xf32, #tpu.memory_space<vmem>>, vector<1x16xf32>,
          %swap3A_631 = vector.shape_cast %swap3A_630 : vector<1x16xf32> to vector<16xf32>
          %swap3A_632 = vector.shape_cast %mul3A_627 : vector<16xf32> to vector<1x16xf32>
          tpu.vector_store %arg10[%swap3A_628, %swap3A_629], %swap3A_632 {strides = array<i32>} : memref<320x128xf32, #tpu.memory_space<vmem>>, vector<1x16xf32>,
          %mul3A_633 = vector.broadcast %squeeze3A_618 : f32 to vector<16xf32>
          %mul3A_634 = arith.mulf %get3A_596, %mul3A_633 : vector<16xf32>
          %swap3A_635 = arith.index_cast %add3A_584 : i32 to index
          %swap3A_636 = arith.constant 32 : index
          %swap3A_637 = tpu.vector_load %arg10[%swap3A_635, %swap3A_636] {strides = array<i32>} : memref<320x128xf32, #tpu.memory_space<vmem>>, vector<1x16xf32>,
          %swap3A_638 = vector.shape_cast %swap3A_637 : vector<1x16xf32> to vector<16xf32>
          %swap3A_639 = vector.shape_cast %mul3A_634 : vector<16xf32> to vector<1x16xf32>
          tpu.vector_store %arg10[%swap3A_635, %swap3A_636], %swap3A_639 {strides = array<i32>} : memref<320x128xf32, #tpu.memory_space<vmem>>, vector<1x16xf32>,
          %mul3A_640 = vector.broadcast %squeeze3A_618 : f32 to vector<16xf32>
          %mul3A_641 = arith.mulf %get3A_600, %mul3A_640 : vector<16xf32>
          %swap3A_642 = arith.index_cast %add3A_584 : i32 to index
          %swap3A_643 = arith.constant 48 : index
          %swap3A_644 = tpu.vector_load %arg10[%swap3A_642, %swap3A_643] {strides = array<i32>} : memref<320x128xf32, #tpu.memory_space<vmem>>, vector<1x16xf32>,
          %swap3A_645 = vector.shape_cast %swap3A_644 : vector<1x16xf32> to vector<16xf32>
          %swap3A_646 = vector.shape_cast %mul3A_641 : vector<16xf32> to vector<1x16xf32>
          tpu.vector_store %arg10[%swap3A_642, %swap3A_643], %swap3A_646 {strides = array<i32>} : memref<320x128xf32, #tpu.memory_space<vmem>>, vector<1x16xf32>,
          %mul3A_647 = vector.broadcast %squeeze3A_618 : f32 to vector<16xf32>
          %mul3A_648 = arith.mulf %get3A_604, %mul3A_647 : vector<16xf32>
          %swap3A_649 = arith.index_cast %add3A_584 : i32 to index
          %swap3A_650 = arith.constant 64 : index
          %swap3A_651 = tpu.vector_load %arg10[%swap3A_649, %swap3A_650] {strides = array<i32>} : memref<320x128xf32, #tpu.memory_space<vmem>>, vector<1x16xf32>,
          %swap3A_652 = vector.shape_cast %swap3A_651 : vector<1x16xf32> to vector<16xf32>
          %swap3A_653 = vector.shape_cast %mul3A_648 : vector<16xf32> to vector<1x16xf32>
          tpu.vector_store %arg10[%swap3A_649, %swap3A_650], %swap3A_653 {strides = array<i32>} : memref<320x128xf32, #tpu.memory_space<vmem>>, vector<1x16xf32>,
          %mul3A_654 = vector.broadcast %squeeze3A_618 : f32 to vector<16xf32>
          %mul3A_655 = arith.mulf %get3A_608, %mul3A_654 : vector<16xf32>
          %swap3A_656 = arith.index_cast %add3A_584 : i32 to index
          %swap3A_657 = arith.constant 80 : index
          %swap3A_658 = tpu.vector_load %arg10[%swap3A_656, %swap3A_657] {strides = array<i32>} : memref<320x128xf32, #tpu.memory_space<vmem>>, vector<1x16xf32>,
          %swap3A_659 = vector.shape_cast %swap3A_658 : vector<1x16xf32> to vector<16xf32>
          %swap3A_660 = vector.shape_cast %mul3A_655 : vector<16xf32> to vector<1x16xf32>
          tpu.vector_store %arg10[%swap3A_656, %swap3A_657], %swap3A_660 {strides = array<i32>} : memref<320x128xf32, #tpu.memory_space<vmem>>, vector<1x16xf32>,
          %mul3A_661 = vector.broadcast %squeeze3A_618 : f32 to vector<16xf32>
          %mul3A_662 = arith.mulf %get3A_612, %mul3A_661 : vector<16xf32>
          %swap3A_663 = arith.index_cast %add3A_584 : i32 to index
          %swap3A_664 = arith.constant 96 : index
          %swap3A_665 = tpu.vector_load %arg10[%swap3A_663, %swap3A_664] {strides = array<i32>} : memref<320x128xf32, #tpu.memory_space<vmem>>, vector<1x16xf32>,
          %swap3A_666 = vector.shape_cast %swap3A_665 : vector<1x16xf32> to vector<16xf32>
          %swap3A_667 = vector.shape_cast %mul3A_662 : vector<16xf32> to vector<1x16xf32>
          tpu.vector_store %arg10[%swap3A_663, %swap3A_664], %swap3A_667 {strides = array<i32>} : memref<320x128xf32, #tpu.memory_space<vmem>>, vector<1x16xf32>,
          %mul3A_668 = vector.broadcast %squeeze3A_618 : f32 to vector<16xf32>
          %mul3A_669 = arith.mulf %get3A_616, %mul3A_668 : vector<16xf32>
          %swap3A_670 = arith.index_cast %add3A_584 : i32 to index
          %swap3A_671 = arith.constant 112 : index
          %swap3A_672 = tpu.vector_load %arg10[%swap3A_670, %swap3A_671] {strides = array<i32>} : memref<320x128xf32, #tpu.memory_space<vmem>>, vector<1x16xf32>,
          %swap3A_673 = vector.shape_cast %swap3A_672 : vector<1x16xf32> to vector<16xf32>
          %swap3A_674 = vector.shape_cast %mul3A_669 : vector<16xf32> to vector<1x16xf32>
          tpu.vector_store %arg10[%swap3A_670, %swap3A_671], %swap3A_674 {strides = array<i32>} : memref<320x128xf32, #tpu.memory_space<vmem>>, vector<1x16xf32>,
          %add3A_675 = arith.constant 5 : i32
          %add3A_676 = arith.addi %add3A_217, %add3A_675 : i32
          %get3A_677 = arith.index_cast %add3A_676 : i32 to index
          %get3A_678 = arith.constant 0 : index
          %get3A_679 = tpu.vector_load %arg10[%get3A_677, %get3A_678] {strides = array<i32>} : memref<320x128xf32, #tpu.memory_space<vmem>>, vector<1x16xf32>,
          %get3A_680 = vector.shape_cast %get3A_679 : vector<1x16xf32> to vector<16xf32>
          %get3A_681 = arith.index_cast %add3A_676 : i32 to index
          %get3A_682 = arith.constant 16 : index
          %get3A_683 = tpu.vector_load %arg10[%get3A_681, %get3A_682] {strides = array<i32>} : memref<320x128xf32, #tpu.memory_space<vmem>>, vector<1x16xf32>,
          %get3A_684 = vector.shape_cast %get3A_683 : vector<1x16xf32> to vector<16xf32>
          %get3A_685 = arith.index_cast %add3A_676 : i32 to index
          %get3A_686 = arith.constant 32 : index
          %get3A_687 = tpu.vector_load %arg10[%get3A_685, %get3A_686] {strides = array<i32>} : memref<320x128xf32, #tpu.memory_space<vmem>>, vector<1x16xf32>,
          %get3A_688 = vector.shape_cast %get3A_687 : vector<1x16xf32> to vector<16xf32>
          %get3A_689 = arith.index_cast %add3A_676 : i32 to index
          %get3A_690 = arith.constant 48 : index
          %get3A_691 = tpu.vector_load %arg10[%get3A_689, %get3A_690] {strides = array<i32>} : memref<320x128xf32, #tpu.memory_space<vmem>>, vector<1x16xf32>,
          %get3A_692 = vector.shape_cast %get3A_691 : vector<1x16xf32> to vector<16xf32>
          %get3A_693 = arith.index_cast %add3A_676 : i32 to index
          %get3A_694 = arith.constant 64 : index
          %get3A_695 = tpu.vector_load %arg10[%get3A_693, %get3A_694] {strides = array<i32>} : memref<320x128xf32, #tpu.memory_space<vmem>>, vector<1x16xf32>,
          %get3A_696 = vector.shape_cast %get3A_695 : vector<1x16xf32> to vector<16xf32>
          %get3A_697 = arith.index_cast %add3A_676 : i32 to index
          %get3A_698 = arith.constant 80 : index
          %get3A_699 = tpu.vector_load %arg10[%get3A_697, %get3A_698] {strides = array<i32>} : memref<320x128xf32, #tpu.memory_space<vmem>>, vector<1x16xf32>,
          %get3A_700 = vector.shape_cast %get3A_699 : vector<1x16xf32> to vector<16xf32>
          %get3A_701 = arith.index_cast %add3A_676 : i32 to index
          %get3A_702 = arith.constant 96 : index
          %get3A_703 = tpu.vector_load %arg10[%get3A_701, %get3A_702] {strides = array<i32>} : memref<320x128xf32, #tpu.memory_space<vmem>>, vector<1x16xf32>,
          %get3A_704 = vector.shape_cast %get3A_703 : vector<1x16xf32> to vector<16xf32>
          %get3A_705 = arith.index_cast %add3A_676 : i32 to index
          %get3A_706 = arith.constant 112 : index
          %get3A_707 = tpu.vector_load %arg10[%get3A_705, %get3A_706] {strides = array<i32>} : memref<320x128xf32, #tpu.memory_space<vmem>>, vector<1x16xf32>,
          %get3A_708 = vector.shape_cast %get3A_707 : vector<1x16xf32> to vector<16xf32>
          %slice3A_709 = vector.extract_strided_slice %get3A_214 {offsets = [5], sizes = [1], strides = [1]} : vector<16xf32> to vector<1xf32>
          %squeeze3A_710 = vector.extract %slice3A_709[0] : f32 from vector<1xf32>
          %mul3A_711 = vector.broadcast %squeeze3A_710 : f32 to vector<16xf32>
          %mul3A_712 = arith.mulf %get3A_680, %mul3A_711 : vector<16xf32>
          %swap3A_713 = arith.index_cast %add3A_676 : i32 to index
          %swap3A_714 = arith.constant 0 : index
          %swap3A_715 = tpu.vector_load %arg10[%swap3A_713, %swap3A_714] {strides = array<i32>} : memref<320x128xf32, #tpu.memory_space<vmem>>, vector<1x16xf32>,
          %swap3A_716 = vector.shape_cast %swap3A_715 : vector<1x16xf32> to vector<16xf32>
          %swap3A_717 = vector.shape_cast %mul3A_712 : vector<16xf32> to vector<1x16xf32>
          tpu.vector_store %arg10[%swap3A_713, %swap3A_714], %swap3A_717 {strides = array<i32>} : memref<320x128xf32, #tpu.memory_space<vmem>>, vector<1x16xf32>,
          %mul3A_718 = vector.broadcast %squeeze3A_710 : f32 to vector<16xf32>
          %mul3A_719 = arith.mulf %get3A_684, %mul3A_718 : vector<16xf32>
          %swap3A_720 = arith.index_cast %add3A_676 : i32 to index
          %swap3A_721 = arith.constant 16 : index
          %swap3A_722 = tpu.vector_load %arg10[%swap3A_720, %swap3A_721] {strides = array<i32>} : memref<320x128xf32, #tpu.memory_space<vmem>>, vector<1x16xf32>,
          %swap3A_723 = vector.shape_cast %swap3A_722 : vector<1x16xf32> to vector<16xf32>
          %swap3A_724 = vector.shape_cast %mul3A_719 : vector<16xf32> to vector<1x16xf32>
          tpu.vector_store %arg10[%swap3A_720, %swap3A_721], %swap3A_724 {strides = array<i32>} : memref<320x128xf32, #tpu.memory_space<vmem>>, vector<1x16xf32>,
          %mul3A_725 = vector.broadcast %squeeze3A_710 : f32 to vector<16xf32>
          %mul3A_726 = arith.mulf %get3A_688, %mul3A_725 : vector<16xf32>
          %swap3A_727 = arith.index_cast %add3A_676 : i32 to index
          %swap3A_728 = arith.constant 32 : index
          %swap3A_729 = tpu.vector_load %arg10[%swap3A_727, %swap3A_728] {strides = array<i32>} : memref<320x128xf32, #tpu.memory_space<vmem>>, vector<1x16xf32>,
          %swap3A_730 = vector.shape_cast %swap3A_729 : vector<1x16xf32> to vector<16xf32>
          %swap3A_731 = vector.shape_cast %mul3A_726 : vector<16xf32> to vector<1x16xf32>
          tpu.vector_store %arg10[%swap3A_727, %swap3A_728], %swap3A_731 {strides = array<i32>} : memref<320x128xf32, #tpu.memory_space<vmem>>, vector<1x16xf32>,
          %mul3A_732 = vector.broadcast %squeeze3A_710 : f32 to vector<16xf32>
          %mul3A_733 = arith.mulf %get3A_692, %mul3A_732 : vector<16xf32>
          %swap3A_734 = arith.index_cast %add3A_676 : i32 to index
          %swap3A_735 = arith.constant 48 : index
          %swap3A_736 = tpu.vector_load %arg10[%swap3A_734, %swap3A_735] {strides = array<i32>} : memref<320x128xf32, #tpu.memory_space<vmem>>, vector<1x16xf32>,
          %swap3A_737 = vector.shape_cast %swap3A_736 : vector<1x16xf32> to vector<16xf32>
          %swap3A_738 = vector.shape_cast %mul3A_733 : vector<16xf32> to vector<1x16xf32>
          tpu.vector_store %arg10[%swap3A_734, %swap3A_735], %swap3A_738 {strides = array<i32>} : memref<320x128xf32, #tpu.memory_space<vmem>>, vector<1x16xf32>,
          %mul3A_739 = vector.broadcast %squeeze3A_710 : f32 to vector<16xf32>
          %mul3A_740 = arith.mulf %get3A_696, %mul3A_739 : vector<16xf32>
          %swap3A_741 = arith.index_cast %add3A_676 : i32 to index
          %swap3A_742 = arith.constant 64 : index
          %swap3A_743 = tpu.vector_load %arg10[%swap3A_741, %swap3A_742] {strides = array<i32>} : memref<320x128xf32, #tpu.memory_space<vmem>>, vector<1x16xf32>,
          %swap3A_744 = vector.shape_cast %swap3A_743 : vector<1x16xf32> to vector<16xf32>
          %swap3A_745 = vector.shape_cast %mul3A_740 : vector<16xf32> to vector<1x16xf32>
          tpu.vector_store %arg10[%swap3A_741, %swap3A_742], %swap3A_745 {strides = array<i32>} : memref<320x128xf32, #tpu.memory_space<vmem>>, vector<1x16xf32>,
          %mul3A_746 = vector.broadcast %squeeze3A_710 : f32 to vector<16xf32>
          %mul3A_747 = arith.mulf %get3A_700, %mul3A_746 : vector<16xf32>
          %swap3A_748 = arith.index_cast %add3A_676 : i32 to index
          %swap3A_749 = arith.constant 80 : index
          %swap3A_750 = tpu.vector_load %arg10[%swap3A_748, %swap3A_749] {strides = array<i32>} : memref<320x128xf32, #tpu.memory_space<vmem>>, vector<1x16xf32>,
          %swap3A_751 = vector.shape_cast %swap3A_750 : vector<1x16xf32> to vector<16xf32>
          %swap3A_752 = vector.shape_cast %mul3A_747 : vector<16xf32> to vector<1x16xf32>
          tpu.vector_store %arg10[%swap3A_748, %swap3A_749], %swap3A_752 {strides = array<i32>} : memref<320x128xf32, #tpu.memory_space<vmem>>, vector<1x16xf32>,
          %mul3A_753 = vector.broadcast %squeeze3A_710 : f32 to vector<16xf32>
          %mul3A_754 = arith.mulf %get3A_704, %mul3A_753 : vector<16xf32>
          %swap3A_755 = arith.index_cast %add3A_676 : i32 to index
          %swap3A_756 = arith.constant 96 : index
          %swap3A_757 = tpu.vector_load %arg10[%swap3A_755, %swap3A_756] {strides = array<i32>} : memref<320x128xf32, #tpu.memory_space<vmem>>, vector<1x16xf32>,
          %swap3A_758 = vector.shape_cast %swap3A_757 : vector<1x16xf32> to vector<16xf32>
          %swap3A_759 = vector.shape_cast %mul3A_754 : vector<16xf32> to vector<1x16xf32>
          tpu.vector_store %arg10[%swap3A_755, %swap3A_756], %swap3A_759 {strides = array<i32>} : memref<320x128xf32, #tpu.memory_space<vmem>>, vector<1x16xf32>,
          %mul3A_760 = vector.broadcast %squeeze3A_710 : f32 to vector<16xf32>
          %mul3A_761 = arith.mulf %get3A_708, %mul3A_760 : vector<16xf32>
          %swap3A_762 = arith.index_cast %add3A_676 : i32 to index
          %swap3A_763 = arith.constant 112 : index
          %swap3A_764 = tpu.vector_load %arg10[%swap3A_762, %swap3A_763] {strides = array<i32>} : memref<320x128xf32, #tpu.memory_space<vmem>>, vector<1x16xf32>,
          %swap3A_765 = vector.shape_cast %swap3A_764 : vector<1x16xf32> to vector<16xf32>
          %swap3A_766 = vector.shape_cast %mul3A_761 : vector<16xf32> to vector<1x16xf32>
          tpu.vector_store %arg10[%swap3A_762, %swap3A_763], %swap3A_766 {strides = array<i32>} : memref<320x128xf32, #tpu.memory_space<vmem>>, vector<1x16xf32>,
          %add3A_767 = arith.constant 6 : i32
          %add3A_768 = arith.addi %add3A_217, %add3A_767 : i32
          %get3A_769 = arith.index_cast %add3A_768 : i32 to index
          %get3A_770 = arith.constant 0 : index
          %get3A_771 = tpu.vector_load %arg10[%get3A_769, %get3A_770] {strides = array<i32>} : memref<320x128xf32, #tpu.memory_space<vmem>>, vector<1x16xf32>,
          %get3A_772 = vector.shape_cast %get3A_771 : vector<1x16xf32> to vector<16xf32>
          %get3A_773 = arith.index_cast %add3A_768 : i32 to index
          %get3A_774 = arith.constant 16 : index
          %get3A_775 = tpu.vector_load %arg10[%get3A_773, %get3A_774] {strides = array<i32>} : memref<320x128xf32, #tpu.memory_space<vmem>>, vector<1x16xf32>,
          %get3A_776 = vector.shape_cast %get3A_775 : vector<1x16xf32> to vector<16xf32>
          %get3A_777 = arith.index_cast %add3A_768 : i32 to index
          %get3A_778 = arith.constant 32 : index
          %get3A_779 = tpu.vector_load %arg10[%get3A_777, %get3A_778] {strides = array<i32>} : memref<320x128xf32, #tpu.memory_space<vmem>>, vector<1x16xf32>,
          %get3A_780 = vector.shape_cast %get3A_779 : vector<1x16xf32> to vector<16xf32>
          %get3A_781 = arith.index_cast %add3A_768 : i32 to index
          %get3A_782 = arith.constant 48 : index
          %get3A_783 = tpu.vector_load %arg10[%get3A_781, %get3A_782] {strides = array<i32>} : memref<320x128xf32, #tpu.memory_space<vmem>>, vector<1x16xf32>,
          %get3A_784 = vector.shape_cast %get3A_783 : vector<1x16xf32> to vector<16xf32>
          %get3A_785 = arith.index_cast %add3A_768 : i32 to index
          %get3A_786 = arith.constant 64 : index
          %get3A_787 = tpu.vector_load %arg10[%get3A_785, %get3A_786] {strides = array<i32>} : memref<320x128xf32, #tpu.memory_space<vmem>>, vector<1x16xf32>,
          %get3A_788 = vector.shape_cast %get3A_787 : vector<1x16xf32> to vector<16xf32>
          %get3A_789 = arith.index_cast %add3A_768 : i32 to index
          %get3A_790 = arith.constant 80 : index
          %get3A_791 = tpu.vector_load %arg10[%get3A_789, %get3A_790] {strides = array<i32>} : memref<320x128xf32, #tpu.memory_space<vmem>>, vector<1x16xf32>,
          %get3A_792 = vector.shape_cast %get3A_791 : vector<1x16xf32> to vector<16xf32>
          %get3A_793 = arith.index_cast %add3A_768 : i32 to index
          %get3A_794 = arith.constant 96 : index
          %get3A_795 = tpu.vector_load %arg10[%get3A_793, %get3A_794] {strides = array<i32>} : memref<320x128xf32, #tpu.memory_space<vmem>>, vector<1x16xf32>,
          %get3A_796 = vector.shape_cast %get3A_795 : vector<1x16xf32> to vector<16xf32>
          %get3A_797 = arith.index_cast %add3A_768 : i32 to index
          %get3A_798 = arith.constant 112 : index
          %get3A_799 = tpu.vector_load %arg10[%get3A_797, %get3A_798] {strides = array<i32>} : memref<320x128xf32, #tpu.memory_space<vmem>>, vector<1x16xf32>,
          %get3A_800 = vector.shape_cast %get3A_799 : vector<1x16xf32> to vector<16xf32>
          %slice3A_801 = vector.extract_strided_slice %get3A_214 {offsets = [6], sizes = [1], strides = [1]} : vector<16xf32> to vector<1xf32>
          %squeeze3A_802 = vector.extract %slice3A_801[0] : f32 from vector<1xf32>
          %mul3A_803 = vector.broadcast %squeeze3A_802 : f32 to vector<16xf32>
          %mul3A_804 = arith.mulf %get3A_772, %mul3A_803 : vector<16xf32>
          %swap3A_805 = arith.index_cast %add3A_768 : i32 to index
          %swap3A_806 = arith.constant 0 : index
          %swap3A_807 = tpu.vector_load %arg10[%swap3A_805, %swap3A_806] {strides = array<i32>} : memref<320x128xf32, #tpu.memory_space<vmem>>, vector<1x16xf32>,
          %swap3A_808 = vector.shape_cast %swap3A_807 : vector<1x16xf32> to vector<16xf32>
          %swap3A_809 = vector.shape_cast %mul3A_804 : vector<16xf32> to vector<1x16xf32>
          tpu.vector_store %arg10[%swap3A_805, %swap3A_806], %swap3A_809 {strides = array<i32>} : memref<320x128xf32, #tpu.memory_space<vmem>>, vector<1x16xf32>,
          %mul3A_810 = vector.broadcast %squeeze3A_802 : f32 to vector<16xf32>
          %mul3A_811 = arith.mulf %get3A_776, %mul3A_810 : vector<16xf32>
          %swap3A_812 = arith.index_cast %add3A_768 : i32 to index
          %swap3A_813 = arith.constant 16 : index
          %swap3A_814 = tpu.vector_load %arg10[%swap3A_812, %swap3A_813] {strides = array<i32>} : memref<320x128xf32, #tpu.memory_space<vmem>>, vector<1x16xf32>,
          %swap3A_815 = vector.shape_cast %swap3A_814 : vector<1x16xf32> to vector<16xf32>
          %swap3A_816 = vector.shape_cast %mul3A_811 : vector<16xf32> to vector<1x16xf32>
          tpu.vector_store %arg10[%swap3A_812, %swap3A_813], %swap3A_816 {strides = array<i32>} : memref<320x128xf32, #tpu.memory_space<vmem>>, vector<1x16xf32>,
          %mul3A_817 = vector.broadcast %squeeze3A_802 : f32 to vector<16xf32>
          %mul3A_818 = arith.mulf %get3A_780, %mul3A_817 : vector<16xf32>
          %swap3A_819 = arith.index_cast %add3A_768 : i32 to index
          %swap3A_820 = arith.constant 32 : index
          %swap3A_821 = tpu.vector_load %arg10[%swap3A_819, %swap3A_820] {strides = array<i32>} : memref<320x128xf32, #tpu.memory_space<vmem>>, vector<1x16xf32>,
          %swap3A_822 = vector.shape_cast %swap3A_821 : vector<1x16xf32> to vector<16xf32>
          %swap3A_823 = vector.shape_cast %mul3A_818 : vector<16xf32> to vector<1x16xf32>
          tpu.vector_store %arg10[%swap3A_819, %swap3A_820], %swap3A_823 {strides = array<i32>} : memref<320x128xf32, #tpu.memory_space<vmem>>, vector<1x16xf32>,
          %mul3A_824 = vector.broadcast %squeeze3A_802 : f32 to vector<16xf32>
          %mul3A_825 = arith.mulf %get3A_784, %mul3A_824 : vector<16xf32>
          %swap3A_826 = arith.index_cast %add3A_768 : i32 to index
          %swap3A_827 = arith.constant 48 : index
          %swap3A_828 = tpu.vector_load %arg10[%swap3A_826, %swap3A_827] {strides = array<i32>} : memref<320x128xf32, #tpu.memory_space<vmem>>, vector<1x16xf32>,
          %swap3A_829 = vector.shape_cast %swap3A_828 : vector<1x16xf32> to vector<16xf32>
          %swap3A_830 = vector.shape_cast %mul3A_825 : vector<16xf32> to vector<1x16xf32>
          tpu.vector_store %arg10[%swap3A_826, %swap3A_827], %swap3A_830 {strides = array<i32>} : memref<320x128xf32, #tpu.memory_space<vmem>>, vector<1x16xf32>,
          %mul3A_831 = vector.broadcast %squeeze3A_802 : f32 to vector<16xf32>
          %mul3A_832 = arith.mulf %get3A_788, %mul3A_831 : vector<16xf32>
          %swap3A_833 = arith.index_cast %add3A_768 : i32 to index
          %swap3A_834 = arith.constant 64 : index
          %swap3A_835 = tpu.vector_load %arg10[%swap3A_833, %swap3A_834] {strides = array<i32>} : memref<320x128xf32, #tpu.memory_space<vmem>>, vector<1x16xf32>,
          %swap3A_836 = vector.shape_cast %swap3A_835 : vector<1x16xf32> to vector<16xf32>
          %swap3A_837 = vector.shape_cast %mul3A_832 : vector<16xf32> to vector<1x16xf32>
          tpu.vector_store %arg10[%swap3A_833, %swap3A_834], %swap3A_837 {strides = array<i32>} : memref<320x128xf32, #tpu.memory_space<vmem>>, vector<1x16xf32>,
          %mul3A_838 = vector.broadcast %squeeze3A_802 : f32 to vector<16xf32>
          %mul3A_839 = arith.mulf %get3A_792, %mul3A_838 : vector<16xf32>
          %swap3A_840 = arith.index_cast %add3A_768 : i32 to index
          %swap3A_841 = arith.constant 80 : index
          %swap3A_842 = tpu.vector_load %arg10[%swap3A_840, %swap3A_841] {strides = array<i32>} : memref<320x128xf32, #tpu.memory_space<vmem>>, vector<1x16xf32>,
          %swap3A_843 = vector.shape_cast %swap3A_842 : vector<1x16xf32> to vector<16xf32>
          %swap3A_844 = vector.shape_cast %mul3A_839 : vector<16xf32> to vector<1x16xf32>
          tpu.vector_store %arg10[%swap3A_840, %swap3A_841], %swap3A_844 {strides = array<i32>} : memref<320x128xf32, #tpu.memory_space<vmem>>, vector<1x16xf32>,
          %mul3A_845 = vector.broadcast %squeeze3A_802 : f32 to vector<16xf32>
          %mul3A_846 = arith.mulf %get3A_796, %mul3A_845 : vector<16xf32>
          %swap3A_847 = arith.index_cast %add3A_768 : i32 to index
          %swap3A_848 = arith.constant 96 : index
          %swap3A_849 = tpu.vector_load %arg10[%swap3A_847, %swap3A_848] {strides = array<i32>} : memref<320x128xf32, #tpu.memory_space<vmem>>, vector<1x16xf32>,
          %swap3A_850 = vector.shape_cast %swap3A_849 : vector<1x16xf32> to vector<16xf32>
          %swap3A_851 = vector.shape_cast %mul3A_846 : vector<16xf32> to vector<1x16xf32>
          tpu.vector_store %arg10[%swap3A_847, %swap3A_848], %swap3A_851 {strides = array<i32>} : memref<320x128xf32, #tpu.memory_space<vmem>>, vector<1x16xf32>,
          %mul3A_852 = vector.broadcast %squeeze3A_802 : f32 to vector<16xf32>
          %mul3A_853 = arith.mulf %get3A_800, %mul3A_852 : vector<16xf32>
          %swap3A_854 = arith.index_cast %add3A_768 : i32 to index
          %swap3A_855 = arith.constant 112 : index
          %swap3A_856 = tpu.vector_load %arg10[%swap3A_854, %swap3A_855] {strides = array<i32>} : memref<320x128xf32, #tpu.memory_space<vmem>>, vector<1x16xf32>,
          %swap3A_857 = vector.shape_cast %swap3A_856 : vector<1x16xf32> to vector<16xf32>
          %swap3A_858 = vector.shape_cast %mul3A_853 : vector<16xf32> to vector<1x16xf32>
          tpu.vector_store %arg10[%swap3A_854, %swap3A_855], %swap3A_858 {strides = array<i32>} : memref<320x128xf32, #tpu.memory_space<vmem>>, vector<1x16xf32>,
          %add3A_859 = arith.constant 7 : i32
          %add3A_860 = arith.addi %add3A_217, %add3A_859 : i32
          %get3A_861 = arith.index_cast %add3A_860 : i32 to index
          %get3A_862 = arith.constant 0 : index
          %get3A_863 = tpu.vector_load %arg10[%get3A_861, %get3A_862] {strides = array<i32>} : memref<320x128xf32, #tpu.memory_space<vmem>>, vector<1x16xf32>,
          %get3A_864 = vector.shape_cast %get3A_863 : vector<1x16xf32> to vector<16xf32>
          %get3A_865 = arith.index_cast %add3A_860 : i32 to index
          %get3A_866 = arith.constant 16 : index
          %get3A_867 = tpu.vector_load %arg10[%get3A_865, %get3A_866] {strides = array<i32>} : memref<320x128xf32, #tpu.memory_space<vmem>>, vector<1x16xf32>,
          %get3A_868 = vector.shape_cast %get3A_867 : vector<1x16xf32> to vector<16xf32>
          %get3A_869 = arith.index_cast %add3A_860 : i32 to index
          %get3A_870 = arith.constant 32 : index
          %get3A_871 = tpu.vector_load %arg10[%get3A_869, %get3A_870] {strides = array<i32>} : memref<320x128xf32, #tpu.memory_space<vmem>>, vector<1x16xf32>,
          %get3A_872 = vector.shape_cast %get3A_871 : vector<1x16xf32> to vector<16xf32>
          %get3A_873 = arith.index_cast %add3A_860 : i32 to index
          %get3A_874 = arith.constant 48 : index
          %get3A_875 = tpu.vector_load %arg10[%get3A_873, %get3A_874] {strides = array<i32>} : memref<320x128xf32, #tpu.memory_space<vmem>>, vector<1x16xf32>,
          %get3A_876 = vector.shape_cast %get3A_875 : vector<1x16xf32> to vector<16xf32>
          %get3A_877 = arith.index_cast %add3A_860 : i32 to index
          %get3A_878 = arith.constant 64 : index
          %get3A_879 = tpu.vector_load %arg10[%get3A_877, %get3A_878] {strides = array<i32>} : memref<320x128xf32, #tpu.memory_space<vmem>>, vector<1x16xf32>,
          %get3A_880 = vector.shape_cast %get3A_879 : vector<1x16xf32> to vector<16xf32>
          %get3A_881 = arith.index_cast %add3A_860 : i32 to index
          %get3A_882 = arith.constant 80 : index
          %get3A_883 = tpu.vector_load %arg10[%get3A_881, %get3A_882] {strides = array<i32>} : memref<320x128xf32, #tpu.memory_space<vmem>>, vector<1x16xf32>,
          %get3A_884 = vector.shape_cast %get3A_883 : vector<1x16xf32> to vector<16xf32>
          %get3A_885 = arith.index_cast %add3A_860 : i32 to index
          %get3A_886 = arith.constant 96 : index
          %get3A_887 = tpu.vector_load %arg10[%get3A_885, %get3A_886] {strides = array<i32>} : memref<320x128xf32, #tpu.memory_space<vmem>>, vector<1x16xf32>,
          %get3A_888 = vector.shape_cast %get3A_887 : vector<1x16xf32> to vector<16xf32>
          %get3A_889 = arith.index_cast %add3A_860 : i32 to index
          %get3A_890 = arith.constant 112 : index
          %get3A_891 = tpu.vector_load %arg10[%get3A_889, %get3A_890] {strides = array<i32>} : memref<320x128xf32, #tpu.memory_space<vmem>>, vector<1x16xf32>,
          %get3A_892 = vector.shape_cast %get3A_891 : vector<1x16xf32> to vector<16xf32>
          %slice3A_893 = vector.extract_strided_slice %get3A_214 {offsets = [7], sizes = [1], strides = [1]} : vector<16xf32> to vector<1xf32>
          %squeeze3A_894 = vector.extract %slice3A_893[0] : f32 from vector<1xf32>
          %mul3A_895 = vector.broadcast %squeeze3A_894 : f32 to vector<16xf32>
          %mul3A_896 = arith.mulf %get3A_864, %mul3A_895 : vector<16xf32>
          %swap3A_897 = arith.index_cast %add3A_860 : i32 to index
          %swap3A_898 = arith.constant 0 : index
          %swap3A_899 = tpu.vector_load %arg10[%swap3A_897, %swap3A_898] {strides = array<i32>} : memref<320x128xf32, #tpu.memory_space<vmem>>, vector<1x16xf32>,
          %swap3A_900 = vector.shape_cast %swap3A_899 : vector<1x16xf32> to vector<16xf32>
          %swap3A_901 = vector.shape_cast %mul3A_896 : vector<16xf32> to vector<1x16xf32>
          tpu.vector_store %arg10[%swap3A_897, %swap3A_898], %swap3A_901 {strides = array<i32>} : memref<320x128xf32, #tpu.memory_space<vmem>>, vector<1x16xf32>,
          %mul3A_902 = vector.broadcast %squeeze3A_894 : f32 to vector<16xf32>
          %mul3A_903 = arith.mulf %get3A_868, %mul3A_902 : vector<16xf32>
          %swap3A_904 = arith.index_cast %add3A_860 : i32 to index
          %swap3A_905 = arith.constant 16 : index
          %swap3A_906 = tpu.vector_load %arg10[%swap3A_904, %swap3A_905] {strides = array<i32>} : memref<320x128xf32, #tpu.memory_space<vmem>>, vector<1x16xf32>,
          %swap3A_907 = vector.shape_cast %swap3A_906 : vector<1x16xf32> to vector<16xf32>
          %swap3A_908 = vector.shape_cast %mul3A_903 : vector<16xf32> to vector<1x16xf32>
          tpu.vector_store %arg10[%swap3A_904, %swap3A_905], %swap3A_908 {strides = array<i32>} : memref<320x128xf32, #tpu.memory_space<vmem>>, vector<1x16xf32>,
          %mul3A_909 = vector.broadcast %squeeze3A_894 : f32 to vector<16xf32>
          %mul3A_910 = arith.mulf %get3A_872, %mul3A_909 : vector<16xf32>
          %swap3A_911 = arith.index_cast %add3A_860 : i32 to index
          %swap3A_912 = arith.constant 32 : index
          %swap3A_913 = tpu.vector_load %arg10[%swap3A_911, %swap3A_912] {strides = array<i32>} : memref<320x128xf32, #tpu.memory_space<vmem>>, vector<1x16xf32>,
          %swap3A_914 = vector.shape_cast %swap3A_913 : vector<1x16xf32> to vector<16xf32>
          %swap3A_915 = vector.shape_cast %mul3A_910 : vector<16xf32> to vector<1x16xf32>
          tpu.vector_store %arg10[%swap3A_911, %swap3A_912], %swap3A_915 {strides = array<i32>} : memref<320x128xf32, #tpu.memory_space<vmem>>, vector<1x16xf32>,
          %mul3A_916 = vector.broadcast %squeeze3A_894 : f32 to vector<16xf32>
          %mul3A_917 = arith.mulf %get3A_876, %mul3A_916 : vector<16xf32>
          %swap3A_918 = arith.index_cast %add3A_860 : i32 to index
          %swap3A_919 = arith.constant 48 : index
          %swap3A_920 = tpu.vector_load %arg10[%swap3A_918, %swap3A_919] {strides = array<i32>} : memref<320x128xf32, #tpu.memory_space<vmem>>, vector<1x16xf32>,
          %swap3A_921 = vector.shape_cast %swap3A_920 : vector<1x16xf32> to vector<16xf32>
          %swap3A_922 = vector.shape_cast %mul3A_917 : vector<16xf32> to vector<1x16xf32>
          tpu.vector_store %arg10[%swap3A_918, %swap3A_919], %swap3A_922 {strides = array<i32>} : memref<320x128xf32, #tpu.memory_space<vmem>>, vector<1x16xf32>,
          %mul3A_923 = vector.broadcast %squeeze3A_894 : f32 to vector<16xf32>
          %mul3A_924 = arith.mulf %get3A_880, %mul3A_923 : vector<16xf32>
          %swap3A_925 = arith.index_cast %add3A_860 : i32 to index
          %swap3A_926 = arith.constant 64 : index
          %swap3A_927 = tpu.vector_load %arg10[%swap3A_925, %swap3A_926] {strides = array<i32>} : memref<320x128xf32, #tpu.memory_space<vmem>>, vector<1x16xf32>,
          %swap3A_928 = vector.shape_cast %swap3A_927 : vector<1x16xf32> to vector<16xf32>
          %swap3A_929 = vector.shape_cast %mul3A_924 : vector<16xf32> to vector<1x16xf32>
          tpu.vector_store %arg10[%swap3A_925, %swap3A_926], %swap3A_929 {strides = array<i32>} : memref<320x128xf32, #tpu.memory_space<vmem>>, vector<1x16xf32>,
          %mul3A_930 = vector.broadcast %squeeze3A_894 : f32 to vector<16xf32>
          %mul3A_931 = arith.mulf %get3A_884, %mul3A_930 : vector<16xf32>
          %swap3A_932 = arith.index_cast %add3A_860 : i32 to index
          %swap3A_933 = arith.constant 80 : index
          %swap3A_934 = tpu.vector_load %arg10[%swap3A_932, %swap3A_933] {strides = array<i32>} : memref<320x128xf32, #tpu.memory_space<vmem>>, vector<1x16xf32>,
          %swap3A_935 = vector.shape_cast %swap3A_934 : vector<1x16xf32> to vector<16xf32>
          %swap3A_936 = vector.shape_cast %mul3A_931 : vector<16xf32> to vector<1x16xf32>
          tpu.vector_store %arg10[%swap3A_932, %swap3A_933], %swap3A_936 {strides = array<i32>} : memref<320x128xf32, #tpu.memory_space<vmem>>, vector<1x16xf32>,
          %mul3A_937 = vector.broadcast %squeeze3A_894 : f32 to vector<16xf32>
          %mul3A_938 = arith.mulf %get3A_888, %mul3A_937 : vector<16xf32>
          %swap3A_939 = arith.index_cast %add3A_860 : i32 to index
          %swap3A_940 = arith.constant 96 : index
          %swap3A_941 = tpu.vector_load %arg10[%swap3A_939, %swap3A_940] {strides = array<i32>} : memref<320x128xf32, #tpu.memory_space<vmem>>, vector<1x16xf32>,
          %swap3A_942 = vector.shape_cast %swap3A_941 : vector<1x16xf32> to vector<16xf32>
          %swap3A_943 = vector.shape_cast %mul3A_938 : vector<16xf32> to vector<1x16xf32>
          tpu.vector_store %arg10[%swap3A_939, %swap3A_940], %swap3A_943 {strides = array<i32>} : memref<320x128xf32, #tpu.memory_space<vmem>>, vector<1x16xf32>,
          %mul3A_944 = vector.broadcast %squeeze3A_894 : f32 to vector<16xf32>
          %mul3A_945 = arith.mulf %get3A_892, %mul3A_944 : vector<16xf32>
          %swap3A_946 = arith.index_cast %add3A_860 : i32 to index
          %swap3A_947 = arith.constant 112 : index
          %swap3A_948 = tpu.vector_load %arg10[%swap3A_946, %swap3A_947] {strides = array<i32>} : memref<320x128xf32, #tpu.memory_space<vmem>>, vector<1x16xf32>,
          %swap3A_949 = vector.shape_cast %swap3A_948 : vector<1x16xf32> to vector<16xf32>
          %swap3A_950 = vector.shape_cast %mul3A_945 : vector<16xf32> to vector<1x16xf32>
          tpu.vector_store %arg10[%swap3A_946, %swap3A_947], %swap3A_950 {strides = array<i32>} : memref<320x128xf32, #tpu.memory_space<vmem>>, vector<1x16xf32>,
          %add3A_951 = arith.constant 8 : i32
          %add3A_952 = arith.addi %add3A_217, %add3A_951 : i32
          %get3A_953 = arith.index_cast %add3A_952 : i32 to index
          %get3A_954 = arith.constant 0 : index
          %get3A_955 = tpu.vector_load %arg10[%get3A_953, %get3A_954] {strides = array<i32>} : memref<320x128xf32, #tpu.memory_space<vmem>>, vector<1x16xf32>,
          %get3A_956 = vector.shape_cast %get3A_955 : vector<1x16xf32> to vector<16xf32>
          %get3A_957 = arith.index_cast %add3A_952 : i32 to index
          %get3A_958 = arith.constant 16 : index
          %get3A_959 = tpu.vector_load %arg10[%get3A_957, %get3A_958] {strides = array<i32>} : memref<320x128xf32, #tpu.memory_space<vmem>>, vector<1x16xf32>,
          %get3A_960 = vector.shape_cast %get3A_959 : vector<1x16xf32> to vector<16xf32>
          %get3A_961 = arith.index_cast %add3A_952 : i32 to index
          %get3A_962 = arith.constant 32 : index
          %get3A_963 = tpu.vector_load %arg10[%get3A_961, %get3A_962] {strides = array<i32>} : memref<320x128xf32, #tpu.memory_space<vmem>>, vector<1x16xf32>,
          %get3A_964 = vector.shape_cast %get3A_963 : vector<1x16xf32> to vector<16xf32>
          %get3A_965 = arith.index_cast %add3A_952 : i32 to index
          %get3A_966 = arith.constant 48 : index
          %get3A_967 = tpu.vector_load %arg10[%get3A_965, %get3A_966] {strides = array<i32>} : memref<320x128xf32, #tpu.memory_space<vmem>>, vector<1x16xf32>,
          %get3A_968 = vector.shape_cast %get3A_967 : vector<1x16xf32> to vector<16xf32>
          %get3A_969 = arith.index_cast %add3A_952 : i32 to index
          %get3A_970 = arith.constant 64 : index
          %get3A_971 = tpu.vector_load %arg10[%get3A_969, %get3A_970] {strides = array<i32>} : memref<320x128xf32, #tpu.memory_space<vmem>>, vector<1x16xf32>,
          %get3A_972 = vector.shape_cast %get3A_971 : vector<1x16xf32> to vector<16xf32>
          %get3A_973 = arith.index_cast %add3A_952 : i32 to index
          %get3A_974 = arith.constant 80 : index
          %get3A_975 = tpu.vector_load %arg10[%get3A_973, %get3A_974] {strides = array<i32>} : memref<320x128xf32, #tpu.memory_space<vmem>>, vector<1x16xf32>,
          %get3A_976 = vector.shape_cast %get3A_975 : vector<1x16xf32> to vector<16xf32>
          %get3A_977 = arith.index_cast %add3A_952 : i32 to index
          %get3A_978 = arith.constant 96 : index
          %get3A_979 = tpu.vector_load %arg10[%get3A_977, %get3A_978] {strides = array<i32>} : memref<320x128xf32, #tpu.memory_space<vmem>>, vector<1x16xf32>,
          %get3A_980 = vector.shape_cast %get3A_979 : vector<1x16xf32> to vector<16xf32>
          %get3A_981 = arith.index_cast %add3A_952 : i32 to index
          %get3A_982 = arith.constant 112 : index
          %get3A_983 = tpu.vector_load %arg10[%get3A_981, %get3A_982] {strides = array<i32>} : memref<320x128xf32, #tpu.memory_space<vmem>>, vector<1x16xf32>,
          %get3A_984 = vector.shape_cast %get3A_983 : vector<1x16xf32> to vector<16xf32>
          %slice3A_985 = vector.extract_strided_slice %get3A_214 {offsets = [8], sizes = [1], strides = [1]} : vector<16xf32> to vector<1xf32>
          %squeeze3A_986 = vector.extract %slice3A_985[0] : f32 from vector<1xf32>
          %mul3A_987 = vector.broadcast %squeeze3A_986 : f32 to vector<16xf32>
          %mul3A_988 = arith.mulf %get3A_956, %mul3A_987 : vector<16xf32>
          %swap3A_989 = arith.index_cast %add3A_952 : i32 to index
          %swap3A_990 = arith.constant 0 : index
          %swap3A_991 = tpu.vector_load %arg10[%swap3A_989, %swap3A_990] {strides = array<i32>} : memref<320x128xf32, #tpu.memory_space<vmem>>, vector<1x16xf32>,
          %swap3A_992 = vector.shape_cast %swap3A_991 : vector<1x16xf32> to vector<16xf32>
          %swap3A_993 = vector.shape_cast %mul3A_988 : vector<16xf32> to vector<1x16xf32>
          tpu.vector_store %arg10[%swap3A_989, %swap3A_990], %swap3A_993 {strides = array<i32>} : memref<320x128xf32, #tpu.memory_space<vmem>>, vector<1x16xf32>,
          %mul3A_994 = vector.broadcast %squeeze3A_986 : f32 to vector<16xf32>
          %mul3A_995 = arith.mulf %get3A_960, %mul3A_994 : vector<16xf32>
          %swap3A_996 = arith.index_cast %add3A_952 : i32 to index
          %swap3A_997 = arith.constant 16 : index
          %swap3A_998 = tpu.vector_load %arg10[%swap3A_996, %swap3A_997] {strides = array<i32>} : memref<320x128xf32, #tpu.memory_space<vmem>>, vector<1x16xf32>,
          %swap3A_999 = vector.shape_cast %swap3A_998 : vector<1x16xf32> to vector<16xf32>
          %swap3A_1000 = vector.shape_cast %mul3A_995 : vector<16xf32> to vector<1x16xf32>
          tpu.vector_store %arg10[%swap3A_996, %swap3A_997], %swap3A_1000 {strides = array<i32>} : memref<320x128xf32, #tpu.memory_space<vmem>>, vector<1x16xf32>,
          %mul3A_1001 = vector.broadcast %squeeze3A_986 : f32 to vector<16xf32>
          %mul3A_1002 = arith.mulf %get3A_964, %mul3A_1001 : vector<16xf32>
          %swap3A_1003 = arith.index_cast %add3A_952 : i32 to index
          %swap3A_1004 = arith.constant 32 : index
          %swap3A_1005 = tpu.vector_load %arg10[%swap3A_1003, %swap3A_1004] {strides = array<i32>} : memref<320x128xf32, #tpu.memory_space<vmem>>, vector<1x16xf32>,
          %swap3A_1006 = vector.shape_cast %swap3A_1005 : vector<1x16xf32> to vector<16xf32>
          %swap3A_1007 = vector.shape_cast %mul3A_1002 : vector<16xf32> to vector<1x16xf32>
          tpu.vector_store %arg10[%swap3A_1003, %swap3A_1004], %swap3A_1007 {strides = array<i32>} : memref<320x128xf32, #tpu.memory_space<vmem>>, vector<1x16xf32>,
          %mul3A_1008 = vector.broadcast %squeeze3A_986 : f32 to vector<16xf32>
          %mul3A_1009 = arith.mulf %get3A_968, %mul3A_1008 : vector<16xf32>
          %swap3A_1010 = arith.index_cast %add3A_952 : i32 to index
          %swap3A_1011 = arith.constant 48 : index
          %swap3A_1012 = tpu.vector_load %arg10[%swap3A_1010, %swap3A_1011] {strides = array<i32>} : memref<320x128xf32, #tpu.memory_space<vmem>>, vector<1x16xf32>,
          %swap3A_1013 = vector.shape_cast %swap3A_1012 : vector<1x16xf32> to vector<16xf32>
          %swap3A_1014 = vector.shape_cast %mul3A_1009 : vector<16xf32> to vector<1x16xf32>
          tpu.vector_store %arg10[%swap3A_1010, %swap3A_1011], %swap3A_1014 {strides = array<i32>} : memref<320x128xf32, #tpu.memory_space<vmem>>, vector<1x16xf32>,
          %mul3A_1015 = vector.broadcast %squeeze3A_986 : f32 to vector<16xf32>
          %mul3A_1016 = arith.mulf %get3A_972, %mul3A_1015 : vector<16xf32>
          %swap3A_1017 = arith.index_cast %add3A_952 : i32 to index
          %swap3A_1018 = arith.constant 64 : index
          %swap3A_1019 = tpu.vector_load %arg10[%swap3A_1017, %swap3A_1018] {strides = array<i32>} : memref<320x128xf32, #tpu.memory_space<vmem>>, vector<1x16xf32>,
          %swap3A_1020 = vector.shape_cast %swap3A_1019 : vector<1x16xf32> to vector<16xf32>
          %swap3A_1021 = vector.shape_cast %mul3A_1016 : vector<16xf32> to vector<1x16xf32>
          tpu.vector_store %arg10[%swap3A_1017, %swap3A_1018], %swap3A_1021 {strides = array<i32>} : memref<320x128xf32, #tpu.memory_space<vmem>>, vector<1x16xf32>,
          %mul3A_1022 = vector.broadcast %squeeze3A_986 : f32 to vector<16xf32>
          %mul3A_1023 = arith.mulf %get3A_976, %mul3A_1022 : vector<16xf32>
          %swap3A_1024 = arith.index_cast %add3A_952 : i32 to index
          %swap3A_1025 = arith.constant 80 : index
          %swap3A_1026 = tpu.vector_load %arg10[%swap3A_1024, %swap3A_1025] {strides = array<i32>} : memref<320x128xf32, #tpu.memory_space<vmem>>, vector<1x16xf32>,
          %swap3A_1027 = vector.shape_cast %swap3A_1026 : vector<1x16xf32> to vector<16xf32>
          %swap3A_1028 = vector.shape_cast %mul3A_1023 : vector<16xf32> to vector<1x16xf32>
          tpu.vector_store %arg10[%swap3A_1024, %swap3A_1025], %swap3A_1028 {strides = array<i32>} : memref<320x128xf32, #tpu.memory_space<vmem>>, vector<1x16xf32>,
          %mul3A_1029 = vector.broadcast %squeeze3A_986 : f32 to vector<16xf32>
          %mul3A_1030 = arith.mulf %get3A_980, %mul3A_1029 : vector<16xf32>
          %swap3A_1031 = arith.index_cast %add3A_952 : i32 to index
          %swap3A_1032 = arith.constant 96 : index
          %swap3A_1033 = tpu.vector_load %arg10[%swap3A_1031, %swap3A_1032] {strides = array<i32>} : memref<320x128xf32, #tpu.memory_space<vmem>>, vector<1x16xf32>,
          %swap3A_1034 = vector.shape_cast %swap3A_1033 : vector<1x16xf32> to vector<16xf32>
          %swap3A_1035 = vector.shape_cast %mul3A_1030 : vector<16xf32> to vector<1x16xf32>
          tpu.vector_store %arg10[%swap3A_1031, %swap3A_1032], %swap3A_1035 {strides = array<i32>} : memref<320x128xf32, #tpu.memory_space<vmem>>, vector<1x16xf32>,
          %mul3A_1036 = vector.broadcast %squeeze3A_986 : f32 to vector<16xf32>
          %mul3A_1037 = arith.mulf %get3A_984, %mul3A_1036 : vector<16xf32>
          %swap3A_1038 = arith.index_cast %add3A_952 : i32 to index
          %swap3A_1039 = arith.constant 112 : index
          %swap3A_1040 = tpu.vector_load %arg10[%swap3A_1038, %swap3A_1039] {strides = array<i32>} : memref<320x128xf32, #tpu.memory_space<vmem>>, vector<1x16xf32>,
          %swap3A_1041 = vector.shape_cast %swap3A_1040 : vector<1x16xf32> to vector<16xf32>
          %swap3A_1042 = vector.shape_cast %mul3A_1037 : vector<16xf32> to vector<1x16xf32>
          tpu.vector_store %arg10[%swap3A_1038, %swap3A_1039], %swap3A_1042 {strides = array<i32>} : memref<320x128xf32, #tpu.memory_space<vmem>>, vector<1x16xf32>,
          %add3A_1043 = arith.constant 9 : i32
          %add3A_1044 = arith.addi %add3A_217, %add3A_1043 : i32
          %get3A_1045 = arith.index_cast %add3A_1044 : i32 to index
          %get3A_1046 = arith.constant 0 : index
          %get3A_1047 = tpu.vector_load %arg10[%get3A_1045, %get3A_1046] {strides = array<i32>} : memref<320x128xf32, #tpu.memory_space<vmem>>, vector<1x16xf32>,
          %get3A_1048 = vector.shape_cast %get3A_1047 : vector<1x16xf32> to vector<16xf32>
          %get3A_1049 = arith.index_cast %add3A_1044 : i32 to index
          %get3A_1050 = arith.constant 16 : index
          %get3A_1051 = tpu.vector_load %arg10[%get3A_1049, %get3A_1050] {strides = array<i32>} : memref<320x128xf32, #tpu.memory_space<vmem>>, vector<1x16xf32>,
          %get3A_1052 = vector.shape_cast %get3A_1051 : vector<1x16xf32> to vector<16xf32>
          %get3A_1053 = arith.index_cast %add3A_1044 : i32 to index
          %get3A_1054 = arith.constant 32 : index
          %get3A_1055 = tpu.vector_load %arg10[%get3A_1053, %get3A_1054] {strides = array<i32>} : memref<320x128xf32, #tpu.memory_space<vmem>>, vector<1x16xf32>,
          %get3A_1056 = vector.shape_cast %get3A_1055 : vector<1x16xf32> to vector<16xf32>
          %get3A_1057 = arith.index_cast %add3A_1044 : i32 to index
          %get3A_1058 = arith.constant 48 : index
          %get3A_1059 = tpu.vector_load %arg10[%get3A_1057, %get3A_1058] {strides = array<i32>} : memref<320x128xf32, #tpu.memory_space<vmem>>, vector<1x16xf32>,
          %get3A_1060 = vector.shape_cast %get3A_1059 : vector<1x16xf32> to vector<16xf32>
          %get3A_1061 = arith.index_cast %add3A_1044 : i32 to index
          %get3A_1062 = arith.constant 64 : index
          %get3A_1063 = tpu.vector_load %arg10[%get3A_1061, %get3A_1062] {strides = array<i32>} : memref<320x128xf32, #tpu.memory_space<vmem>>, vector<1x16xf32>,
          %get3A_1064 = vector.shape_cast %get3A_1063 : vector<1x16xf32> to vector<16xf32>
          %get3A_1065 = arith.index_cast %add3A_1044 : i32 to index
          %get3A_1066 = arith.constant 80 : index
          %get3A_1067 = tpu.vector_load %arg10[%get3A_1065, %get3A_1066] {strides = array<i32>} : memref<320x128xf32, #tpu.memory_space<vmem>>, vector<1x16xf32>,
          %get3A_1068 = vector.shape_cast %get3A_1067 : vector<1x16xf32> to vector<16xf32>
          %get3A_1069 = arith.index_cast %add3A_1044 : i32 to index
          %get3A_1070 = arith.constant 96 : index
          %get3A_1071 = tpu.vector_load %arg10[%get3A_1069, %get3A_1070] {strides = array<i32>} : memref<320x128xf32, #tpu.memory_space<vmem>>, vector<1x16xf32>,
          %get3A_1072 = vector.shape_cast %get3A_1071 : vector<1x16xf32> to vector<16xf32>
          %get3A_1073 = arith.index_cast %add3A_1044 : i32 to index
          %get3A_1074 = arith.constant 112 : index
          %get3A_1075 = tpu.vector_load %arg10[%get3A_1073, %get3A_1074] {strides = array<i32>} : memref<320x128xf32, #tpu.memory_space<vmem>>, vector<1x16xf32>,
          %get3A_1076 = vector.shape_cast %get3A_1075 : vector<1x16xf32> to vector<16xf32>
          %slice3A_1077 = vector.extract_strided_slice %get3A_214 {offsets = [9], sizes = [1], strides = [1]} : vector<16xf32> to vector<1xf32>
          %squeeze3A_1078 = vector.extract %slice3A_1077[0] : f32 from vector<1xf32>
          %mul3A_1079 = vector.broadcast %squeeze3A_1078 : f32 to vector<16xf32>
          %mul3A_1080 = arith.mulf %get3A_1048, %mul3A_1079 : vector<16xf32>
          %swap3A_1081 = arith.index_cast %add3A_1044 : i32 to index
          %swap3A_1082 = arith.constant 0 : index
          %swap3A_1083 = tpu.vector_load %arg10[%swap3A_1081, %swap3A_1082] {strides = array<i32>} : memref<320x128xf32, #tpu.memory_space<vmem>>, vector<1x16xf32>,
          %swap3A_1084 = vector.shape_cast %swap3A_1083 : vector<1x16xf32> to vector<16xf32>
          %swap3A_1085 = vector.shape_cast %mul3A_1080 : vector<16xf32> to vector<1x16xf32>
          tpu.vector_store %arg10[%swap3A_1081, %swap3A_1082], %swap3A_1085 {strides = array<i32>} : memref<320x128xf32, #tpu.memory_space<vmem>>, vector<1x16xf32>,
          %mul3A_1086 = vector.broadcast %squeeze3A_1078 : f32 to vector<16xf32>
          %mul3A_1087 = arith.mulf %get3A_1052, %mul3A_1086 : vector<16xf32>
          %swap3A_1088 = arith.index_cast %add3A_1044 : i32 to index
          %swap3A_1089 = arith.constant 16 : index
          %swap3A_1090 = tpu.vector_load %arg10[%swap3A_1088, %swap3A_1089] {strides = array<i32>} : memref<320x128xf32, #tpu.memory_space<vmem>>, vector<1x16xf32>,
          %swap3A_1091 = vector.shape_cast %swap3A_1090 : vector<1x16xf32> to vector<16xf32>
          %swap3A_1092 = vector.shape_cast %mul3A_1087 : vector<16xf32> to vector<1x16xf32>
          tpu.vector_store %arg10[%swap3A_1088, %swap3A_1089], %swap3A_1092 {strides = array<i32>} : memref<320x128xf32, #tpu.memory_space<vmem>>, vector<1x16xf32>,
          %mul3A_1093 = vector.broadcast %squeeze3A_1078 : f32 to vector<16xf32>
          %mul3A_1094 = arith.mulf %get3A_1056, %mul3A_1093 : vector<16xf32>
          %swap3A_1095 = arith.index_cast %add3A_1044 : i32 to index
          %swap3A_1096 = arith.constant 32 : index
          %swap3A_1097 = tpu.vector_load %arg10[%swap3A_1095, %swap3A_1096] {strides = array<i32>} : memref<320x128xf32, #tpu.memory_space<vmem>>, vector<1x16xf32>,
          %swap3A_1098 = vector.shape_cast %swap3A_1097 : vector<1x16xf32> to vector<16xf32>
          %swap3A_1099 = vector.shape_cast %mul3A_1094 : vector<16xf32> to vector<1x16xf32>
          tpu.vector_store %arg10[%swap3A_1095, %swap3A_1096], %swap3A_1099 {strides = array<i32>} : memref<320x128xf32, #tpu.memory_space<vmem>>, vector<1x16xf32>,
          %mul3A_1100 = vector.broadcast %squeeze3A_1078 : f32 to vector<16xf32>
          %mul3A_1101 = arith.mulf %get3A_1060, %mul3A_1100 : vector<16xf32>
          %swap3A_1102 = arith.index_cast %add3A_1044 : i32 to index
          %swap3A_1103 = arith.constant 48 : index
          %swap3A_1104 = tpu.vector_load %arg10[%swap3A_1102, %swap3A_1103] {strides = array<i32>} : memref<320x128xf32, #tpu.memory_space<vmem>>, vector<1x16xf32>,
          %swap3A_1105 = vector.shape_cast %swap3A_1104 : vector<1x16xf32> to vector<16xf32>
          %swap3A_1106 = vector.shape_cast %mul3A_1101 : vector<16xf32> to vector<1x16xf32>
          tpu.vector_store %arg10[%swap3A_1102, %swap3A_1103], %swap3A_1106 {strides = array<i32>} : memref<320x128xf32, #tpu.memory_space<vmem>>, vector<1x16xf32>,
          %mul3A_1107 = vector.broadcast %squeeze3A_1078 : f32 to vector<16xf32>
          %mul3A_1108 = arith.mulf %get3A_1064, %mul3A_1107 : vector<16xf32>
          %swap3A_1109 = arith.index_cast %add3A_1044 : i32 to index
          %swap3A_1110 = arith.constant 64 : index
          %swap3A_1111 = tpu.vector_load %arg10[%swap3A_1109, %swap3A_1110] {strides = array<i32>} : memref<320x128xf32, #tpu.memory_space<vmem>>, vector<1x16xf32>,
          %swap3A_1112 = vector.shape_cast %swap3A_1111 : vector<1x16xf32> to vector<16xf32>
          %swap3A_1113 = vector.shape_cast %mul3A_1108 : vector<16xf32> to vector<1x16xf32>
          tpu.vector_store %arg10[%swap3A_1109, %swap3A_1110], %swap3A_1113 {strides = array<i32>} : memref<320x128xf32, #tpu.memory_space<vmem>>, vector<1x16xf32>,
          %mul3A_1114 = vector.broadcast %squeeze3A_1078 : f32 to vector<16xf32>
          %mul3A_1115 = arith.mulf %get3A_1068, %mul3A_1114 : vector<16xf32>
          %swap3A_1116 = arith.index_cast %add3A_1044 : i32 to index
          %swap3A_1117 = arith.constant 80 : index
          %swap3A_1118 = tpu.vector_load %arg10[%swap3A_1116, %swap3A_1117] {strides = array<i32>} : memref<320x128xf32, #tpu.memory_space<vmem>>, vector<1x16xf32>,
          %swap3A_1119 = vector.shape_cast %swap3A_1118 : vector<1x16xf32> to vector<16xf32>
          %swap3A_1120 = vector.shape_cast %mul3A_1115 : vector<16xf32> to vector<1x16xf32>
          tpu.vector_store %arg10[%swap3A_1116, %swap3A_1117], %swap3A_1120 {strides = array<i32>} : memref<320x128xf32, #tpu.memory_space<vmem>>, vector<1x16xf32>,
          %mul3A_1121 = vector.broadcast %squeeze3A_1078 : f32 to vector<16xf32>
          %mul3A_1122 = arith.mulf %get3A_1072, %mul3A_1121 : vector<16xf32>
          %swap3A_1123 = arith.index_cast %add3A_1044 : i32 to index
          %swap3A_1124 = arith.constant 96 : index
          %swap3A_1125 = tpu.vector_load %arg10[%swap3A_1123, %swap3A_1124] {strides = array<i32>} : memref<320x128xf32, #tpu.memory_space<vmem>>, vector<1x16xf32>,
          %swap3A_1126 = vector.shape_cast %swap3A_1125 : vector<1x16xf32> to vector<16xf32>
          %swap3A_1127 = vector.shape_cast %mul3A_1122 : vector<16xf32> to vector<1x16xf32>
          tpu.vector_store %arg10[%swap3A_1123, %swap3A_1124], %swap3A_1127 {strides = array<i32>} : memref<320x128xf32, #tpu.memory_space<vmem>>, vector<1x16xf32>,
          %mul3A_1128 = vector.broadcast %squeeze3A_1078 : f32 to vector<16xf32>
          %mul3A_1129 = arith.mulf %get3A_1076, %mul3A_1128 : vector<16xf32>
          %swap3A_1130 = arith.index_cast %add3A_1044 : i32 to index
          %swap3A_1131 = arith.constant 112 : index
          %swap3A_1132 = tpu.vector_load %arg10[%swap3A_1130, %swap3A_1131] {strides = array<i32>} : memref<320x128xf32, #tpu.memory_space<vmem>>, vector<1x16xf32>,
          %swap3A_1133 = vector.shape_cast %swap3A_1132 : vector<1x16xf32> to vector<16xf32>
          %swap3A_1134 = vector.shape_cast %mul3A_1129 : vector<16xf32> to vector<1x16xf32>
          tpu.vector_store %arg10[%swap3A_1130, %swap3A_1131], %swap3A_1134 {strides = array<i32>} : memref<320x128xf32, #tpu.memory_space<vmem>>, vector<1x16xf32>,
          %add3A_1135 = arith.constant 10 : i32
          %add3A_1136 = arith.addi %add3A_217, %add3A_1135 : i32
          %get3A_1137 = arith.index_cast %add3A_1136 : i32 to index
          %get3A_1138 = arith.constant 0 : index
          %get3A_1139 = tpu.vector_load %arg10[%get3A_1137, %get3A_1138] {strides = array<i32>} : memref<320x128xf32, #tpu.memory_space<vmem>>, vector<1x16xf32>,
          %get3A_1140 = vector.shape_cast %get3A_1139 : vector<1x16xf32> to vector<16xf32>
          %get3A_1141 = arith.index_cast %add3A_1136 : i32 to index
          %get3A_1142 = arith.constant 16 : index
          %get3A_1143 = tpu.vector_load %arg10[%get3A_1141, %get3A_1142] {strides = array<i32>} : memref<320x128xf32, #tpu.memory_space<vmem>>, vector<1x16xf32>,
          %get3A_1144 = vector.shape_cast %get3A_1143 : vector<1x16xf32> to vector<16xf32>
          %get3A_1145 = arith.index_cast %add3A_1136 : i32 to index
          %get3A_1146 = arith.constant 32 : index
          %get3A_1147 = tpu.vector_load %arg10[%get3A_1145, %get3A_1146] {strides = array<i32>} : memref<320x128xf32, #tpu.memory_space<vmem>>, vector<1x16xf32>,
          %get3A_1148 = vector.shape_cast %get3A_1147 : vector<1x16xf32> to vector<16xf32>
          %get3A_1149 = arith.index_cast %add3A_1136 : i32 to index
          %get3A_1150 = arith.constant 48 : index
          %get3A_1151 = tpu.vector_load %arg10[%get3A_1149, %get3A_1150] {strides = array<i32>} : memref<320x128xf32, #tpu.memory_space<vmem>>, vector<1x16xf32>,
          %get3A_1152 = vector.shape_cast %get3A_1151 : vector<1x16xf32> to vector<16xf32>
          %get3A_1153 = arith.index_cast %add3A_1136 : i32 to index
          %get3A_1154 = arith.constant 64 : index
          %get3A_1155 = tpu.vector_load %arg10[%get3A_1153, %get3A_1154] {strides = array<i32>} : memref<320x128xf32, #tpu.memory_space<vmem>>, vector<1x16xf32>,
          %get3A_1156 = vector.shape_cast %get3A_1155 : vector<1x16xf32> to vector<16xf32>
          %get3A_1157 = arith.index_cast %add3A_1136 : i32 to index
          %get3A_1158 = arith.constant 80 : index
          %get3A_1159 = tpu.vector_load %arg10[%get3A_1157, %get3A_1158] {strides = array<i32>} : memref<320x128xf32, #tpu.memory_space<vmem>>, vector<1x16xf32>,
          %get3A_1160 = vector.shape_cast %get3A_1159 : vector<1x16xf32> to vector<16xf32>
          %get3A_1161 = arith.index_cast %add3A_1136 : i32 to index
          %get3A_1162 = arith.constant 96 : index
          %get3A_1163 = tpu.vector_load %arg10[%get3A_1161, %get3A_1162] {strides = array<i32>} : memref<320x128xf32, #tpu.memory_space<vmem>>, vector<1x16xf32>,
          %get3A_1164 = vector.shape_cast %get3A_1163 : vector<1x16xf32> to vector<16xf32>
          %get3A_1165 = arith.index_cast %add3A_1136 : i32 to index
          %get3A_1166 = arith.constant 112 : index
          %get3A_1167 = tpu.vector_load %arg10[%get3A_1165, %get3A_1166] {strides = array<i32>} : memref<320x128xf32, #tpu.memory_space<vmem>>, vector<1x16xf32>,
          %get3A_1168 = vector.shape_cast %get3A_1167 : vector<1x16xf32> to vector<16xf32>
          %slice3A_1169 = vector.extract_strided_slice %get3A_214 {offsets = [10], sizes = [1], strides = [1]} : vector<16xf32> to vector<1xf32>
          %squeeze3A_1170 = vector.extract %slice3A_1169[0] : f32 from vector<1xf32>
          %mul3A_1171 = vector.broadcast %squeeze3A_1170 : f32 to vector<16xf32>
          %mul3A_1172 = arith.mulf %get3A_1140, %mul3A_1171 : vector<16xf32>
          %swap3A_1173 = arith.index_cast %add3A_1136 : i32 to index
          %swap3A_1174 = arith.constant 0 : index
          %swap3A_1175 = tpu.vector_load %arg10[%swap3A_1173, %swap3A_1174] {strides = array<i32>} : memref<320x128xf32, #tpu.memory_space<vmem>>, vector<1x16xf32>,
          %swap3A_1176 = vector.shape_cast %swap3A_1175 : vector<1x16xf32> to vector<16xf32>
          %swap3A_1177 = vector.shape_cast %mul3A_1172 : vector<16xf32> to vector<1x16xf32>
          tpu.vector_store %arg10[%swap3A_1173, %swap3A_1174], %swap3A_1177 {strides = array<i32>} : memref<320x128xf32, #tpu.memory_space<vmem>>, vector<1x16xf32>,
          %mul3A_1178 = vector.broadcast %squeeze3A_1170 : f32 to vector<16xf32>
          %mul3A_1179 = arith.mulf %get3A_1144, %mul3A_1178 : vector<16xf32>
          %swap3A_1180 = arith.index_cast %add3A_1136 : i32 to index
          %swap3A_1181 = arith.constant 16 : index
          %swap3A_1182 = tpu.vector_load %arg10[%swap3A_1180, %swap3A_1181] {strides = array<i32>} : memref<320x128xf32, #tpu.memory_space<vmem>>, vector<1x16xf32>,
          %swap3A_1183 = vector.shape_cast %swap3A_1182 : vector<1x16xf32> to vector<16xf32>
          %swap3A_1184 = vector.shape_cast %mul3A_1179 : vector<16xf32> to vector<1x16xf32>
          tpu.vector_store %arg10[%swap3A_1180, %swap3A_1181], %swap3A_1184 {strides = array<i32>} : memref<320x128xf32, #tpu.memory_space<vmem>>, vector<1x16xf32>,
          %mul3A_1185 = vector.broadcast %squeeze3A_1170 : f32 to vector<16xf32>
          %mul3A_1186 = arith.mulf %get3A_1148, %mul3A_1185 : vector<16xf32>
          %swap3A_1187 = arith.index_cast %add3A_1136 : i32 to index
          %swap3A_1188 = arith.constant 32 : index
          %swap3A_1189 = tpu.vector_load %arg10[%swap3A_1187, %swap3A_1188] {strides = array<i32>} : memref<320x128xf32, #tpu.memory_space<vmem>>, vector<1x16xf32>,
          %swap3A_1190 = vector.shape_cast %swap3A_1189 : vector<1x16xf32> to vector<16xf32>
          %swap3A_1191 = vector.shape_cast %mul3A_1186 : vector<16xf32> to vector<1x16xf32>
          tpu.vector_store %arg10[%swap3A_1187, %swap3A_1188], %swap3A_1191 {strides = array<i32>} : memref<320x128xf32, #tpu.memory_space<vmem>>, vector<1x16xf32>,
          %mul3A_1192 = vector.broadcast %squeeze3A_1170 : f32 to vector<16xf32>
          %mul3A_1193 = arith.mulf %get3A_1152, %mul3A_1192 : vector<16xf32>
          %swap3A_1194 = arith.index_cast %add3A_1136 : i32 to index
          %swap3A_1195 = arith.constant 48 : index
          %swap3A_1196 = tpu.vector_load %arg10[%swap3A_1194, %swap3A_1195] {strides = array<i32>} : memref<320x128xf32, #tpu.memory_space<vmem>>, vector<1x16xf32>,
          %swap3A_1197 = vector.shape_cast %swap3A_1196 : vector<1x16xf32> to vector<16xf32>
          %swap3A_1198 = vector.shape_cast %mul3A_1193 : vector<16xf32> to vector<1x16xf32>
          tpu.vector_store %arg10[%swap3A_1194, %swap3A_1195], %swap3A_1198 {strides = array<i32>} : memref<320x128xf32, #tpu.memory_space<vmem>>, vector<1x16xf32>,
          %mul3A_1199 = vector.broadcast %squeeze3A_1170 : f32 to vector<16xf32>
          %mul3A_1200 = arith.mulf %get3A_1156, %mul3A_1199 : vector<16xf32>
          %swap3A_1201 = arith.index_cast %add3A_1136 : i32 to index
          %swap3A_1202 = arith.constant 64 : index
          %swap3A_1203 = tpu.vector_load %arg10[%swap3A_1201, %swap3A_1202] {strides = array<i32>} : memref<320x128xf32, #tpu.memory_space<vmem>>, vector<1x16xf32>,
          %swap3A_1204 = vector.shape_cast %swap3A_1203 : vector<1x16xf32> to vector<16xf32>
          %swap3A_1205 = vector.shape_cast %mul3A_1200 : vector<16xf32> to vector<1x16xf32>
          tpu.vector_store %arg10[%swap3A_1201, %swap3A_1202], %swap3A_1205 {strides = array<i32>} : memref<320x128xf32, #tpu.memory_space<vmem>>, vector<1x16xf32>,
          %mul3A_1206 = vector.broadcast %squeeze3A_1170 : f32 to vector<16xf32>
          %mul3A_1207 = arith.mulf %get3A_1160, %mul3A_1206 : vector<16xf32>
          %swap3A_1208 = arith.index_cast %add3A_1136 : i32 to index
          %swap3A_1209 = arith.constant 80 : index
          %swap3A_1210 = tpu.vector_load %arg10[%swap3A_1208, %swap3A_1209] {strides = array<i32>} : memref<320x128xf32, #tpu.memory_space<vmem>>, vector<1x16xf32>,
          %swap3A_1211 = vector.shape_cast %swap3A_1210 : vector<1x16xf32> to vector<16xf32>
          %swap3A_1212 = vector.shape_cast %mul3A_1207 : vector<16xf32> to vector<1x16xf32>
          tpu.vector_store %arg10[%swap3A_1208, %swap3A_1209], %swap3A_1212 {strides = array<i32>} : memref<320x128xf32, #tpu.memory_space<vmem>>, vector<1x16xf32>,
          %mul3A_1213 = vector.broadcast %squeeze3A_1170 : f32 to vector<16xf32>
          %mul3A_1214 = arith.mulf %get3A_1164, %mul3A_1213 : vector<16xf32>
          %swap3A_1215 = arith.index_cast %add3A_1136 : i32 to index
          %swap3A_1216 = arith.constant 96 : index
          %swap3A_1217 = tpu.vector_load %arg10[%swap3A_1215, %swap3A_1216] {strides = array<i32>} : memref<320x128xf32, #tpu.memory_space<vmem>>, vector<1x16xf32>,
          %swap3A_1218 = vector.shape_cast %swap3A_1217 : vector<1x16xf32> to vector<16xf32>
          %swap3A_1219 = vector.shape_cast %mul3A_1214 : vector<16xf32> to vector<1x16xf32>
          tpu.vector_store %arg10[%swap3A_1215, %swap3A_1216], %swap3A_1219 {strides = array<i32>} : memref<320x128xf32, #tpu.memory_space<vmem>>, vector<1x16xf32>,
          %mul3A_1220 = vector.broadcast %squeeze3A_1170 : f32 to vector<16xf32>
          %mul3A_1221 = arith.mulf %get3A_1168, %mul3A_1220 : vector<16xf32>
          %swap3A_1222 = arith.index_cast %add3A_1136 : i32 to index
          %swap3A_1223 = arith.constant 112 : index
          %swap3A_1224 = tpu.vector_load %arg10[%swap3A_1222, %swap3A_1223] {strides = array<i32>} : memref<320x128xf32, #tpu.memory_space<vmem>>, vector<1x16xf32>,
          %swap3A_1225 = vector.shape_cast %swap3A_1224 : vector<1x16xf32> to vector<16xf32>
          %swap3A_1226 = vector.shape_cast %mul3A_1221 : vector<16xf32> to vector<1x16xf32>
          tpu.vector_store %arg10[%swap3A_1222, %swap3A_1223], %swap3A_1226 {strides = array<i32>} : memref<320x128xf32, #tpu.memory_space<vmem>>, vector<1x16xf32>,
          %add3A_1227 = arith.constant 11 : i32
          %add3A_1228 = arith.addi %add3A_217, %add3A_1227 : i32
          %get3A_1229 = arith.index_cast %add3A_1228 : i32 to index
          %get3A_1230 = arith.constant 0 : index
          %get3A_1231 = tpu.vector_load %arg10[%get3A_1229, %get3A_1230] {strides = array<i32>} : memref<320x128xf32, #tpu.memory_space<vmem>>, vector<1x16xf32>,
          %get3A_1232 = vector.shape_cast %get3A_1231 : vector<1x16xf32> to vector<16xf32>
          %get3A_1233 = arith.index_cast %add3A_1228 : i32 to index
          %get3A_1234 = arith.constant 16 : index
          %get3A_1235 = tpu.vector_load %arg10[%get3A_1233, %get3A_1234] {strides = array<i32>} : memref<320x128xf32, #tpu.memory_space<vmem>>, vector<1x16xf32>,
          %get3A_1236 = vector.shape_cast %get3A_1235 : vector<1x16xf32> to vector<16xf32>
          %get3A_1237 = arith.index_cast %add3A_1228 : i32 to index
          %get3A_1238 = arith.constant 32 : index
          %get3A_1239 = tpu.vector_load %arg10[%get3A_1237, %get3A_1238] {strides = array<i32>} : memref<320x128xf32, #tpu.memory_space<vmem>>, vector<1x16xf32>,
          %get3A_1240 = vector.shape_cast %get3A_1239 : vector<1x16xf32> to vector<16xf32>
          %get3A_1241 = arith.index_cast %add3A_1228 : i32 to index
          %get3A_1242 = arith.constant 48 : index
          %get3A_1243 = tpu.vector_load %arg10[%get3A_1241, %get3A_1242] {strides = array<i32>} : memref<320x128xf32, #tpu.memory_space<vmem>>, vector<1x16xf32>,
          %get3A_1244 = vector.shape_cast %get3A_1243 : vector<1x16xf32> to vector<16xf32>
          %get3A_1245 = arith.index_cast %add3A_1228 : i32 to index
          %get3A_1246 = arith.constant 64 : index
          %get3A_1247 = tpu.vector_load %arg10[%get3A_1245, %get3A_1246] {strides = array<i32>} : memref<320x128xf32, #tpu.memory_space<vmem>>, vector<1x16xf32>,
          %get3A_1248 = vector.shape_cast %get3A_1247 : vector<1x16xf32> to vector<16xf32>
          %get3A_1249 = arith.index_cast %add3A_1228 : i32 to index
          %get3A_1250 = arith.constant 80 : index
          %get3A_1251 = tpu.vector_load %arg10[%get3A_1249, %get3A_1250] {strides = array<i32>} : memref<320x128xf32, #tpu.memory_space<vmem>>, vector<1x16xf32>,
          %get3A_1252 = vector.shape_cast %get3A_1251 : vector<1x16xf32> to vector<16xf32>
          %get3A_1253 = arith.index_cast %add3A_1228 : i32 to index
          %get3A_1254 = arith.constant 96 : index
          %get3A_1255 = tpu.vector_load %arg10[%get3A_1253, %get3A_1254] {strides = array<i32>} : memref<320x128xf32, #tpu.memory_space<vmem>>, vector<1x16xf32>,
          %get3A_1256 = vector.shape_cast %get3A_1255 : vector<1x16xf32> to vector<16xf32>
          %get3A_1257 = arith.index_cast %add3A_1228 : i32 to index
          %get3A_1258 = arith.constant 112 : index
          %get3A_1259 = tpu.vector_load %arg10[%get3A_1257, %get3A_1258] {strides = array<i32>} : memref<320x128xf32, #tpu.memory_space<vmem>>, vector<1x16xf32>,
          %get3A_1260 = vector.shape_cast %get3A_1259 : vector<1x16xf32> to vector<16xf32>
          %slice3A_1261 = vector.extract_strided_slice %get3A_214 {offsets = [11], sizes = [1], strides = [1]} : vector<16xf32> to vector<1xf32>
          %squeeze3A_1262 = vector.extract %slice3A_1261[0] : f32 from vector<1xf32>
          %mul3A_1263 = vector.broadcast %squeeze3A_1262 : f32 to vector<16xf32>
          %mul3A_1264 = arith.mulf %get3A_1232, %mul3A_1263 : vector<16xf32>
          %swap3A_1265 = arith.index_cast %add3A_1228 : i32 to index
          %swap3A_1266 = arith.constant 0 : index
          %swap3A_1267 = tpu.vector_load %arg10[%swap3A_1265, %swap3A_1266] {strides = array<i32>} : memref<320x128xf32, #tpu.memory_space<vmem>>, vector<1x16xf32>,
          %swap3A_1268 = vector.shape_cast %swap3A_1267 : vector<1x16xf32> to vector<16xf32>
          %swap3A_1269 = vector.shape_cast %mul3A_1264 : vector<16xf32> to vector<1x16xf32>
          tpu.vector_store %arg10[%swap3A_1265, %swap3A_1266], %swap3A_1269 {strides = array<i32>} : memref<320x128xf32, #tpu.memory_space<vmem>>, vector<1x16xf32>,
          %mul3A_1270 = vector.broadcast %squeeze3A_1262 : f32 to vector<16xf32>
          %mul3A_1271 = arith.mulf %get3A_1236, %mul3A_1270 : vector<16xf32>
          %swap3A_1272 = arith.index_cast %add3A_1228 : i32 to index
          %swap3A_1273 = arith.constant 16 : index
          %swap3A_1274 = tpu.vector_load %arg10[%swap3A_1272, %swap3A_1273] {strides = array<i32>} : memref<320x128xf32, #tpu.memory_space<vmem>>, vector<1x16xf32>,
          %swap3A_1275 = vector.shape_cast %swap3A_1274 : vector<1x16xf32> to vector<16xf32>
          %swap3A_1276 = vector.shape_cast %mul3A_1271 : vector<16xf32> to vector<1x16xf32>
          tpu.vector_store %arg10[%swap3A_1272, %swap3A_1273], %swap3A_1276 {strides = array<i32>} : memref<320x128xf32, #tpu.memory_space<vmem>>, vector<1x16xf32>,
          %mul3A_1277 = vector.broadcast %squeeze3A_1262 : f32 to vector<16xf32>
          %mul3A_1278 = arith.mulf %get3A_1240, %mul3A_1277 : vector<16xf32>
          %swap3A_1279 = arith.index_cast %add3A_1228 : i32 to index
          %swap3A_1280 = arith.constant 32 : index
          %swap3A_1281 = tpu.vector_load %arg10[%swap3A_1279, %swap3A_1280] {strides = array<i32>} : memref<320x128xf32, #tpu.memory_space<vmem>>, vector<1x16xf32>,
          %swap3A_1282 = vector.shape_cast %swap3A_1281 : vector<1x16xf32> to vector<16xf32>
          %swap3A_1283 = vector.shape_cast %mul3A_1278 : vector<16xf32> to vector<1x16xf32>
          tpu.vector_store %arg10[%swap3A_1279, %swap3A_1280], %swap3A_1283 {strides = array<i32>} : memref<320x128xf32, #tpu.memory_space<vmem>>, vector<1x16xf32>,
          %mul3A_1284 = vector.broadcast %squeeze3A_1262 : f32 to vector<16xf32>
          %mul3A_1285 = arith.mulf %get3A_1244, %mul3A_1284 : vector<16xf32>
          %swap3A_1286 = arith.index_cast %add3A_1228 : i32 to index
          %swap3A_1287 = arith.constant 48 : index
          %swap3A_1288 = tpu.vector_load %arg10[%swap3A_1286, %swap3A_1287] {strides = array<i32>} : memref<320x128xf32, #tpu.memory_space<vmem>>, vector<1x16xf32>,
          %swap3A_1289 = vector.shape_cast %swap3A_1288 : vector<1x16xf32> to vector<16xf32>
          %swap3A_1290 = vector.shape_cast %mul3A_1285 : vector<16xf32> to vector<1x16xf32>
          tpu.vector_store %arg10[%swap3A_1286, %swap3A_1287], %swap3A_1290 {strides = array<i32>} : memref<320x128xf32, #tpu.memory_space<vmem>>, vector<1x16xf32>,
          %mul3A_1291 = vector.broadcast %squeeze3A_1262 : f32 to vector<16xf32>
          %mul3A_1292 = arith.mulf %get3A_1248, %mul3A_1291 : vector<16xf32>
          %swap3A_1293 = arith.index_cast %add3A_1228 : i32 to index
          %swap3A_1294 = arith.constant 64 : index
          %swap3A_1295 = tpu.vector_load %arg10[%swap3A_1293, %swap3A_1294] {strides = array<i32>} : memref<320x128xf32, #tpu.memory_space<vmem>>, vector<1x16xf32>,
          %swap3A_1296 = vector.shape_cast %swap3A_1295 : vector<1x16xf32> to vector<16xf32>
          %swap3A_1297 = vector.shape_cast %mul3A_1292 : vector<16xf32> to vector<1x16xf32>
          tpu.vector_store %arg10[%swap3A_1293, %swap3A_1294], %swap3A_1297 {strides = array<i32>} : memref<320x128xf32, #tpu.memory_space<vmem>>, vector<1x16xf32>,
          %mul3A_1298 = vector.broadcast %squeeze3A_1262 : f32 to vector<16xf32>
          %mul3A_1299 = arith.mulf %get3A_1252, %mul3A_1298 : vector<16xf32>
          %swap3A_1300 = arith.index_cast %add3A_1228 : i32 to index
          %swap3A_1301 = arith.constant 80 : index
          %swap3A_1302 = tpu.vector_load %arg10[%swap3A_1300, %swap3A_1301] {strides = array<i32>} : memref<320x128xf32, #tpu.memory_space<vmem>>, vector<1x16xf32>,
          %swap3A_1303 = vector.shape_cast %swap3A_1302 : vector<1x16xf32> to vector<16xf32>
          %swap3A_1304 = vector.shape_cast %mul3A_1299 : vector<16xf32> to vector<1x16xf32>
          tpu.vector_store %arg10[%swap3A_1300, %swap3A_1301], %swap3A_1304 {strides = array<i32>} : memref<320x128xf32, #tpu.memory_space<vmem>>, vector<1x16xf32>,
          %mul3A_1305 = vector.broadcast %squeeze3A_1262 : f32 to vector<16xf32>
          %mul3A_1306 = arith.mulf %get3A_1256, %mul3A_1305 : vector<16xf32>
          %swap3A_1307 = arith.index_cast %add3A_1228 : i32 to index
          %swap3A_1308 = arith.constant 96 : index
          %swap3A_1309 = tpu.vector_load %arg10[%swap3A_1307, %swap3A_1308] {strides = array<i32>} : memref<320x128xf32, #tpu.memory_space<vmem>>, vector<1x16xf32>,
          %swap3A_1310 = vector.shape_cast %swap3A_1309 : vector<1x16xf32> to vector<16xf32>
          %swap3A_1311 = vector.shape_cast %mul3A_1306 : vector<16xf32> to vector<1x16xf32>
          tpu.vector_store %arg10[%swap3A_1307, %swap3A_1308], %swap3A_1311 {strides = array<i32>} : memref<320x128xf32, #tpu.memory_space<vmem>>, vector<1x16xf32>,
          %mul3A_1312 = vector.broadcast %squeeze3A_1262 : f32 to vector<16xf32>
          %mul3A_1313 = arith.mulf %get3A_1260, %mul3A_1312 : vector<16xf32>
          %swap3A_1314 = arith.index_cast %add3A_1228 : i32 to index
          %swap3A_1315 = arith.constant 112 : index
          %swap3A_1316 = tpu.vector_load %arg10[%swap3A_1314, %swap3A_1315] {strides = array<i32>} : memref<320x128xf32, #tpu.memory_space<vmem>>, vector<1x16xf32>,
          %swap3A_1317 = vector.shape_cast %swap3A_1316 : vector<1x16xf32> to vector<16xf32>
          %swap3A_1318 = vector.shape_cast %mul3A_1313 : vector<16xf32> to vector<1x16xf32>
          tpu.vector_store %arg10[%swap3A_1314, %swap3A_1315], %swap3A_1318 {strides = array<i32>} : memref<320x128xf32, #tpu.memory_space<vmem>>, vector<1x16xf32>,
          %add3A_1319 = arith.constant 12 : i32
          %add3A_1320 = arith.addi %add3A_217, %add3A_1319 : i32
          %get3A_1321 = arith.index_cast %add3A_1320 : i32 to index
          %get3A_1322 = arith.constant 0 : index
          %get3A_1323 = tpu.vector_load %arg10[%get3A_1321, %get3A_1322] {strides = array<i32>} : memref<320x128xf32, #tpu.memory_space<vmem>>, vector<1x16xf32>,
          %get3A_1324 = vector.shape_cast %get3A_1323 : vector<1x16xf32> to vector<16xf32>
          %get3A_1325 = arith.index_cast %add3A_1320 : i32 to index
          %get3A_1326 = arith.constant 16 : index
          %get3A_1327 = tpu.vector_load %arg10[%get3A_1325, %get3A_1326] {strides = array<i32>} : memref<320x128xf32, #tpu.memory_space<vmem>>, vector<1x16xf32>,
          %get3A_1328 = vector.shape_cast %get3A_1327 : vector<1x16xf32> to vector<16xf32>
          %get3A_1329 = arith.index_cast %add3A_1320 : i32 to index
          %get3A_1330 = arith.constant 32 : index
          %get3A_1331 = tpu.vector_load %arg10[%get3A_1329, %get3A_1330] {strides = array<i32>} : memref<320x128xf32, #tpu.memory_space<vmem>>, vector<1x16xf32>,
          %get3A_1332 = vector.shape_cast %get3A_1331 : vector<1x16xf32> to vector<16xf32>
          %get3A_1333 = arith.index_cast %add3A_1320 : i32 to index
          %get3A_1334 = arith.constant 48 : index
          %get3A_1335 = tpu.vector_load %arg10[%get3A_1333, %get3A_1334] {strides = array<i32>} : memref<320x128xf32, #tpu.memory_space<vmem>>, vector<1x16xf32>,
          %get3A_1336 = vector.shape_cast %get3A_1335 : vector<1x16xf32> to vector<16xf32>
          %get3A_1337 = arith.index_cast %add3A_1320 : i32 to index
          %get3A_1338 = arith.constant 64 : index
          %get3A_1339 = tpu.vector_load %arg10[%get3A_1337, %get3A_1338] {strides = array<i32>} : memref<320x128xf32, #tpu.memory_space<vmem>>, vector<1x16xf32>,
          %get3A_1340 = vector.shape_cast %get3A_1339 : vector<1x16xf32> to vector<16xf32>
          %get3A_1341 = arith.index_cast %add3A_1320 : i32 to index
          %get3A_1342 = arith.constant 80 : index
          %get3A_1343 = tpu.vector_load %arg10[%get3A_1341, %get3A_1342] {strides = array<i32>} : memref<320x128xf32, #tpu.memory_space<vmem>>, vector<1x16xf32>,
          %get3A_1344 = vector.shape_cast %get3A_1343 : vector<1x16xf32> to vector<16xf32>
          %get3A_1345 = arith.index_cast %add3A_1320 : i32 to index
          %get3A_1346 = arith.constant 96 : index
          %get3A_1347 = tpu.vector_load %arg10[%get3A_1345, %get3A_1346] {strides = array<i32>} : memref<320x128xf32, #tpu.memory_space<vmem>>, vector<1x16xf32>,
          %get3A_1348 = vector.shape_cast %get3A_1347 : vector<1x16xf32> to vector<16xf32>
          %get3A_1349 = arith.index_cast %add3A_1320 : i32 to index
          %get3A_1350 = arith.constant 112 : index
          %get3A_1351 = tpu.vector_load %arg10[%get3A_1349, %get3A_1350] {strides = array<i32>} : memref<320x128xf32, #tpu.memory_space<vmem>>, vector<1x16xf32>,
          %get3A_1352 = vector.shape_cast %get3A_1351 : vector<1x16xf32> to vector<16xf32>
          %slice3A_1353 = vector.extract_strided_slice %get3A_214 {offsets = [12], sizes = [1], strides = [1]} : vector<16xf32> to vector<1xf32>
          %squeeze3A_1354 = vector.extract %slice3A_1353[0] : f32 from vector<1xf32>
          %mul3A_1355 = vector.broadcast %squeeze3A_1354 : f32 to vector<16xf32>
          %mul3A_1356 = arith.mulf %get3A_1324, %mul3A_1355 : vector<16xf32>
          %swap3A_1357 = arith.index_cast %add3A_1320 : i32 to index
          %swap3A_1358 = arith.constant 0 : index
          %swap3A_1359 = tpu.vector_load %arg10[%swap3A_1357, %swap3A_1358] {strides = array<i32>} : memref<320x128xf32, #tpu.memory_space<vmem>>, vector<1x16xf32>,
          %swap3A_1360 = vector.shape_cast %swap3A_1359 : vector<1x16xf32> to vector<16xf32>
          %swap3A_1361 = vector.shape_cast %mul3A_1356 : vector<16xf32> to vector<1x16xf32>
          tpu.vector_store %arg10[%swap3A_1357, %swap3A_1358], %swap3A_1361 {strides = array<i32>} : memref<320x128xf32, #tpu.memory_space<vmem>>, vector<1x16xf32>,
          %mul3A_1362 = vector.broadcast %squeeze3A_1354 : f32 to vector<16xf32>
          %mul3A_1363 = arith.mulf %get3A_1328, %mul3A_1362 : vector<16xf32>
          %swap3A_1364 = arith.index_cast %add3A_1320 : i32 to index
          %swap3A_1365 = arith.constant 16 : index
          %swap3A_1366 = tpu.vector_load %arg10[%swap3A_1364, %swap3A_1365] {strides = array<i32>} : memref<320x128xf32, #tpu.memory_space<vmem>>, vector<1x16xf32>,
          %swap3A_1367 = vector.shape_cast %swap3A_1366 : vector<1x16xf32> to vector<16xf32>
          %swap3A_1368 = vector.shape_cast %mul3A_1363 : vector<16xf32> to vector<1x16xf32>
          tpu.vector_store %arg10[%swap3A_1364, %swap3A_1365], %swap3A_1368 {strides = array<i32>} : memref<320x128xf32, #tpu.memory_space<vmem>>, vector<1x16xf32>,
          %mul3A_1369 = vector.broadcast %squeeze3A_1354 : f32 to vector<16xf32>
          %mul3A_1370 = arith.mulf %get3A_1332, %mul3A_1369 : vector<16xf32>
          %swap3A_1371 = arith.index_cast %add3A_1320 : i32 to index
          %swap3A_1372 = arith.constant 32 : index
          %swap3A_1373 = tpu.vector_load %arg10[%swap3A_1371, %swap3A_1372] {strides = array<i32>} : memref<320x128xf32, #tpu.memory_space<vmem>>, vector<1x16xf32>,
          %swap3A_1374 = vector.shape_cast %swap3A_1373 : vector<1x16xf32> to vector<16xf32>
          %swap3A_1375 = vector.shape_cast %mul3A_1370 : vector<16xf32> to vector<1x16xf32>
          tpu.vector_store %arg10[%swap3A_1371, %swap3A_1372], %swap3A_1375 {strides = array<i32>} : memref<320x128xf32, #tpu.memory_space<vmem>>, vector<1x16xf32>,
          %mul3A_1376 = vector.broadcast %squeeze3A_1354 : f32 to vector<16xf32>
          %mul3A_1377 = arith.mulf %get3A_1336, %mul3A_1376 : vector<16xf32>
          %swap3A_1378 = arith.index_cast %add3A_1320 : i32 to index
          %swap3A_1379 = arith.constant 48 : index
          %swap3A_1380 = tpu.vector_load %arg10[%swap3A_1378, %swap3A_1379] {strides = array<i32>} : memref<320x128xf32, #tpu.memory_space<vmem>>, vector<1x16xf32>,
          %swap3A_1381 = vector.shape_cast %swap3A_1380 : vector<1x16xf32> to vector<16xf32>
          %swap3A_1382 = vector.shape_cast %mul3A_1377 : vector<16xf32> to vector<1x16xf32>
          tpu.vector_store %arg10[%swap3A_1378, %swap3A_1379], %swap3A_1382 {strides = array<i32>} : memref<320x128xf32, #tpu.memory_space<vmem>>, vector<1x16xf32>,
          %mul3A_1383 = vector.broadcast %squeeze3A_1354 : f32 to vector<16xf32>
          %mul3A_1384 = arith.mulf %get3A_1340, %mul3A_1383 : vector<16xf32>
          %swap3A_1385 = arith.index_cast %add3A_1320 : i32 to index
          %swap3A_1386 = arith.constant 64 : index
          %swap3A_1387 = tpu.vector_load %arg10[%swap3A_1385, %swap3A_1386] {strides = array<i32>} : memref<320x128xf32, #tpu.memory_space<vmem>>, vector<1x16xf32>,
          %swap3A_1388 = vector.shape_cast %swap3A_1387 : vector<1x16xf32> to vector<16xf32>
          %swap3A_1389 = vector.shape_cast %mul3A_1384 : vector<16xf32> to vector<1x16xf32>
          tpu.vector_store %arg10[%swap3A_1385, %swap3A_1386], %swap3A_1389 {strides = array<i32>} : memref<320x128xf32, #tpu.memory_space<vmem>>, vector<1x16xf32>,
          %mul3A_1390 = vector.broadcast %squeeze3A_1354 : f32 to vector<16xf32>
          %mul3A_1391 = arith.mulf %get3A_1344, %mul3A_1390 : vector<16xf32>
          %swap3A_1392 = arith.index_cast %add3A_1320 : i32 to index
          %swap3A_1393 = arith.constant 80 : index
          %swap3A_1394 = tpu.vector_load %arg10[%swap3A_1392, %swap3A_1393] {strides = array<i32>} : memref<320x128xf32, #tpu.memory_space<vmem>>, vector<1x16xf32>,
          %swap3A_1395 = vector.shape_cast %swap3A_1394 : vector<1x16xf32> to vector<16xf32>
          %swap3A_1396 = vector.shape_cast %mul3A_1391 : vector<16xf32> to vector<1x16xf32>
          tpu.vector_store %arg10[%swap3A_1392, %swap3A_1393], %swap3A_1396 {strides = array<i32>} : memref<320x128xf32, #tpu.memory_space<vmem>>, vector<1x16xf32>,
          %mul3A_1397 = vector.broadcast %squeeze3A_1354 : f32 to vector<16xf32>
          %mul3A_1398 = arith.mulf %get3A_1348, %mul3A_1397 : vector<16xf32>
          %swap3A_1399 = arith.index_cast %add3A_1320 : i32 to index
          %swap3A_1400 = arith.constant 96 : index
          %swap3A_1401 = tpu.vector_load %arg10[%swap3A_1399, %swap3A_1400] {strides = array<i32>} : memref<320x128xf32, #tpu.memory_space<vmem>>, vector<1x16xf32>,
          %swap3A_1402 = vector.shape_cast %swap3A_1401 : vector<1x16xf32> to vector<16xf32>
          %swap3A_1403 = vector.shape_cast %mul3A_1398 : vector<16xf32> to vector<1x16xf32>
          tpu.vector_store %arg10[%swap3A_1399, %swap3A_1400], %swap3A_1403 {strides = array<i32>} : memref<320x128xf32, #tpu.memory_space<vmem>>, vector<1x16xf32>,
          %mul3A_1404 = vector.broadcast %squeeze3A_1354 : f32 to vector<16xf32>
          %mul3A_1405 = arith.mulf %get3A_1352, %mul3A_1404 : vector<16xf32>
          %swap3A_1406 = arith.index_cast %add3A_1320 : i32 to index
          %swap3A_1407 = arith.constant 112 : index
          %swap3A_1408 = tpu.vector_load %arg10[%swap3A_1406, %swap3A_1407] {strides = array<i32>} : memref<320x128xf32, #tpu.memory_space<vmem>>, vector<1x16xf32>,
          %swap3A_1409 = vector.shape_cast %swap3A_1408 : vector<1x16xf32> to vector<16xf32>
          %swap3A_1410 = vector.shape_cast %mul3A_1405 : vector<16xf32> to vector<1x16xf32>
          tpu.vector_store %arg10[%swap3A_1406, %swap3A_1407], %swap3A_1410 {strides = array<i32>} : memref<320x128xf32, #tpu.memory_space<vmem>>, vector<1x16xf32>,
          %add3A_1411 = arith.constant 13 : i32
          %add3A_1412 = arith.addi %add3A_217, %add3A_1411 : i32
          %get3A_1413 = arith.index_cast %add3A_1412 : i32 to index
          %get3A_1414 = arith.constant 0 : index
          %get3A_1415 = tpu.vector_load %arg10[%get3A_1413, %get3A_1414] {strides = array<i32>} : memref<320x128xf32, #tpu.memory_space<vmem>>, vector<1x16xf32>,
          %get3A_1416 = vector.shape_cast %get3A_1415 : vector<1x16xf32> to vector<16xf32>
          %get3A_1417 = arith.index_cast %add3A_1412 : i32 to index
          %get3A_1418 = arith.constant 16 : index
          %get3A_1419 = tpu.vector_load %arg10[%get3A_1417, %get3A_1418] {strides = array<i32>} : memref<320x128xf32, #tpu.memory_space<vmem>>, vector<1x16xf32>,
          %get3A_1420 = vector.shape_cast %get3A_1419 : vector<1x16xf32> to vector<16xf32>
          %get3A_1421 = arith.index_cast %add3A_1412 : i32 to index
          %get3A_1422 = arith.constant 32 : index
          %get3A_1423 = tpu.vector_load %arg10[%get3A_1421, %get3A_1422] {strides = array<i32>} : memref<320x128xf32, #tpu.memory_space<vmem>>, vector<1x16xf32>,
          %get3A_1424 = vector.shape_cast %get3A_1423 : vector<1x16xf32> to vector<16xf32>
          %get3A_1425 = arith.index_cast %add3A_1412 : i32 to index
          %get3A_1426 = arith.constant 48 : index
          %get3A_1427 = tpu.vector_load %arg10[%get3A_1425, %get3A_1426] {strides = array<i32>} : memref<320x128xf32, #tpu.memory_space<vmem>>, vector<1x16xf32>,
          %get3A_1428 = vector.shape_cast %get3A_1427 : vector<1x16xf32> to vector<16xf32>
          %get3A_1429 = arith.index_cast %add3A_1412 : i32 to index
          %get3A_1430 = arith.constant 64 : index
          %get3A_1431 = tpu.vector_load %arg10[%get3A_1429, %get3A_1430] {strides = array<i32>} : memref<320x128xf32, #tpu.memory_space<vmem>>, vector<1x16xf32>,
          %get3A_1432 = vector.shape_cast %get3A_1431 : vector<1x16xf32> to vector<16xf32>
          %get3A_1433 = arith.index_cast %add3A_1412 : i32 to index
          %get3A_1434 = arith.constant 80 : index
          %get3A_1435 = tpu.vector_load %arg10[%get3A_1433, %get3A_1434] {strides = array<i32>} : memref<320x128xf32, #tpu.memory_space<vmem>>, vector<1x16xf32>,
          %get3A_1436 = vector.shape_cast %get3A_1435 : vector<1x16xf32> to vector<16xf32>
          %get3A_1437 = arith.index_cast %add3A_1412 : i32 to index
          %get3A_1438 = arith.constant 96 : index
          %get3A_1439 = tpu.vector_load %arg10[%get3A_1437, %get3A_1438] {strides = array<i32>} : memref<320x128xf32, #tpu.memory_space<vmem>>, vector<1x16xf32>,
          %get3A_1440 = vector.shape_cast %get3A_1439 : vector<1x16xf32> to vector<16xf32>
          %get3A_1441 = arith.index_cast %add3A_1412 : i32 to index
          %get3A_1442 = arith.constant 112 : index
          %get3A_1443 = tpu.vector_load %arg10[%get3A_1441, %get3A_1442] {strides = array<i32>} : memref<320x128xf32, #tpu.memory_space<vmem>>, vector<1x16xf32>,
          %get3A_1444 = vector.shape_cast %get3A_1443 : vector<1x16xf32> to vector<16xf32>
          %slice3A_1445 = vector.extract_strided_slice %get3A_214 {offsets = [13], sizes = [1], strides = [1]} : vector<16xf32> to vector<1xf32>
          %squeeze3A_1446 = vector.extract %slice3A_1445[0] : f32 from vector<1xf32>
          %mul3A_1447 = vector.broadcast %squeeze3A_1446 : f32 to vector<16xf32>
          %mul3A_1448 = arith.mulf %get3A_1416, %mul3A_1447 : vector<16xf32>
          %swap3A_1449 = arith.index_cast %add3A_1412 : i32 to index
          %swap3A_1450 = arith.constant 0 : index
          %swap3A_1451 = tpu.vector_load %arg10[%swap3A_1449, %swap3A_1450] {strides = array<i32>} : memref<320x128xf32, #tpu.memory_space<vmem>>, vector<1x16xf32>,
          %swap3A_1452 = vector.shape_cast %swap3A_1451 : vector<1x16xf32> to vector<16xf32>
          %swap3A_1453 = vector.shape_cast %mul3A_1448 : vector<16xf32> to vector<1x16xf32>
          tpu.vector_store %arg10[%swap3A_1449, %swap3A_1450], %swap3A_1453 {strides = array<i32>} : memref<320x128xf32, #tpu.memory_space<vmem>>, vector<1x16xf32>,
          %mul3A_1454 = vector.broadcast %squeeze3A_1446 : f32 to vector<16xf32>
          %mul3A_1455 = arith.mulf %get3A_1420, %mul3A_1454 : vector<16xf32>
          %swap3A_1456 = arith.index_cast %add3A_1412 : i32 to index
          %swap3A_1457 = arith.constant 16 : index
          %swap3A_1458 = tpu.vector_load %arg10[%swap3A_1456, %swap3A_1457] {strides = array<i32>} : memref<320x128xf32, #tpu.memory_space<vmem>>, vector<1x16xf32>,
          %swap3A_1459 = vector.shape_cast %swap3A_1458 : vector<1x16xf32> to vector<16xf32>
          %swap3A_1460 = vector.shape_cast %mul3A_1455 : vector<16xf32> to vector<1x16xf32>
          tpu.vector_store %arg10[%swap3A_1456, %swap3A_1457], %swap3A_1460 {strides = array<i32>} : memref<320x128xf32, #tpu.memory_space<vmem>>, vector<1x16xf32>,
          %mul3A_1461 = vector.broadcast %squeeze3A_1446 : f32 to vector<16xf32>
          %mul3A_1462 = arith.mulf %get3A_1424, %mul3A_1461 : vector<16xf32>
          %swap3A_1463 = arith.index_cast %add3A_1412 : i32 to index
          %swap3A_1464 = arith.constant 32 : index
          %swap3A_1465 = tpu.vector_load %arg10[%swap3A_1463, %swap3A_1464] {strides = array<i32>} : memref<320x128xf32, #tpu.memory_space<vmem>>, vector<1x16xf32>,
          %swap3A_1466 = vector.shape_cast %swap3A_1465 : vector<1x16xf32> to vector<16xf32>
          %swap3A_1467 = vector.shape_cast %mul3A_1462 : vector<16xf32> to vector<1x16xf32>
          tpu.vector_store %arg10[%swap3A_1463, %swap3A_1464], %swap3A_1467 {strides = array<i32>} : memref<320x128xf32, #tpu.memory_space<vmem>>, vector<1x16xf32>,
          %mul3A_1468 = vector.broadcast %squeeze3A_1446 : f32 to vector<16xf32>
          %mul3A_1469 = arith.mulf %get3A_1428, %mul3A_1468 : vector<16xf32>
          %swap3A_1470 = arith.index_cast %add3A_1412 : i32 to index
          %swap3A_1471 = arith.constant 48 : index
          %swap3A_1472 = tpu.vector_load %arg10[%swap3A_1470, %swap3A_1471] {strides = array<i32>} : memref<320x128xf32, #tpu.memory_space<vmem>>, vector<1x16xf32>,
          %swap3A_1473 = vector.shape_cast %swap3A_1472 : vector<1x16xf32> to vector<16xf32>
          %swap3A_1474 = vector.shape_cast %mul3A_1469 : vector<16xf32> to vector<1x16xf32>
          tpu.vector_store %arg10[%swap3A_1470, %swap3A_1471], %swap3A_1474 {strides = array<i32>} : memref<320x128xf32, #tpu.memory_space<vmem>>, vector<1x16xf32>,
          %mul3A_1475 = vector.broadcast %squeeze3A_1446 : f32 to vector<16xf32>
          %mul3A_1476 = arith.mulf %get3A_1432, %mul3A_1475 : vector<16xf32>
          %swap3A_1477 = arith.index_cast %add3A_1412 : i32 to index
          %swap3A_1478 = arith.constant 64 : index
          %swap3A_1479 = tpu.vector_load %arg10[%swap3A_1477, %swap3A_1478] {strides = array<i32>} : memref<320x128xf32, #tpu.memory_space<vmem>>, vector<1x16xf32>,
          %swap3A_1480 = vector.shape_cast %swap3A_1479 : vector<1x16xf32> to vector<16xf32>
          %swap3A_1481 = vector.shape_cast %mul3A_1476 : vector<16xf32> to vector<1x16xf32>
          tpu.vector_store %arg10[%swap3A_1477, %swap3A_1478], %swap3A_1481 {strides = array<i32>} : memref<320x128xf32, #tpu.memory_space<vmem>>, vector<1x16xf32>,
          %mul3A_1482 = vector.broadcast %squeeze3A_1446 : f32 to vector<16xf32>
          %mul3A_1483 = arith.mulf %get3A_1436, %mul3A_1482 : vector<16xf32>
          %swap3A_1484 = arith.index_cast %add3A_1412 : i32 to index
          %swap3A_1485 = arith.constant 80 : index
          %swap3A_1486 = tpu.vector_load %arg10[%swap3A_1484, %swap3A_1485] {strides = array<i32>} : memref<320x128xf32, #tpu.memory_space<vmem>>, vector<1x16xf32>,
          %swap3A_1487 = vector.shape_cast %swap3A_1486 : vector<1x16xf32> to vector<16xf32>
          %swap3A_1488 = vector.shape_cast %mul3A_1483 : vector<16xf32> to vector<1x16xf32>
          tpu.vector_store %arg10[%swap3A_1484, %swap3A_1485], %swap3A_1488 {strides = array<i32>} : memref<320x128xf32, #tpu.memory_space<vmem>>, vector<1x16xf32>,
          %mul3A_1489 = vector.broadcast %squeeze3A_1446 : f32 to vector<16xf32>
          %mul3A_1490 = arith.mulf %get3A_1440, %mul3A_1489 : vector<16xf32>
          %swap3A_1491 = arith.index_cast %add3A_1412 : i32 to index
          %swap3A_1492 = arith.constant 96 : index
          %swap3A_1493 = tpu.vector_load %arg10[%swap3A_1491, %swap3A_1492] {strides = array<i32>} : memref<320x128xf32, #tpu.memory_space<vmem>>, vector<1x16xf32>,
          %swap3A_1494 = vector.shape_cast %swap3A_1493 : vector<1x16xf32> to vector<16xf32>
          %swap3A_1495 = vector.shape_cast %mul3A_1490 : vector<16xf32> to vector<1x16xf32>
          tpu.vector_store %arg10[%swap3A_1491, %swap3A_1492], %swap3A_1495 {strides = array<i32>} : memref<320x128xf32, #tpu.memory_space<vmem>>, vector<1x16xf32>,
          %mul3A_1496 = vector.broadcast %squeeze3A_1446 : f32 to vector<16xf32>
          %mul3A_1497 = arith.mulf %get3A_1444, %mul3A_1496 : vector<16xf32>
          %swap3A_1498 = arith.index_cast %add3A_1412 : i32 to index
          %swap3A_1499 = arith.constant 112 : index
          %swap3A_1500 = tpu.vector_load %arg10[%swap3A_1498, %swap3A_1499] {strides = array<i32>} : memref<320x128xf32, #tpu.memory_space<vmem>>, vector<1x16xf32>,
          %swap3A_1501 = vector.shape_cast %swap3A_1500 : vector<1x16xf32> to vector<16xf32>
          %swap3A_1502 = vector.shape_cast %mul3A_1497 : vector<16xf32> to vector<1x16xf32>
          tpu.vector_store %arg10[%swap3A_1498, %swap3A_1499], %swap3A_1502 {strides = array<i32>} : memref<320x128xf32, #tpu.memory_space<vmem>>, vector<1x16xf32>,
          %add3A_1503 = arith.constant 14 : i32
          %add3A_1504 = arith.addi %add3A_217, %add3A_1503 : i32
          %get3A_1505 = arith.index_cast %add3A_1504 : i32 to index
          %get3A_1506 = arith.constant 0 : index
          %get3A_1507 = tpu.vector_load %arg10[%get3A_1505, %get3A_1506] {strides = array<i32>} : memref<320x128xf32, #tpu.memory_space<vmem>>, vector<1x16xf32>,
          %get3A_1508 = vector.shape_cast %get3A_1507 : vector<1x16xf32> to vector<16xf32>
          %get3A_1509 = arith.index_cast %add3A_1504 : i32 to index
          %get3A_1510 = arith.constant 16 : index
          %get3A_1511 = tpu.vector_load %arg10[%get3A_1509, %get3A_1510] {strides = array<i32>} : memref<320x128xf32, #tpu.memory_space<vmem>>, vector<1x16xf32>,
          %get3A_1512 = vector.shape_cast %get3A_1511 : vector<1x16xf32> to vector<16xf32>
          %get3A_1513 = arith.index_cast %add3A_1504 : i32 to index
          %get3A_1514 = arith.constant 32 : index
          %get3A_1515 = tpu.vector_load %arg10[%get3A_1513, %get3A_1514] {strides = array<i32>} : memref<320x128xf32, #tpu.memory_space<vmem>>, vector<1x16xf32>,
          %get3A_1516 = vector.shape_cast %get3A_1515 : vector<1x16xf32> to vector<16xf32>
          %get3A_1517 = arith.index_cast %add3A_1504 : i32 to index
          %get3A_1518 = arith.constant 48 : index
          %get3A_1519 = tpu.vector_load %arg10[%get3A_1517, %get3A_1518] {strides = array<i32>} : memref<320x128xf32, #tpu.memory_space<vmem>>, vector<1x16xf32>,
          %get3A_1520 = vector.shape_cast %get3A_1519 : vector<1x16xf32> to vector<16xf32>
          %get3A_1521 = arith.index_cast %add3A_1504 : i32 to index
          %get3A_1522 = arith.constant 64 : index
          %get3A_1523 = tpu.vector_load %arg10[%get3A_1521, %get3A_1522] {strides = array<i32>} : memref<320x128xf32, #tpu.memory_space<vmem>>, vector<1x16xf32>,
          %get3A_1524 = vector.shape_cast %get3A_1523 : vector<1x16xf32> to vector<16xf32>
          %get3A_1525 = arith.index_cast %add3A_1504 : i32 to index
          %get3A_1526 = arith.constant 80 : index
          %get3A_1527 = tpu.vector_load %arg10[%get3A_1525, %get3A_1526] {strides = array<i32>} : memref<320x128xf32, #tpu.memory_space<vmem>>, vector<1x16xf32>,
          %get3A_1528 = vector.shape_cast %get3A_1527 : vector<1x16xf32> to vector<16xf32>
          %get3A_1529 = arith.index_cast %add3A_1504 : i32 to index
          %get3A_1530 = arith.constant 96 : index
          %get3A_1531 = tpu.vector_load %arg10[%get3A_1529, %get3A_1530] {strides = array<i32>} : memref<320x128xf32, #tpu.memory_space<vmem>>, vector<1x16xf32>,
          %get3A_1532 = vector.shape_cast %get3A_1531 : vector<1x16xf32> to vector<16xf32>
          %get3A_1533 = arith.index_cast %add3A_1504 : i32 to index
          %get3A_1534 = arith.constant 112 : index
          %get3A_1535 = tpu.vector_load %arg10[%get3A_1533, %get3A_1534] {strides = array<i32>} : memref<320x128xf32, #tpu.memory_space<vmem>>, vector<1x16xf32>,
          %get3A_1536 = vector.shape_cast %get3A_1535 : vector<1x16xf32> to vector<16xf32>
          %slice3A_1537 = vector.extract_strided_slice %get3A_214 {offsets = [14], sizes = [1], strides = [1]} : vector<16xf32> to vector<1xf32>
          %squeeze3A_1538 = vector.extract %slice3A_1537[0] : f32 from vector<1xf32>
          %mul3A_1539 = vector.broadcast %squeeze3A_1538 : f32 to vector<16xf32>
          %mul3A_1540 = arith.mulf %get3A_1508, %mul3A_1539 : vector<16xf32>
          %swap3A_1541 = arith.index_cast %add3A_1504 : i32 to index
          %swap3A_1542 = arith.constant 0 : index
          %swap3A_1543 = tpu.vector_load %arg10[%swap3A_1541, %swap3A_1542] {strides = array<i32>} : memref<320x128xf32, #tpu.memory_space<vmem>>, vector<1x16xf32>,
          %swap3A_1544 = vector.shape_cast %swap3A_1543 : vector<1x16xf32> to vector<16xf32>
          %swap3A_1545 = vector.shape_cast %mul3A_1540 : vector<16xf32> to vector<1x16xf32>
          tpu.vector_store %arg10[%swap3A_1541, %swap3A_1542], %swap3A_1545 {strides = array<i32>} : memref<320x128xf32, #tpu.memory_space<vmem>>, vector<1x16xf32>,
          %mul3A_1546 = vector.broadcast %squeeze3A_1538 : f32 to vector<16xf32>
          %mul3A_1547 = arith.mulf %get3A_1512, %mul3A_1546 : vector<16xf32>
          %swap3A_1548 = arith.index_cast %add3A_1504 : i32 to index
          %swap3A_1549 = arith.constant 16 : index
          %swap3A_1550 = tpu.vector_load %arg10[%swap3A_1548, %swap3A_1549] {strides = array<i32>} : memref<320x128xf32, #tpu.memory_space<vmem>>, vector<1x16xf32>,
          %swap3A_1551 = vector.shape_cast %swap3A_1550 : vector<1x16xf32> to vector<16xf32>
          %swap3A_1552 = vector.shape_cast %mul3A_1547 : vector<16xf32> to vector<1x16xf32>
          tpu.vector_store %arg10[%swap3A_1548, %swap3A_1549], %swap3A_1552 {strides = array<i32>} : memref<320x128xf32, #tpu.memory_space<vmem>>, vector<1x16xf32>,
          %mul3A_1553 = vector.broadcast %squeeze3A_1538 : f32 to vector<16xf32>
          %mul3A_1554 = arith.mulf %get3A_1516, %mul3A_1553 : vector<16xf32>
          %swap3A_1555 = arith.index_cast %add3A_1504 : i32 to index
          %swap3A_1556 = arith.constant 32 : index
          %swap3A_1557 = tpu.vector_load %arg10[%swap3A_1555, %swap3A_1556] {strides = array<i32>} : memref<320x128xf32, #tpu.memory_space<vmem>>, vector<1x16xf32>,
          %swap3A_1558 = vector.shape_cast %swap3A_1557 : vector<1x16xf32> to vector<16xf32>
          %swap3A_1559 = vector.shape_cast %mul3A_1554 : vector<16xf32> to vector<1x16xf32>
          tpu.vector_store %arg10[%swap3A_1555, %swap3A_1556], %swap3A_1559 {strides = array<i32>} : memref<320x128xf32, #tpu.memory_space<vmem>>, vector<1x16xf32>,
          %mul3A_1560 = vector.broadcast %squeeze3A_1538 : f32 to vector<16xf32>
          %mul3A_1561 = arith.mulf %get3A_1520, %mul3A_1560 : vector<16xf32>
          %swap3A_1562 = arith.index_cast %add3A_1504 : i32 to index
          %swap3A_1563 = arith.constant 48 : index
          %swap3A_1564 = tpu.vector_load %arg10[%swap3A_1562, %swap3A_1563] {strides = array<i32>} : memref<320x128xf32, #tpu.memory_space<vmem>>, vector<1x16xf32>,
          %swap3A_1565 = vector.shape_cast %swap3A_1564 : vector<1x16xf32> to vector<16xf32>
          %swap3A_1566 = vector.shape_cast %mul3A_1561 : vector<16xf32> to vector<1x16xf32>
          tpu.vector_store %arg10[%swap3A_1562, %swap3A_1563], %swap3A_1566 {strides = array<i32>} : memref<320x128xf32, #tpu.memory_space<vmem>>, vector<1x16xf32>,
          %mul3A_1567 = vector.broadcast %squeeze3A_1538 : f32 to vector<16xf32>
          %mul3A_1568 = arith.mulf %get3A_1524, %mul3A_1567 : vector<16xf32>
          %swap3A_1569 = arith.index_cast %add3A_1504 : i32 to index
          %swap3A_1570 = arith.constant 64 : index
          %swap3A_1571 = tpu.vector_load %arg10[%swap3A_1569, %swap3A_1570] {strides = array<i32>} : memref<320x128xf32, #tpu.memory_space<vmem>>, vector<1x16xf32>,
          %swap3A_1572 = vector.shape_cast %swap3A_1571 : vector<1x16xf32> to vector<16xf32>
          %swap3A_1573 = vector.shape_cast %mul3A_1568 : vector<16xf32> to vector<1x16xf32>
          tpu.vector_store %arg10[%swap3A_1569, %swap3A_1570], %swap3A_1573 {strides = array<i32>} : memref<320x128xf32, #tpu.memory_space<vmem>>, vector<1x16xf32>,
          %mul3A_1574 = vector.broadcast %squeeze3A_1538 : f32 to vector<16xf32>
          %mul3A_1575 = arith.mulf %get3A_1528, %mul3A_1574 : vector<16xf32>
          %swap3A_1576 = arith.index_cast %add3A_1504 : i32 to index
          %swap3A_1577 = arith.constant 80 : index
          %swap3A_1578 = tpu.vector_load %arg10[%swap3A_1576, %swap3A_1577] {strides = array<i32>} : memref<320x128xf32, #tpu.memory_space<vmem>>, vector<1x16xf32>,
          %swap3A_1579 = vector.shape_cast %swap3A_1578 : vector<1x16xf32> to vector<16xf32>
          %swap3A_1580 = vector.shape_cast %mul3A_1575 : vector<16xf32> to vector<1x16xf32>
          tpu.vector_store %arg10[%swap3A_1576, %swap3A_1577], %swap3A_1580 {strides = array<i32>} : memref<320x128xf32, #tpu.memory_space<vmem>>, vector<1x16xf32>,
          %mul3A_1581 = vector.broadcast %squeeze3A_1538 : f32 to vector<16xf32>
          %mul3A_1582 = arith.mulf %get3A_1532, %mul3A_1581 : vector<16xf32>
          %swap3A_1583 = arith.index_cast %add3A_1504 : i32 to index
          %swap3A_1584 = arith.constant 96 : index
          %swap3A_1585 = tpu.vector_load %arg10[%swap3A_1583, %swap3A_1584] {strides = array<i32>} : memref<320x128xf32, #tpu.memory_space<vmem>>, vector<1x16xf32>,
          %swap3A_1586 = vector.shape_cast %swap3A_1585 : vector<1x16xf32> to vector<16xf32>
          %swap3A_1587 = vector.shape_cast %mul3A_1582 : vector<16xf32> to vector<1x16xf32>
          tpu.vector_store %arg10[%swap3A_1583, %swap3A_1584], %swap3A_1587 {strides = array<i32>} : memref<320x128xf32, #tpu.memory_space<vmem>>, vector<1x16xf32>,
          %mul3A_1588 = vector.broadcast %squeeze3A_1538 : f32 to vector<16xf32>
          %mul3A_1589 = arith.mulf %get3A_1536, %mul3A_1588 : vector<16xf32>
          %swap3A_1590 = arith.index_cast %add3A_1504 : i32 to index
          %swap3A_1591 = arith.constant 112 : index
          %swap3A_1592 = tpu.vector_load %arg10[%swap3A_1590, %swap3A_1591] {strides = array<i32>} : memref<320x128xf32, #tpu.memory_space<vmem>>, vector<1x16xf32>,
          %swap3A_1593 = vector.shape_cast %swap3A_1592 : vector<1x16xf32> to vector<16xf32>
          %swap3A_1594 = vector.shape_cast %mul3A_1589 : vector<16xf32> to vector<1x16xf32>
          tpu.vector_store %arg10[%swap3A_1590, %swap3A_1591], %swap3A_1594 {strides = array<i32>} : memref<320x128xf32, #tpu.memory_space<vmem>>, vector<1x16xf32>,
          %add3A_1595 = arith.constant 15 : i32
          %add3A_1596 = arith.addi %add3A_217, %add3A_1595 : i32
          %get3A_1597 = arith.index_cast %add3A_1596 : i32 to index
          %get3A_1598 = arith.constant 0 : index
          %get3A_1599 = tpu.vector_load %arg10[%get3A_1597, %get3A_1598] {strides = array<i32>} : memref<320x128xf32, #tpu.memory_space<vmem>>, vector<1x16xf32>,
          %get3A_1600 = vector.shape_cast %get3A_1599 : vector<1x16xf32> to vector<16xf32>
          %get3A_1601 = arith.index_cast %add3A_1596 : i32 to index
          %get3A_1602 = arith.constant 16 : index
          %get3A_1603 = tpu.vector_load %arg10[%get3A_1601, %get3A_1602] {strides = array<i32>} : memref<320x128xf32, #tpu.memory_space<vmem>>, vector<1x16xf32>,
          %get3A_1604 = vector.shape_cast %get3A_1603 : vector<1x16xf32> to vector<16xf32>
          %get3A_1605 = arith.index_cast %add3A_1596 : i32 to index
          %get3A_1606 = arith.constant 32 : index
          %get3A_1607 = tpu.vector_load %arg10[%get3A_1605, %get3A_1606] {strides = array<i32>} : memref<320x128xf32, #tpu.memory_space<vmem>>, vector<1x16xf32>,
          %get3A_1608 = vector.shape_cast %get3A_1607 : vector<1x16xf32> to vector<16xf32>
          %get3A_1609 = arith.index_cast %add3A_1596 : i32 to index
          %get3A_1610 = arith.constant 48 : index
          %get3A_1611 = tpu.vector_load %arg10[%get3A_1609, %get3A_1610] {strides = array<i32>} : memref<320x128xf32, #tpu.memory_space<vmem>>, vector<1x16xf32>,
          %get3A_1612 = vector.shape_cast %get3A_1611 : vector<1x16xf32> to vector<16xf32>
          %get3A_1613 = arith.index_cast %add3A_1596 : i32 to index
          %get3A_1614 = arith.constant 64 : index
          %get3A_1615 = tpu.vector_load %arg10[%get3A_1613, %get3A_1614] {strides = array<i32>} : memref<320x128xf32, #tpu.memory_space<vmem>>, vector<1x16xf32>,
          %get3A_1616 = vector.shape_cast %get3A_1615 : vector<1x16xf32> to vector<16xf32>
          %get3A_1617 = arith.index_cast %add3A_1596 : i32 to index
          %get3A_1618 = arith.constant 80 : index
          %get3A_1619 = tpu.vector_load %arg10[%get3A_1617, %get3A_1618] {strides = array<i32>} : memref<320x128xf32, #tpu.memory_space<vmem>>, vector<1x16xf32>,
          %get3A_1620 = vector.shape_cast %get3A_1619 : vector<1x16xf32> to vector<16xf32>
          %get3A_1621 = arith.index_cast %add3A_1596 : i32 to index
          %get3A_1622 = arith.constant 96 : index
          %get3A_1623 = tpu.vector_load %arg10[%get3A_1621, %get3A_1622] {strides = array<i32>} : memref<320x128xf32, #tpu.memory_space<vmem>>, vector<1x16xf32>,
          %get3A_1624 = vector.shape_cast %get3A_1623 : vector<1x16xf32> to vector<16xf32>
          %get3A_1625 = arith.index_cast %add3A_1596 : i32 to index
          %get3A_1626 = arith.constant 112 : index
          %get3A_1627 = tpu.vector_load %arg10[%get3A_1625, %get3A_1626] {strides = array<i32>} : memref<320x128xf32, #tpu.memory_space<vmem>>, vector<1x16xf32>,
          %get3A_1628 = vector.shape_cast %get3A_1627 : vector<1x16xf32> to vector<16xf32>
          %slice3A_1629 = vector.extract_strided_slice %get3A_214 {offsets = [15], sizes = [1], strides = [1]} : vector<16xf32> to vector<1xf32>
          %squeeze3A_1630 = vector.extract %slice3A_1629[0] : f32 from vector<1xf32>
          %mul3A_1631 = vector.broadcast %squeeze3A_1630 : f32 to vector<16xf32>
          %mul3A_1632 = arith.mulf %get3A_1600, %mul3A_1631 : vector<16xf32>
          %swap3A_1633 = arith.index_cast %add3A_1596 : i32 to index
          %swap3A_1634 = arith.constant 0 : index
          %swap3A_1635 = tpu.vector_load %arg10[%swap3A_1633, %swap3A_1634] {strides = array<i32>} : memref<320x128xf32, #tpu.memory_space<vmem>>, vector<1x16xf32>,
          %swap3A_1636 = vector.shape_cast %swap3A_1635 : vector<1x16xf32> to vector<16xf32>
          %swap3A_1637 = vector.shape_cast %mul3A_1632 : vector<16xf32> to vector<1x16xf32>
          tpu.vector_store %arg10[%swap3A_1633, %swap3A_1634], %swap3A_1637 {strides = array<i32>} : memref<320x128xf32, #tpu.memory_space<vmem>>, vector<1x16xf32>,
          %mul3A_1638 = vector.broadcast %squeeze3A_1630 : f32 to vector<16xf32>
          %mul3A_1639 = arith.mulf %get3A_1604, %mul3A_1638 : vector<16xf32>
          %swap3A_1640 = arith.index_cast %add3A_1596 : i32 to index
          %swap3A_1641 = arith.constant 16 : index
          %swap3A_1642 = tpu.vector_load %arg10[%swap3A_1640, %swap3A_1641] {strides = array<i32>} : memref<320x128xf32, #tpu.memory_space<vmem>>, vector<1x16xf32>,
          %swap3A_1643 = vector.shape_cast %swap3A_1642 : vector<1x16xf32> to vector<16xf32>
          %swap3A_1644 = vector.shape_cast %mul3A_1639 : vector<16xf32> to vector<1x16xf32>
          tpu.vector_store %arg10[%swap3A_1640, %swap3A_1641], %swap3A_1644 {strides = array<i32>} : memref<320x128xf32, #tpu.memory_space<vmem>>, vector<1x16xf32>,
          %mul3A_1645 = vector.broadcast %squeeze3A_1630 : f32 to vector<16xf32>
          %mul3A_1646 = arith.mulf %get3A_1608, %mul3A_1645 : vector<16xf32>
          %swap3A_1647 = arith.index_cast %add3A_1596 : i32 to index
          %swap3A_1648 = arith.constant 32 : index
          %swap3A_1649 = tpu.vector_load %arg10[%swap3A_1647, %swap3A_1648] {strides = array<i32>} : memref<320x128xf32, #tpu.memory_space<vmem>>, vector<1x16xf32>,
          %swap3A_1650 = vector.shape_cast %swap3A_1649 : vector<1x16xf32> to vector<16xf32>
          %swap3A_1651 = vector.shape_cast %mul3A_1646 : vector<16xf32> to vector<1x16xf32>
          tpu.vector_store %arg10[%swap3A_1647, %swap3A_1648], %swap3A_1651 {strides = array<i32>} : memref<320x128xf32, #tpu.memory_space<vmem>>, vector<1x16xf32>,
          %mul3A_1652 = vector.broadcast %squeeze3A_1630 : f32 to vector<16xf32>
          %mul3A_1653 = arith.mulf %get3A_1612, %mul3A_1652 : vector<16xf32>
          %swap3A_1654 = arith.index_cast %add3A_1596 : i32 to index
          %swap3A_1655 = arith.constant 48 : index
          %swap3A_1656 = tpu.vector_load %arg10[%swap3A_1654, %swap3A_1655] {strides = array<i32>} : memref<320x128xf32, #tpu.memory_space<vmem>>, vector<1x16xf32>,
          %swap3A_1657 = vector.shape_cast %swap3A_1656 : vector<1x16xf32> to vector<16xf32>
          %swap3A_1658 = vector.shape_cast %mul3A_1653 : vector<16xf32> to vector<1x16xf32>
          tpu.vector_store %arg10[%swap3A_1654, %swap3A_1655], %swap3A_1658 {strides = array<i32>} : memref<320x128xf32, #tpu.memory_space<vmem>>, vector<1x16xf32>,
          %mul3A_1659 = vector.broadcast %squeeze3A_1630 : f32 to vector<16xf32>
          %mul3A_1660 = arith.mulf %get3A_1616, %mul3A_1659 : vector<16xf32>
          %swap3A_1661 = arith.index_cast %add3A_1596 : i32 to index
          %swap3A_1662 = arith.constant 64 : index
          %swap3A_1663 = tpu.vector_load %arg10[%swap3A_1661, %swap3A_1662] {strides = array<i32>} : memref<320x128xf32, #tpu.memory_space<vmem>>, vector<1x16xf32>,
          %swap3A_1664 = vector.shape_cast %swap3A_1663 : vector<1x16xf32> to vector<16xf32>
          %swap3A_1665 = vector.shape_cast %mul3A_1660 : vector<16xf32> to vector<1x16xf32>
          tpu.vector_store %arg10[%swap3A_1661, %swap3A_1662], %swap3A_1665 {strides = array<i32>} : memref<320x128xf32, #tpu.memory_space<vmem>>, vector<1x16xf32>,
          %mul3A_1666 = vector.broadcast %squeeze3A_1630 : f32 to vector<16xf32>
          %mul3A_1667 = arith.mulf %get3A_1620, %mul3A_1666 : vector<16xf32>
          %swap3A_1668 = arith.index_cast %add3A_1596 : i32 to index
          %swap3A_1669 = arith.constant 80 : index
          %swap3A_1670 = tpu.vector_load %arg10[%swap3A_1668, %swap3A_1669] {strides = array<i32>} : memref<320x128xf32, #tpu.memory_space<vmem>>, vector<1x16xf32>,
          %swap3A_1671 = vector.shape_cast %swap3A_1670 : vector<1x16xf32> to vector<16xf32>
          %swap3A_1672 = vector.shape_cast %mul3A_1667 : vector<16xf32> to vector<1x16xf32>
          tpu.vector_store %arg10[%swap3A_1668, %swap3A_1669], %swap3A_1672 {strides = array<i32>} : memref<320x128xf32, #tpu.memory_space<vmem>>, vector<1x16xf32>,
          %mul3A_1673 = vector.broadcast %squeeze3A_1630 : f32 to vector<16xf32>
          %mul3A_1674 = arith.mulf %get3A_1624, %mul3A_1673 : vector<16xf32>
          %swap3A_1675 = arith.index_cast %add3A_1596 : i32 to index
          %swap3A_1676 = arith.constant 96 : index
          %swap3A_1677 = tpu.vector_load %arg10[%swap3A_1675, %swap3A_1676] {strides = array<i32>} : memref<320x128xf32, #tpu.memory_space<vmem>>, vector<1x16xf32>,
          %swap3A_1678 = vector.shape_cast %swap3A_1677 : vector<1x16xf32> to vector<16xf32>
          %swap3A_1679 = vector.shape_cast %mul3A_1674 : vector<16xf32> to vector<1x16xf32>
          tpu.vector_store %arg10[%swap3A_1675, %swap3A_1676], %swap3A_1679 {strides = array<i32>} : memref<320x128xf32, #tpu.memory_space<vmem>>, vector<1x16xf32>,
          %mul3A_1680 = vector.broadcast %squeeze3A_1630 : f32 to vector<16xf32>
          %mul3A_1681 = arith.mulf %get3A_1628, %mul3A_1680 : vector<16xf32>
          %swap3A_1682 = arith.index_cast %add3A_1596 : i32 to index
          %swap3A_1683 = arith.constant 112 : index
          %swap3A_1684 = tpu.vector_load %arg10[%swap3A_1682, %swap3A_1683] {strides = array<i32>} : memref<320x128xf32, #tpu.memory_space<vmem>>, vector<1x16xf32>,
          %swap3A_1685 = vector.shape_cast %swap3A_1684 : vector<1x16xf32> to vector<16xf32>
          %swap3A_1686 = vector.shape_cast %mul3A_1681 : vector<16xf32> to vector<1x16xf32>
          tpu.vector_store %arg10[%swap3A_1682, %swap3A_1683], %swap3A_1686 {strides = array<i32>} : memref<320x128xf32, #tpu.memory_space<vmem>>, vector<1x16xf32>,
        }
        %scan3A_194 = arith.constant 5 : i32
        %and3A_195 = arith.constant 3 : i32
        %and3A_196 = arith.andi %scan3A_151, %and3A_195 : i32
        %mul3A_197 = arith.constant 80 : i32
        %mul3A_198 = arith.muli %and3A_196, %mul3A_197 : i32
        %and3A_199 = arith.constant 7 : i32
        %and3A_200 = arith.andi %scan3A_151, %and3A_199 : i32
        %dma_start3A_201 = arith.constant 0 : i32
        %dma_start3A_202 = tpu.memref_slice %arg10[%mul3A_198, %dma_start3A_201] : memref<320x128xf32, #tpu.memory_space<vmem>> -> memref<80x128xf32, #tpu.memory_space<vmem>>
        %dma_start3A_203 = arith.constant 0 : i32
        %dma_start3A_204 = tpu.memref_slice %arg8[%and3A_200, %dma_start3A_203] : memref<8x80xi32, #tpu.memory_space<vmem>> -> memref<1x80xi32, #tpu.memory_space<vmem>>
        %dma_start3A_205 = tpu.memref_squeeze %dma_start3A_204 : memref<1x80xi32, #tpu.memory_space<vmem>> -> memref<80xi32, #tpu.memory_space<vmem>>
        %dma_start3A_206 = arith.constant 0 : i32
        %dma_start3A_207 = arith.constant 0 : i32
        %dma_start3A_208 = tpu.memref_slice %arg11[%dma_start3A_206, %dma_start3A_207] : memref<10240x128xf32, #tpu.memory_space<vmem_shared>> -> memref<10240x128xf32, #tpu.memory_space<vmem_shared>>
        tpu.enqueue_indirect_dma source(%dma_start3A_202 : memref<80x128xf32, #tpu.memory_space<vmem>>) target(%dma_start3A_208 : memref<10240x128xf32, #tpu.memory_space<vmem_shared>>) offsets(%dma_start3A_205 : memref<80xi32, #tpu.memory_space<vmem>>) semaphore(%arg14 : memref<!tpu.dma_semaphore, #tpu.memory_space<semaphore_mem>>) {add = true}
      }
      %scan3A_123 = arith.constant 250 : i32
      %dma_wait3A = arith.constant 0 : i32
      %dma_wait3A_124 = arith.constant 0 : i32
      %dma_wait3A_125 = arith.constant 0 : i32
      %dma_wait3A_126 = tpu.memref_slice %arg10[%dma_wait3A_124, %dma_wait3A_125] : memref<320x128xf32, #tpu.memory_space<vmem>> -> memref<80x128xf32, #tpu.memory_space<vmem>>
      %dma_wait3A_127 = arith.constant 0 : i32
      %dma_wait3A_128 = tpu.memref_slice %arg8[%dma_wait3A, %dma_wait3A_127] : memref<8x80xi32, #tpu.memory_space<vmem>> -> memref<1x80xi32, #tpu.memory_space<vmem>>
      %dma_wait3A_129 = tpu.memref_squeeze %dma_wait3A_128 : memref<1x80xi32, #tpu.memory_space<vmem>> -> memref<80xi32, #tpu.memory_space<vmem>>
      %dma_wait3A_130 = arith.constant 0 : i32
      %dma_wait3A_131 = arith.constant 0 : i32
      %dma_wait3A_132 = tpu.memref_slice %arg11[%dma_wait3A_130, %dma_wait3A_131] : memref<10240x128xf32, #tpu.memory_space<vmem_shared>> -> memref<10240x128xf32, #tpu.memory_space<vmem_shared>>
      tpu.wait_indirect_dma semaphore(%arg14 : memref<!tpu.dma_semaphore, #tpu.memory_space<semaphore_mem>>) src(%dma_wait3A_126 : memref<80x128xf32, #tpu.memory_space<vmem>>) dst(%dma_wait3A_132 : memref<10240x128xf32, #tpu.memory_space<vmem_shared>>)
      %dma_wait3A_133 = arith.constant 1 : i32
      %dma_wait3A_134 = arith.constant 80 : i32
      %dma_wait3A_135 = arith.constant 0 : i32
      %dma_wait3A_136 = tpu.memref_slice %arg10[%dma_wait3A_134, %dma_wait3A_135] : memref<320x128xf32, #tpu.memory_space<vmem>> -> memref<80x128xf32, #tpu.memory_space<vmem>>
      %dma_wait3A_137 = arith.constant 0 : i32
      %dma_wait3A_138 = tpu.memref_slice %arg8[%dma_wait3A_133, %dma_wait3A_137] : memref<8x80xi32, #tpu.memory_space<vmem>> -> memref<1x80xi32, #tpu.memory_space<vmem>>
      %dma_wait3A_139 = tpu.memref_squeeze %dma_wait3A_138 : memref<1x80xi32, #tpu.memory_space<vmem>> -> memref<80xi32, #tpu.memory_space<vmem>>
      %dma_wait3A_140 = arith.constant 0 : i32
      %dma_wait3A_141 = arith.constant 0 : i32
      %dma_wait3A_142 = tpu.memref_slice %arg11[%dma_wait3A_140, %dma_wait3A_141] : memref<10240x128xf32, #tpu.memory_space<vmem_shared>> -> memref<10240x128xf32, #tpu.memory_space<vmem_shared>>
      tpu.wait_indirect_dma semaphore(%arg14 : memref<!tpu.dma_semaphore, #tpu.memory_space<semaphore_mem>>) src(%dma_wait3A_136 : memref<80x128xf32, #tpu.memory_space<vmem>>) dst(%dma_wait3A_142 : memref<10240x128xf32, #tpu.memory_space<vmem_shared>>)
      %barrier3A_143 = arith.constant 0 : index
      tpu.barrier barrier_id(%barrier3A_143)
      %lt3A = arith.constant 15 : i32
      %lt3A_144 = arith.cmpi slt, %arg1, %lt3A : i32
      %convert_element_type3A = arith.extui %lt3A_144 : i1 to i32
      %cond3A = arith.constant 0 : i32
      %cond3A_145 = arith.cmpi ne, %convert_element_type3A, %cond3A : i32
      scf.if %cond3A_145 {
        %mul3A_151 = arith.constant 640 : i32
        %mul3A_152 = arith.muli %arg1, %mul3A_151 : i32
        "tpu.region"() ({
          %run_scoped3A_153 = tpu.sem_alloc : memref<!tpu.dma_semaphore, #tpu.memory_space<semaphore_mem>>
          %dma_start3A_154 = arith.constant 0 : i32
          %dma_start3A_155 = tpu.memref_slice %arg6[%add3A, %mul3A_152, %dma_start3A_154] : memref<4x10000x128xf32, #tpu.memory_space<hbm>> -> memref<1x640x128xf32, #tpu.memory_space<hbm>>
          %dma_start3A_156 = tpu.memref_squeeze %dma_start3A_155 : memref<1x640x128xf32, #tpu.memory_space<hbm>> -> memref<640x128xf32, #tpu.memory_space<hbm>>
          %dma_start3A_157 = arith.constant 0 : i32
          %dma_start3A_158 = tpu.memref_slice %arg11[%mul3A_152, %dma_start3A_157] : memref<10240x128xf32, #tpu.memory_space<vmem_shared>> -> memref<640x128xf32, #tpu.memory_space<vmem_shared>>
          tpu.enqueue_dma source(%dma_start3A_158 : memref<640x128xf32, #tpu.memory_space<vmem_shared>>) target(%dma_start3A_156 : memref<640x128xf32, #tpu.memory_space<hbm>>) target_semaphore(%run_scoped3A_153 : memref<!tpu.dma_semaphore, #tpu.memory_space<semaphore_mem>>)
          %dma_wait3A_159 = arith.constant 0 : i32
          %dma_wait3A_160 = tpu.memref_slice %arg6[%add3A, %mul3A_152, %dma_wait3A_159] : memref<4x10000x128xf32, #tpu.memory_space<hbm>> -> memref<1x640x128xf32, #tpu.memory_space<hbm>>
          %dma_wait3A_161 = tpu.memref_squeeze %dma_wait3A_160 : memref<1x640x128xf32, #tpu.memory_space<hbm>> -> memref<640x128xf32, #tpu.memory_space<hbm>>
          %dma_wait3A_162 = arith.constant 0 : i32
          %dma_wait3A_163 = tpu.memref_slice %arg11[%mul3A_152, %dma_wait3A_162] : memref<10240x128xf32, #tpu.memory_space<vmem_shared>> -> memref<640x128xf32, #tpu.memory_space<vmem_shared>>
          tpu.wait_dma2 semaphore(%run_scoped3A_153 : memref<!tpu.dma_semaphore, #tpu.memory_space<semaphore_mem>>) src(%dma_wait3A_163 : memref<640x128xf32, #tpu.memory_space<vmem_shared>>) dst(%dma_wait3A_161 : memref<640x128xf32, #tpu.memory_space<hbm>>)
          tpu.yield
        }) : () -> ()
      } else {
      }
      %eq3A = arith.constant 15 : i32
      %eq3A_146 = arith.cmpi eq, %arg1, %eq3A : i32
      %convert_element_type3A_147 = arith.extui %eq3A_146 : i1 to i32
      %cond3A_148 = arith.constant 0 : i32
      %cond3A_149 = arith.cmpi ne, %convert_element_type3A_147, %cond3A_148 : i32
      scf.if %cond3A_149 {
        "tpu.region"() ({
          %run_scoped3A_151 = tpu.sem_alloc : memref<!tpu.dma_semaphore, #tpu.memory_space<semaphore_mem>>
          %dma_start3A_152 = arith.constant 9600 : i32
          %dma_start3A_153 = arith.constant 0 : i32
          %dma_start3A_154 = tpu.memref_slice %arg6[%add3A, %dma_start3A_152, %dma_start3A_153] : memref<4x10000x128xf32, #tpu.memory_space<hbm>> -> memref<1x400x128xf32, #tpu.memory_space<hbm>>
          %dma_start3A_155 = tpu.memref_squeeze %dma_start3A_154 : memref<1x400x128xf32, #tpu.memory_space<hbm>> -> memref<400x128xf32, #tpu.memory_space<hbm>>
          %dma_start3A_156 = arith.constant 9600 : i32
          %dma_start3A_157 = arith.constant 0 : i32
          %dma_start3A_158 = tpu.memref_slice %arg11[%dma_start3A_156, %dma_start3A_157] : memref<10240x128xf32, #tpu.memory_space<vmem_shared>> -> memref<400x128xf32, #tpu.memory_space<vmem_shared>>
          tpu.enqueue_dma source(%dma_start3A_158 : memref<400x128xf32, #tpu.memory_space<vmem_shared>>) target(%dma_start3A_155 : memref<400x128xf32, #tpu.memory_space<hbm>>) target_semaphore(%run_scoped3A_151 : memref<!tpu.dma_semaphore, #tpu.memory_space<semaphore_mem>>)
          %dma_wait3A_159 = arith.constant 9600 : i32
          %dma_wait3A_160 = arith.constant 0 : i32
          %dma_wait3A_161 = tpu.memref_slice %arg6[%add3A, %dma_wait3A_159, %dma_wait3A_160] : memref<4x10000x128xf32, #tpu.memory_space<hbm>> -> memref<1x400x128xf32, #tpu.memory_space<hbm>>
          %dma_wait3A_162 = tpu.memref_squeeze %dma_wait3A_161 : memref<1x400x128xf32, #tpu.memory_space<hbm>> -> memref<400x128xf32, #tpu.memory_space<hbm>>
          %dma_wait3A_163 = arith.constant 9600 : i32
          %dma_wait3A_164 = arith.constant 0 : i32
          %dma_wait3A_165 = tpu.memref_slice %arg11[%dma_wait3A_163, %dma_wait3A_164] : memref<10240x128xf32, #tpu.memory_space<vmem_shared>> -> memref<400x128xf32, #tpu.memory_space<vmem_shared>>
          tpu.wait_dma2 semaphore(%run_scoped3A_151 : memref<!tpu.dma_semaphore, #tpu.memory_space<semaphore_mem>>) src(%dma_wait3A_165 : memref<400x128xf32, #tpu.memory_space<vmem_shared>>) dst(%dma_wait3A_162 : memref<400x128xf32, #tpu.memory_space<hbm>>)
          tpu.yield
        }) : () -> ()
      } else {
      }
      %barrier3A_150 = arith.constant 0 : index
      tpu.barrier barrier_id(%barrier3A_150)
    }
    %scan3A_5 = arith.constant 2 : i32
    return
  }
}

</mosaic_0001>

<sc_bundles>
// kernel: kernel.3.cloned.1.call-start
scs
__scs_entry_jumppad:
0x0: {  	(pc) =	sbr.rel $0x88, $3  }
0x1: {  	(tag) =	ssettag $0x0;
	lr =	simm.s32 $0x1  }
0x2: {  	[smem:$0x3F9E] =	sst lr;
	_ =	strace $0xD0000000  }
0x3: {  	_ = 	snop  }
0x4: {  	_ = 	snop  }
0x5: {  	_ = 	snop  }
0x6: {  	_ = 	snop  }
0x7: {  	_ = 	snop  }
__scs_overlays_trampoline_lowered:
0x8: {  	[smem:$0x3FAD] =	sst s0  }
0x9: {  	[smem:$0x3FAE] =	sst s1  }
0xa: {  	[smem:$0x3FAF] =	sst s2  }
0xb: {  	[smem:$0x3FB0] =	sst s3  }
0xc: {  	[smem:$0x3FB1] =	sst s4  }
0xd: {  	[smem:$0x3FB2] =	sst s5  }
0xe: {  	[smem:$0x3FB3] =	sst s6  }
0xf: {  	[smem:$0x3FB4] =	sst s7  }
0x10: {  	[smem:$0x3FB5] =	sst s8  }
0x11: {  	[smem:$0x3FB6] =	sst s9;
	s0 =	simm.s32 @!p0 $0x0  }
0x12: {  	s1 =	sld [smem:$0x3F9C];
	s0 =	simm.s32 @p0 $0x1  }
0x13: {  	[smem:$0x3FB7] =	sst s0;
	s0 =	simm.s32 @!p1 $0x0  }
0x14: {  	s2 =	sld [smem:$0x3F9B];
	s0 =	simm.s32 @p1 $0x1  }
0x15: {  	[smem:$0x3FB8] =	sst s0;
	s0 =	simm.s32 @!p2 $0x0  }
0x16: {  	s3 =	sld [smem:$0x3FDB];
	s0 =	simm.s32 @p2 $0x1  }
0x17: {  	s4 =	simm.s32 $0x1BF5;
	[smem:$0x3FBA] =	sst s0  }
0x18: {  	s0 =	sld [smem:$0x3F9D];
	_ =	swait.ge [sflag:s4], $0x0  }
0x19: {  	s7 =	sld [smem:$0x3F9E]  }
0x1a: {  	s8 =	sadd.s32 $0xFFFFE003, lr  }
0x1b: {  	s9 =	sadd.s32 $0xFFFFFEF7, lr;
	s5 =	simm.s32 $0xFFFFFFFF;
	p2 =	slt.u32 s8, $0xFFFFF086  }
0x1c: {  	p1 =	slt.u32 s9, $0xF7A;
	s5 =	simm.s32 @!p2 $0x0  }
0x1d: {  	s5 =	simm.s32 @p1 $0x1;
	p0 =	seq.s32 s7, s2  }
0x1e: {  	s7 =	smul.u32 @!p0 $0xF7A, s2;
	p2 =	seq.s32 @!p0 s5, $0x0  }
0x1f: {  	s9 =	smul.u32 $0xF7A, s1;
	s8 =	simm.s32 @!p0 $0x1BF5;
	p2 =	por !p2, p0  }
0x20: {  	[sflag:s8] =	ssyncset.s32 @!p0 $0xFFFFF086;
	s6 =	sadd.s32 @!p0 s3, s7;
	s7 =	simm.s32 @!p0 $0x108  }
0x21: {  	s3 =	sadd.s32 s3, s9;
	s6 =	sadd.s32 @!p0 $0x88, s6;
	s7 =	simm.s32 @p2 $0x1082  }
0x22: {  	[simem:s7], [sflag:s8] =	dma.local @!p0 [hbm:s6], $0xF7A  }
0x23: {  	s9 =	sor.u32 $0xD0000000, s2;
	s6 =	simm.s32 $0x108;
	_ =	swait.ge @!p0 [sflag:s8], $0x0  }
0x24: {  	s3 =	sadd.s32 $0x88, s3;
	s6 =	simm.s32 @!p1 $0x1082;
	[sflag:s4] =	ssyncset.s32 $0xFFFFF086  }
0x25: {  	[simem:s6], [sflag:s4] =	dma.local [hbm:s3], $0xF7A  }
0x26: {  	[smem:$0x3F9E] =	sst s1;
	(tag) =	ssettag s2;
	_ =	strace s9  }
0x27: {  	s1 =	sld [smem:$0x3FAE]  }
0x28: {  	s2 =	sld [smem:$0x3FAF]  }
0x29: {  	s4 =	sld [smem:$0x3FB1]  }
0x2a: {  	p0 =	seq.s32 s5, $0x0;
	s5 =	sld [smem:$0x3FB2]  }
0x2b: {  	s6 =	sld [smem:$0x3FB3]  }
0x2c: {  	s7 =	sld [smem:$0x3FB4]  }
0x2d: {  	s3 =	simm.s32 $0x108;
	s8 =	sld [smem:$0x3FB5]  }
0x2e: {  	s3 =	simm.s32 @!p0 $0x1082;
	s9 =	sld [smem:$0x3FB6]  }
0x2f: {  	lr =	sadd.s32 s0, s3;
	s0 =	sld [smem:$0x3FAD]  }
0x30: {  	s3 =	sld [smem:$0x3FB0]  }
0x31: {  	[smem:$0x3FB9] =	sst s10  }
0x32: {  	s10 =	sld [smem:$0x3FB7];
	_ =	sdelay $0x3  }
0x33: {  	p0 =	seq.s32 s10, $0x1;
	s10 =	sld [smem:$0x3FB9];
	_ =	sdelay $0x3  }
0x34: {  	[smem:$0x3FB9] =	sst s10  }
0x35: {  	s10 =	sld [smem:$0x3FB8];
	_ =	sdelay $0x3  }
0x36: {  	p1 =	seq.s32 s10, $0x1;
	s10 =	sld [smem:$0x3FB9];
	_ =	sdelay $0x3  }
0x37: {  	[smem:$0x3FB9] =	sst s10  }
0x38: {  	s10 =	sld [smem:$0x3FBA]  }
0x39: {  	_ = 	snop;
	(pc) =	sbr.ind lr, $3  }
0x3a: {  	_ = 	snop  }
0x3b: {  	_ = 	snop  }
0x3c: {  	p2 =	seq.s32 s10, $0x1;
	s10 =	sld [smem:$0x3FB9]  }
0x3d: {  	_ =	shalt  }
0x3e: {  	_ =	shalt  }
0x3f: {  	_ =	shalt  }
0x40: {  	_ =	shalt  }
0x41: {  	_ =	shalt  }
0x42: {  	_ =	shalt  }
0x43: {  	_ =	shalt  }
0x44: {  	_ =	shalt  }
0x45: {  	_ =	shalt  }
0x46: {  	_ =	shalt  }
0x47: {  	_ =	shalt  }
0x48: {  	_ =	shalt  }
0x49: {  	_ =	shalt  }
0x4a: {  	_ =	shalt  }
0x4b: {  	_ =	shalt  }
0x4c: {  	_ =	shalt  }
0x4d: {  	_ =	shalt  }
0x4e: {  	_ =	shalt  }
0x4f: {  	_ =	shalt  }
0x50: {  	_ =	shalt  }
0x51: {  	_ =	shalt  }
0x52: {  	_ =	shalt  }
0x53: {  	_ =	shalt  }
0x54: {  	_ =	shalt  }
0x55: {  	_ =	shalt  }
0x56: {  	_ =	shalt  }
0x57: {  	_ =	shalt  }
0x58: {  	_ =	shalt  }
0x59: {  	_ =	shalt  }
0x5a: {  	_ =	shalt  }
0x5b: {  	_ =	shalt  }
0x5c: {  	_ =	shalt  }
0x5d: {  	_ =	shalt  }
0x5e: {  	_ =	shalt  }
0x5f: {  	_ =	shalt  }
0x60: {  	_ =	shalt  }
0x61: {  	_ =	shalt  }
0x62: {  	_ =	shalt  }
0x63: {  	_ =	shalt  }
0x64: {  	_ =	shalt  }
0x65: {  	_ =	shalt  }
0x66: {  	_ =	shalt  }
0x67: {  	_ =	shalt  }
0x68: {  	_ =	shalt  }
0x69: {  	_ =	shalt  }
0x6a: {  	_ =	shalt  }
0x6b: {  	_ =	shalt  }
0x6c: {  	_ =	shalt  }
0x6d: {  	_ =	shalt  }
0x6e: {  	_ =	shalt  }
0x6f: {  	_ =	shalt  }
0x70: {  	_ =	shalt  }
0x71: {  	_ =	shalt  }
0x72: {  	_ =	shalt  }
0x73: {  	_ =	shalt  }
0x74: {  	_ =	shalt  }
0x75: {  	_ =	shalt  }
0x76: {  	_ =	shalt  }
0x77: {  	_ =	shalt  }
0x78: {  	_ =	shalt  }
0x79: {  	_ =	shalt  }
0x7a: {  	_ =	shalt  }
0x7b: {  	_ =	shalt  }
0x7c: {  	_ =	shalt  }
0x7d: {  	_ =	shalt  }
0x7e: {  	_ =	shalt  }
0x7f: {  	_ =	shalt  }
0x80: {  	_ =	shalt  }
0x81: {  	_ =	shalt  }
0x82: {  	_ =	shalt  }
0x83: {  	_ =	shalt  }
0x84: {  	_ =	shalt  }
0x85: {  	_ =	shalt  }
0x86: {  	_ =	shalt  }
0x87: {  	_ =	shalt  }
.Lfunc_end0:
.L_simem_size_0:
called_computation_lowered:
.L_overlay_start_0:
0x88: {  	s2 =	sld [smem:$0x3FD9]  }
0x89: {  	s3 =	sld [smem:$0x3FFE];
	_ =	sdelay $0x1  }
0x8a: {  	s1 =	srdreg.scid  }
0x8b: {  	s0 =	sand.u32 $0x1, s1  }
0x8c: {  	s17 =	sshll.u32 s0, $0xA;
	s2 =	sadd.s32 s3, s2  }
0x8d: {  	s2 =	sadd.s32 s2, s17  }
0x8e: {  	[smem:$0x3FC5] =	sst s2  }
0x8f: {  	_ = 	snop  }
0x90: {  	s2 =	sld [smem:$0x3FC9]  }
0x91: {  	s18 =	sld [smem:$0x3FD0];
	(tm) =	ssettm $0x1  }
0x92: {  	s4 =	sld [smem:$0x3FFB];
	_ =	sdelay $0x3  }
0x93: {  	_ =	strace s4  }
0x94: {  	s4 =	sld [smem:$0x3FFC];
	_ =	sdelay $0x3  }
0x95: {  	_ =	strace s4  }
0x96: {  	s4 =	sld [smem:$0x3FFD];
	_ =	sdelay $0x3  }
0x97: {  	_ =	strace s4  }
0x98: {  	_ =	strace $0x8FFFFFFF  }
0x99: {  	s19 =	sld [smem:$0x3FDB];
	_ =	sdelay $0x1  }
0x9a: {  	s5 =	simm.s32 $_scs_section_size  }
0x9b: {  	s6 =	simm.s32 $_size__tile_overlayer_lowered;
	s7 =	simm.s32 $_tile_overlayer_lowered  }
0x9c: {  	s22 =	simm.s32 $0x1BFF;
	s21 =	sshll.u32 s7, $0x1;
	s4 =	sadd.s32 s5, s19  }
0x9d: {  	s8 =	simm.s32 $0x0;
	s20 =	sshll.u32 s6, $0x1;
	s6 =	sadd.s32 s21, s4  }
0x9e: {  	[timem:s8], [sflag:s22] =	dma.local [hbm:s6], s20  }
0x9f: {  	_ =	swait.ge [sflag:s22], s20  }
0xa0: {  	s5 =	ssub.s32 $0x0, s20;
	[sflag:s22] =	ssyncset.done $0x0  }
0xa1: {  	[sflag:s22] =	ssyncadd.s32 s5;
	_ =	sdelay $0x1  }
0xa2: {  	s23 =	simm.s32 $0x1B8B  }
0xa3: {  	_ =	swait.ge [sflag:s23], $0x1  }
0xa4: {  	[sflag:s23] =	ssyncset.done $0x0  }
0xa5: {  	s25 =	simm.s32 $0x1B8E;
	s24 =	sld [smem:$0x3FFE];
	[sflag:s23] =	ssyncadd.s32 $0xFFFFFFFF  }
0xa6: {  	s26 =	simm.s32 $execute0_lowered;
	[smem:$0x3FD2] =	sst s25  }
0xa7: {  	s6 =	sshll.u32 s26, $0x1;
	_ =	strace $0x80000046;
	[dreg:$0x1] =	wrdreg $0xFFFFFFFF  }
0xa8: {  	s28 =	simm.s32 $_size_execute0_lowered;
	s4 =	sadd.s32 s4, s6;
	[dreg:$0x0] =	wrdreg $0x0  }
0xa9: {  	s6 =	sshll.u32 s28, $0x1;
	[dreg:$0x2] =	wrdreg s4  }
0xaa: {  	[dreg:$0x3] =	wrdreg s6  }
0xab: {  	[dreg:$0x4] =	wrdreg $0xC0  }
0xac: {  	_ =	task [dreg:s8], $0x5FFFF  }
0xad: {  	[dreg:$0x1] =	wrdreg $0xFFFFFFFF  }
0xae: {  	[dreg:$0x0] =	wrdreg $0x60  }
0xaf: {  	[dreg:$0x2] =	wrdreg s2  }
0xb0: {  	[dreg:$0x3] =	wrdreg s24  }
0xb1: {  	[dreg:$0x4] =	wrdreg s18  }
0xb2: {  	[dreg:$0x5] =	wrdreg $0xAC000  }
0xb3: {  	[dreg:$0x6] =	wrdreg $0x9  }
0xb4: {  	_ =	task.clear_ibuf [dreg:s8], $0x7FFFF;
	_ =	strace $0x90000046  }
0xb5: {  	s29 =	simm.s32 $0x9;
	_ =	strace $0x80000048  }
0xb6: {  	_ =	swait.ge [sflag:s29], $0x1  }
0xb7: {  	[sflag:s29] =	ssyncadd.s32 $0xFFFFFFFF  }
0xb8: {  	_ =	strace $0x90000048  }
0xb9: {  	_ =	sfence  }
0xba: {  	s30 =	sld [smem:$0x0];
	_ =	sdelay $0x2  }
0xbb: {  	s31 =	sshll.u32 s1, $0xD;
	s1 =	sshrl.u32 s1, $0x2  }
0xbc: {  	s3 =	sand.u32 $0x4000, s31;
	s1 =	sadd.s32 s1, s30  }
0xbd: {  	s0 =	sor.u32 s3, s0;
	s1 =	sshll.u32 s1, $0x11  }
0xbe: {  	s0 =	sor.u32 s1, s0  }
0xbf: {  	s0 =	sadd.s32 $0x8F2B, s0  }
0xc0: {  	[sflag:s0] =	ssyncadd.remote.s32 $0x1  }
0xc1: {  	_ =	sfence.sel $0xFFFF  }
0xc2: {  	[dreg:$0x0] =	wrdreg $0xFFFFFFFF;
	(pc) =	sbr.abs _section_cstart, $3  }
0xc3: {  	[dreg:$0x1] =	wrdreg $0xFFFFFFFF  }
0xc4: {  	_ =	task.clear_ibuf [dreg:s8], $0x2FFFF;
	_ =	strace $0x9FFFFFFF  }
0xc5: {  	(tm) =	ssettm $0x7FFFFFFF  }
tec
execute0_lowered:
.L_overlay_start_1:
0x0: {  	(tag) =	ssettag $0x1  }
0x1: {  	s1 =	rddreg [dreg:$0x0]  }
0x2: {  	s2 =	rddreg [dreg:$0x1]  }
0x3: {  	s5 =	rddreg [dreg:$0x3];
	s11 =	simm.s32 $0x0;
	s10 =	stileid.u32  }
0x4: {  	s0 =	srdreg.scid;
	s21 =	simm.s32 $0xC00;
	s22 =	simm.s32 $0x4  }
0x5: {  	s26 =	simm.s32 $0x80;
	s30 =	simm.s32 $0x50;
	s23 =	simm.s32 $0x2  }
0x6: {  	s24 =	simm.s32 $0x3;
	[smem:$0x7FF] =	sst s11;
	s3 =	smul.u32 $0x50000, s10  }
0x7: {  	s0 =	sand.u32 $0x1, s0;
	s7 =	sadd.s32 $0x80000, s2;
	s8 =	sadd.s32 $0x40000, s2  }
0x8: {  	s18 =	sshll.u32 s10, $0xF;
	s19 =	smul.u32 $0x14000, s10;
	p0 =	seq.s32 s10, $0xF  }
0x9: {  	_ =	strace $0x80000047;
	s4 =	ssub.s32 $0x2, s0;
	s0 =	sshll.u32 s0, $0x1  }
0xa: {  	s3 =	sshrl.u32 s3, $0x2;
	s6 =	sshrl.u32 s4, $0x1;
	[dreg:$0x6] =	wrdreg s0  }
0xb: {  	s0 =	sadd.s32 $0x12C000, s5;
	s9 =	sadd.s32 s3, s5;
	s29 =	ssub.s32 s4, s6  }
0xc: {  	s25 =	sshrl.u32 @p0 s0, $0x3;
	s4 =	simm.s32 $0x1;
	s31 =	sadd.s32 $0x2800, s9  }
0xd: {  	s12 =	sadd.s32 $0x5000, s9;
	s13 =	sadd.s32 $0x7800, s9;
	s14 =	sadd.s32 $0xA000, s9  }
0xe: {  	s15 =	sadd.s32 $0xC800, s9;
	s3 =	smax.u32 s29, $0x1;
	[dreg:$0x7] =	wrdreg s31  }
0xf: {  	v0 =	vimm.f32 $0.0e+00;
	s16 =	sadd.s32 $0xF000, s9;
	s17 =	sadd.s32 $0x11800, s9;
	[dreg:$0x8] =	wrdreg s3  }
.LBB2_1:
0x10: {  	[dreg:$0x5] =	wrdreg s11;
	p2 =	por $0x1, $0x1;
	s0 =	simm.s32 $0x0  }
.LBB2_2:
0x11: {  	p1 =	por p2, p2;
	s3 =	simm.s32 $0x0;
	s6 =	simm.s32 $0x200  }
.LBB2_3:
0x12: {  	p2 =	sne.s32 s6, $0x9E00;
	[tilespmem:s3+$0xC70] =	vst v0  }
0x13: {  	[tilespmem:s3+$0xC00] =	vst v0  }
0x14: {  	[tilespmem:s3+$0xC10] =	vst v0  }
.Ltmp0:
0x15: {  	[tilespmem:s3+$0xC20] =	vst v0;
	(pc) =	sbr.rel @p2 .LBB2_3-.Ltmp0, $4  }
0x16: {  	[tilespmem:s3+$0xC30] =	vst v0  }
0x17: {  	[tilespmem:s3+$0xC40] =	vst v0  }
0x18: {  	[tilespmem:s3+$0xC50] =	vst v0  }
0x19: {  	[tilespmem:s3+$0xC60] =	vst v0;
	s3 =	sshra.s32 s6, $0x2;
	s6 =	sadd.s32 $0x200, s6  }
0x1a: {  	[tilespmem:s3+$0xC70] =	vst v0  }
0x1b: {  	[tilespmem:s3+$0xC00] =	vst v0  }
0x1c: {  	[tilespmem:s3+$0xC10] =	vst v0  }
0x1d: {  	[tilespmem:s3+$0xC20] =	vst v0  }
0x1e: {  	[tilespmem:s3+$0xC30] =	vst v0  }
0x1f: {  	[tilespmem:s3+$0xC40] =	vst v0  }
0x20: {  	[tilespmem:s3+$0xC50] =	vst v0  }
0x21: {  	[tilespmem:s3+$0xC60] =	vst v0  }
0x22: {  	[spmem:s9] =	stream.linear.scatter [tilespmem:s21], [sflag:$0x4], $0x2800, $0x38;
	[tilespmem:$0x1EC00] =	vst v63  }
0x23: {  	_ =	swait.ge [sflag:s22], $0x2800  }
0x24: {  	[sflag:s22] =	ssyncset.done $0x0  }
0x25: {  	s6 =	rddreg [dreg:$0x7];
	[sflag:s22] =	ssyncadd.s32 $0xFFFFD800  }
0x26: {  	[spmem:s6] =	stream.linear.scatter [tilespmem:s21], [sflag:$0x4], $0x2800, $0x38;
	[tilespmem:$0x1EC00] =	vst v63  }
0x27: {  	_ =	swait.ge [sflag:s22], $0x2800  }
0x28: {  	[sflag:s22] =	ssyncset.done $0x0  }
0x29: {  	[sflag:s22] =	ssyncadd.s32 $0xFFFFD800  }
0x2a: {  	[spmem:s12] =	stream.linear.scatter [tilespmem:s21], [sflag:$0x4], $0x2800, $0x38;
	[tilespmem:$0x1EC00] =	vst v63  }
0x2b: {  	_ =	swait.ge [sflag:s22], $0x2800  }
0x2c: {  	[sflag:s22] =	ssyncset.done $0x0  }
0x2d: {  	[sflag:s22] =	ssyncadd.s32 $0xFFFFD800  }
0x2e: {  	[spmem:s13] =	stream.linear.scatter [tilespmem:s21], [sflag:$0x4], $0x2800, $0x38;
	[tilespmem:$0x1EC00] =	vst v63  }
0x2f: {  	_ =	swait.ge [sflag:s22], $0x2800  }
0x30: {  	[sflag:s22] =	ssyncset.done $0x0  }
0x31: {  	[sflag:s22] =	ssyncadd.s32 $0xFFFFD800  }
0x32: {  	[spmem:s14] =	stream.linear.scatter [tilespmem:s21], [sflag:$0x4], $0x2800, $0x38;
	[tilespmem:$0x1EC00] =	vst v63  }
0x33: {  	_ =	swait.ge [sflag:s22], $0x2800  }
0x34: {  	[sflag:s22] =	ssyncset.done $0x0  }
0x35: {  	[sflag:s22] =	ssyncadd.s32 $0xFFFFD800  }
0x36: {  	[spmem:s15] =	stream.linear.scatter [tilespmem:s21], [sflag:$0x4], $0x2800, $0x38;
	[tilespmem:$0x1EC00] =	vst v63  }
0x37: {  	_ =	swait.ge [sflag:s22], $0x2800  }
0x38: {  	[sflag:s22] =	ssyncset.done $0x0  }
0x39: {  	[sflag:s22] =	ssyncadd.s32 $0xFFFFD800  }
0x3a: {  	[spmem:s16] =	stream.linear.scatter [tilespmem:s21], [sflag:$0x4], $0x2800, $0x38;
	[tilespmem:$0x1EC00] =	vst v63  }
0x3b: {  	_ =	swait.ge [sflag:s22], $0x2800  }
0x3c: {  	[sflag:s22] =	ssyncset.done $0x0;
	s10 =	rddreg [dreg:$0x6]  }
0x3d: {  	s28 =	sor.u32 s10, s0;
	[sflag:s22] =	ssyncadd.s32 $0xFFFFD800  }
0x3e: {  	[spmem:s17] =	stream.linear.scatter [tilespmem:s21], [sflag:$0x4], $0x2800, $0x38;
	[tilespmem:$0x1EC00] =	vst v63  }
0x3f: {  	s0 =	sshll.u32 s28, $0x13;
	_ =	swait.ge [sflag:s22], $0x2800  }
0x40: {  	s29 =	sor.u32 s18, s0;
	[sflag:s22] =	ssyncset.done $0x0  }
0x41: {  	s0 =	sshrl.u32 s29, $0x3;
	[sflag:s22] =	ssyncadd.s32 $0xFFFFD800  }
0x42: {  	s31 =	simm.s32 $0x0;
	s11 =	sadd.s32 s7, s0;
	[bflag:$0x0] =	sbarrier.arrive $0xFFFF  }
0x43: {  	[tilespmem:s31], [sflag:$0x4] =	stream.linear.gather [hbm4b:s11+s31], $0x80, $0x38;
	[tilespmem:$0x1EC00] =	vst v63  }
0x44: {  	_ =	swait.ge [sflag:s22], $0x80  }
0x45: {  	[sflag:s22] =	ssyncset.done $0x0  }
0x46: {  	s6 =	simm.s32 $0x400;
	s20 =	sadd.s32 s8, s0;
	[sflag:s22] =	ssyncadd.s32 $0xFFFFFF80  }
0x47: {  	[tilespmem:s6], [sflag:$0x4] =	stream.linear.gather [hbm4b:s20+s31], $0x80, $0x38;
	[tilespmem:$0x1EC00] =	vst v63  }
0x48: {  	_ =	swait.ge [sflag:s22], $0x80  }
0x49: {  	[sflag:s22] =	ssyncset.done $0x0  }
0x4a: {  	s10 =	sadd.s32 s2, s0;
	s11 =	simm.s32 $0x800;
	[sflag:s22] =	ssyncadd.s32 $0xFFFFFF80  }
0x4b: {  	[tilespmem:s11], [sflag:$0x4] =	stream.linear.gather [hbm4b:s10+s31], $0x80, $0x38;
	[tilespmem:$0x1EC00] =	vst v63  }
0x4c: {  	_ =	swait.ge [sflag:s22], $0x80  }
0x4d: {  	s20 =	sor.u32 $0x10, s0;
	[sflag:s22] =	ssyncset.done $0x0  }
0x4e: {  	s10 =	sadd.s32 s7, s20;
	[sflag:s22] =	ssyncadd.s32 $0xFFFFFF80  }
0x4f: {  	[tilespmem:s26], [sflag:$0x4] =	stream.linear.gather [hbm4b:s10+s31], $0x80, $0x38;
	[tilespmem:$0x1EC00] =	vst v63  }
0x50: {  	_ =	swait.ge [sflag:s22], $0x80  }
0x51: {  	[sflag:s22] =	ssyncset.done $0x0  }
0x52: {  	s11 =	sadd.s32 s8, s20;
	s10 =	simm.s32 $0x480;
	[sflag:s22] =	ssyncadd.s32 $0xFFFFFF80  }
0x53: {  	[tilespmem:s10], [sflag:$0x4] =	stream.linear.gather [hbm4b:s11+s31], $0x80, $0x38;
	[tilespmem:$0x1EC00] =	vst v63  }
0x54: {  	_ =	swait.ge [sflag:s22], $0x80  }
0x55: {  	[sflag:s22] =	ssyncset.done $0x0  }
0x56: {  	s3 =	sadd.s32 s2, s20;
	s20 =	simm.s32 $0x880;
	[sflag:s22] =	ssyncadd.s32 $0xFFFFFF80  }
0x57: {  	[tilespmem:s20], [sflag:$0x4] =	stream.linear.gather [hbm4b:s3+s31], $0x80, $0x38;
	[tilespmem:$0x1EC00] =	vst v63  }
0x58: {  	_ =	swait.ge [sflag:s22], $0x80  }
0x59: {  	[sflag:s22] =	ssyncset.done $0x0  }
0x5a: {  	[sflag:s22] =	ssyncadd.s32 $0xFFFFFF80  }
0x5b: {  	[tilespmem:s21], [sflag:$0x1] =	stream.indirect.gather [hbm4b:s1+s30], $0x80, s31, s30, $0xb8;
	[tilespmem:$0x1EC00] =	vst v63  }
0x5c: {  	s0 =	sor.u32 $0x20, s0;
	s10 =	simm.s32 $0x3400  }
0x5d: {  	[tilespmem:s10], [sflag:$0x1] =	stream.indirect.gather [hbm4b:s1+s30], $0x80, s26, s30, $0xb8;
	[tilespmem:$0x1EC00] =	vst v63  }
0x5e: {  	s11 =	sadd.s32 s7, s0;
	s20 =	simm.s32 $0x100  }
0x5f: {  	[tilespmem:s20], [sflag:$0x2] =	stream.linear.gather [hbm4b:s11+s31], $0x80, $0x38;
	[tilespmem:$0x1EC00] =	vst v63  }
0x60: {  	s10 =	sadd.s32 s8, s0;
	s11 =	simm.s32 $0x500  }
0x61: {  	[tilespmem:s11], [sflag:$0x2] =	stream.linear.gather [hbm4b:s10+s31], $0x80, $0x38;
	[tilespmem:$0x1EC00] =	vst v63  }
0x62: {  	s0 =	sadd.s32 s2, s0;
	s20 =	simm.s32 $0x900  }
0x63: {  	[tilespmem:s20], [sflag:$0x2] =	stream.linear.gather [hbm4b:s0+s31], $0x80, $0x38;
	[tilespmem:$0x1EC00] =	vst v63  }
.LBB2_5:
0x64: {  	p2 =	slt.u32 s31, $0x2  }
0x65: {  	p3 =	sgt.u32 @!p2 s31, $0xF7  }
0x66: {  	_ =	swait.ge [sflag:s4], $0x2800;
	p3 =	por p2, !p3  }
.Ltmp1:
0x67: {  	[sflag:s4] =	ssyncset.done $0x0;
	(pc) =	sbr.rel @!p3 .LBB2_7-.Ltmp1, $4  }
0x68: {  	s0 =	simm.s32 @!p2 $0x3;
	[sflag:s4] =	ssyncadd.s32 $0xFFFFD800  }
0x69: {  	_ =	swait.ge @!p2 [sflag:s0], $0x2800  }
0x6a: {  	[sflag:s0] =	ssyncset.done @!p2 $0x0  }
0x6b: {  	[sflag:s0] =	ssyncadd.s32 @!p2 $0xFFFFD800  }
0x6c: {  	s0 =	sadd.s32 $0x2, s31  }
0x6d: {  	s3 =	sand.u32 $0x3, s0  }
0x6e: {  	s3 =	smul.u32 $0xA000, s3  }
0x6f: {  	_ =	swait.ge [sflag:s23], $0x180;
	p2 =	sgt.u32 s31, $0xF6  }
0x70: {  	[sflag:s23] =	ssyncset.done $0x0;
	s0 =	sshll.u32 s0, $0x7;
	s3 =	sshrl.u32 s3, $0x2  }
0x71: {  	[sflag:s23] =	ssyncadd.s32 $0xFFFFFE80;
	s0 =	sand.u32 $0x380, s0;
	s3 =	sadd.s32 $0xC00, s3  }
0x72: {  	[tilespmem:s3], [sflag:$0x1] =	stream.indirect.gather [hbm4b:s1+s30], $0x80, s0, s30, $0xb8;
	[tilespmem:$0x1EC00] =	vst v63  }
0x73: {  	s0 =	sshll.u32 @!p2 s31, $0x7  }
0x74: {  	s0 =	sadd.s32 @!p2 $0x180, s0  }
0x75: {  	s3 =	sand.u32 @!p2 $0xFC00, s0  }
0x76: {  	s0 =	sand.u32 @!p2 $0x380, s0;
	s3 =	sadd.s32 @!p2 s29, s3  }
0x77: {  	s3 =	sor.u32 @!p2 s0, s3  }
0x78: {  	s3 =	sshrl.u32 @!p2 s3, $0x3  }
0x79: {  	s10 =	simm.s32 @!p2 $0x0;
	s6 =	sadd.s32 @!p2 s7, s3  }
0x7a: {  	[tilespmem:s0], [sflag:$0x2] =	stream.linear.gather @!p2 [hbm4b:s6+s10], $0x80, $0x38;
	[tilespmem:$0x1EC00] =	vst v63  }
0x7b: {  	s20 =	sadd.s32 @!p2 s8, s3;
	s6 =	sor.u32 @!p2 $0x400, s0  }
0x7c: {  	[tilespmem:s6], [sflag:$0x2] =	stream.linear.gather @!p2 [hbm4b:s20+s10], $0x80, $0x38;
	[tilespmem:$0x1EC00] =	vst v63  }
0x7d: {  	s3 =	sadd.s32 @!p2 s2, s3;
	s0 =	sor.u32 @!p2 $0x800, s0  }
0x7e: {  	[tilespmem:s0], [sflag:$0x2] =	stream.linear.gather @!p2 [hbm4b:s3+s10], $0x80, $0x38;
	[tilespmem:$0x1EC00] =	vst v63  }
.LBB2_7:
0x7f: {  	s0 =	sshll.u32 s31, $0x9  }
0x80: {  	s0 =	sand.u32 $0xE00, s0  }
0x81: {  	s3 =	sand.u32 $0x3, s31;
	s0 =	sshrl.u32 s0, $0x2  }
0x82: {  	s6 =	smul.u32 $0xA000, s3;
	s11 =	sor.u32 $0x800, s0  }
0x83: {  	v1 =	vmov s11  }
0x84: {  	s10 =	sshrl.u32 s6, $0x2  }
0x85: {  	s6 =	smul.u32 $0x50, s3;
	s3 =	simm.s32 $0x0;
	s20 =	sadd.s32 $0xC00, s10  }
.LBB2_8:
0x86: {  	s10 =	sshll.u32 s3, $0x4  }
0x87: {  	s11 =	sadd.s32 s6, s10  }
0x88: {  	v2 =	vld.idx.msk [tilespmem:v1+s10+$0x0 ss:$0x1], $0xffff;
	s11 =	sshll.u32 s11, $0x7  }
0x89: {  	s10 =	sand.u32 $0x3FFFFF80, s11  }
0x8a: {  	v3 =	vld [tilespmem:s10+$0xC00]  }
0x8b: {  	v4 =	vld [tilespmem:s10+$0xC10]  }
0x8c: {  	v6 =	vld [tilespmem:s10+$0xC30]  }
0x8d: {  	v5 =	vld [tilespmem:s10+$0xC20];
	v7 =	vbroadcast v2, $0x0  }
0x8e: {  	v9 =	vld [tilespmem:s10+$0xC50]  }
0x8f: {  	v8 =	vld [tilespmem:s10+$0xC40];
	v3 =	vmul.f32 v7, v3  }
0x90: {  	v11 =	vld [tilespmem:s10+$0xC70];
	v4 =	vmul.f32 v4, v7  }
0x91: {  	v10 =	vld [tilespmem:s10+$0xC60];
	v22 =	vmul.f32 v6, v7;
	[tilespmem:s10+$0xC00] =	vst v3  }
0x92: {  	v24 =	vld [tilespmem:s10+$0xC90];
	v3 =	vmul.f32 v5, v7;
	[tilespmem:s10+$0xC10] =	vst v4  }
0x93: {  	v26 =	vld [tilespmem:s10+$0xCA0];
	v25 =	vmul.f32 v9, v7;
	[tilespmem:s10+$0xC30] =	vst v22  }
0x94: {  	v27 =	vld [tilespmem:s10+$0xCB0];
	[tilespmem:s10+$0xC20] =	vst v3;
	v3 =	vmul.f32 v8, v7  }
0x95: {  	v30 =	vld [tilespmem:s10+$0xCC0];
	v28 =	vbroadcast v2, $0x1;
	v29 =	vmul.f32 v11, v7;
	[tilespmem:s10+$0xC50] =	vst v25  }
0x96: {  	v41 =	vld [tilespmem:s10+$0xD40];
	[tilespmem:s10+$0xC40] =	vst v3;
	v3 =	vmul.f32 v10, v7  }
0x97: {  	v43 =	vld [tilespmem:s10+$0xD70];
	v6 =	vmul.f32 v24, v28;
	[tilespmem:s10+$0xC70] =	vst v29  }
0x98: {  	v33 =	vmul.f32 v26, v28;
	[tilespmem:s10+$0xC60] =	vst v3;
	v3 =	vld [tilespmem:s10+$0xCD0]  }
0x99: {  	v51 =	vld [tilespmem:s10+$0xDC0];
	v40 =	vbroadcast v2, $0x2;
	v34 =	vmul.f32 v27, v28;
	[tilespmem:s10+$0xC90] =	vst v6  }
0x9a: {  	v32 =	vld [tilespmem:s10+$0xCF0];
	v36 =	vmul.f32 v30, v28;
	[tilespmem:s10+$0xCA0] =	vst v33  }
0x9b: {  	v60 =	vld [tilespmem:s10+$0xE40];
	v45 =	vmul.f32 v41, v40;
	[tilespmem:s10+$0xCB0] =	vst v34  }
0x9c: {  	v62 =	vld [tilespmem:s10+$0xE70];
	v49 =	vbroadcast v2, $0x3;
	v50 =	vmul.f32 v43, v40;
	[tilespmem:s10+$0xCC0] =	vst v36  }
0x9d: {  	v23 =	vld [tilespmem:s10+$0xC80];
	[tilespmem:s10+$0xD40] =	vst v45;
	v3 =	vmul.f32 v3, v28  }
0x9e: {  	v31 =	vld [tilespmem:s10+$0xCE0];
	v59 =	vbroadcast v2, $0x4;
	v55 =	vmul.f32 v51, v49;
	[tilespmem:s10+$0xD70] =	vst v50  }
0x9f: {  	v38 =	vld [tilespmem:s10+$0xD20];
	[tilespmem:s10+$0xCD0] =	vst v3;
	v3 =	vmul.f32 v32, v28  }
0xa0: {  	v18 =	vld [tilespmem:s10+$0xEC0];
	v12 =	vmul.f32 v60, v59;
	[tilespmem:s10+$0xDC0] =	vst v55  }
0xa1: {  	v17 =	vmul.f32 v62, v59;
	[tilespmem:s10+$0xCF0] =	vst v3;
	v3 =	vld [tilespmem:s10+$0xD60]  }
0xa2: {  	v35 =	vld [tilespmem:s10+$0xD00];
	v5 =	vmul.f32 v23, v28;
	[tilespmem:s10+$0xE40] =	vst v12  }
0xa3: {  	v39 =	vld [tilespmem:s10+$0xD30];
	v16 =	vbroadcast v2, $0x5;
	v4 =	vmul.f32 v31, v28;
	[tilespmem:s10+$0xE70] =	vst v17  }
0xa4: {  	v42 =	vld [tilespmem:s10+$0xD50];
	v6 =	vmul.f32 v38, v40;
	[tilespmem:s10+$0xC80] =	vst v5  }
0xa5: {  	v48 =	vld [tilespmem:s10+$0xDB0];
	v22 =	vmul.f32 v18, v16;
	[tilespmem:s10+$0xCE0] =	vst v4  }
0xa6: {  	v27 =	vld [tilespmem:s10+$0xF40];
	[tilespmem:s10+$0xD20] =	vst v6;
	v3 =	vmul.f32 v3, v40  }
0xa7: {  	v37 =	vld [tilespmem:s10+$0xD10];
	v8 =	vmul.f32 v35, v40;
	[tilespmem:s10+$0xEC0] =	vst v22  }
0xa8: {  	v5 =	vmul.f32 v39, v40;
	[tilespmem:s10+$0xD60] =	vst v3;
	v3 =	vld [tilespmem:s10+$0xDD0]  }
0xa9: {  	v46 =	vld [tilespmem:s10+$0xD90];
	v26 =	vbroadcast v2, $0x6;
	v4 =	vmul.f32 v42, v40;
	[tilespmem:s10+$0xD00] =	vst v8  }
0xaa: {  	v53 =	vld [tilespmem:s10+$0xDF0];
	v6 =	vmul.f32 v48, v49;
	[tilespmem:s10+$0xD30] =	vst v5  }
0xab: {  	v47 =	vld [tilespmem:s10+$0xDA0];
	v31 =	vmul.f32 v27, v26;
	[tilespmem:s10+$0xD50] =	vst v4  }
0xac: {  	v52 =	vld [tilespmem:s10+$0xDE0];
	v7 =	vmul.f32 v37, v40;
	[tilespmem:s10+$0xDB0] =	vst v6  }
0xad: {  	v57 =	vld [tilespmem:s10+$0xE20];
	[tilespmem:s10+$0xF40] =	vst v31;
	v3 =	vmul.f32 v3, v49  }
0xae: {  	v29 =	vld [tilespmem:s10+$0xF70];
	v8 =	vmul.f32 v46, v49;
	[tilespmem:s10+$0xD10] =	vst v7  }
0xaf: {  	v44 =	vld [tilespmem:s10+$0xD80];
	[tilespmem:s10+$0xDD0] =	vst v3;
	v3 =	vmul.f32 v53, v49  }
0xb0: {  	v56 =	vld [tilespmem:s10+$0xE10];
	v5 =	vmul.f32 v47, v49;
	[tilespmem:s10+$0xD90] =	vst v8  }
0xb1: {  	v4 =	vmul.f32 v52, v49;
	[tilespmem:s10+$0xDF0] =	vst v3;
	v3 =	vld [tilespmem:s10+$0xE60]  }
0xb2: {  	v58 =	vld [tilespmem:s10+$0xE30];
	v6 =	vmul.f32 v57, v59;
	[tilespmem:s10+$0xDA0] =	vst v5  }
0xb3: {  	v61 =	vld [tilespmem:s10+$0xE50];
	v36 =	vmul.f32 v29, v26;
	[tilespmem:s10+$0xDE0] =	vst v4  }
0xb4: {  	v15 =	vld [tilespmem:s10+$0xEB0];
	v7 =	vmul.f32 v44, v49;
	[tilespmem:s10+$0xE20] =	vst v6  }
0xb5: {  	v48 =	vld [tilespmem:s10+$0x1070];
	v8 =	vmul.f32 v56, v59;
	[tilespmem:s10+$0xF70] =	vst v36  }
0xb6: {  	v54 =	vld [tilespmem:s10+$0xE00];
	[tilespmem:s10+$0xD80] =	vst v7;
	v3 =	vmul.f32 v3, v59  }
0xb7: {  	v13 =	vld [tilespmem:s10+$0xE90];
	v5 =	vmul.f32 v58, v59;
	[tilespmem:s10+$0xE10] =	vst v8  }
0xb8: {  	v45 =	vbroadcast v2, $0x8;
	v4 =	vmul.f32 v61, v59;
	[tilespmem:s10+$0xE60] =	vst v3;
	v3 =	vld [tilespmem:s10+$0xED0]  }
0xb9: {  	v14 =	vld [tilespmem:s10+$0xEA0];
	v6 =	vmul.f32 v15, v16;
	[tilespmem:s10+$0xE30] =	vst v5  }
0xba: {  	v20 =	vld [tilespmem:s10+$0xEF0];
	v55 =	vmul.f32 v48, v45;
	[tilespmem:s10+$0xE50] =	vst v4  }
0xbb: {  	v19 =	vld [tilespmem:s10+$0xEE0];
	v7 =	vmul.f32 v54, v59;
	[tilespmem:s10+$0xEB0] =	vst v6  }
0xbc: {  	v24 =	vld [tilespmem:s10+$0xF20];
	v8 =	vmul.f32 v13, v16;
	[tilespmem:s10+$0x1070] =	vst v55  }
0xbd: {  	v37 =	vld [tilespmem:s10+$0xFC0];
	[tilespmem:s10+$0xE00] =	vst v7;
	v3 =	vmul.f32 v3, v16  }
0xbe: {  	v46 =	vld [tilespmem:s10+$0x1040];
	v5 =	vmul.f32 v14, v16;
	[tilespmem:s10+$0xE90] =	vst v8  }
0xbf: {  	v63 =	vld [tilespmem:s10+$0xE80];
	[tilespmem:s10+$0xED0] =	vst v3;
	v3 =	vmul.f32 v20, v16  }
0xc0: {  	v23 =	vld [tilespmem:s10+$0xF10];
	v35 =	vbroadcast v2, $0x7;
	v4 =	vmul.f32 v19, v16;
	[tilespmem:s10+$0xEA0] =	vst v5  }
0xc1: {  	v6 =	vmul.f32 v24, v26;
	[tilespmem:s10+$0xEF0] =	vst v3;
	v3 =	vld [tilespmem:s10+$0xF60]  }
0xc2: {  	v25 =	vld [tilespmem:s10+$0xF30];
	v41 =	vmul.f32 v37, v35;
	[tilespmem:s10+$0xEE0] =	vst v4  }
0xc3: {  	v34 =	vld [tilespmem:s10+$0xFB0];
	v50 =	vmul.f32 v46, v45;
	[tilespmem:s10+$0xF20] =	vst v6  }
0xc4: {  	v56 =	vld [tilespmem:s10+$0x10C0];
	v7 =	vmul.f32 v63, v16;
	[tilespmem:s10+$0xFC0] =	vst v41  }
0xc5: {  	v15 =	vld [tilespmem:s10+$0x1170];
	v8 =	vmul.f32 v23, v26;
	[tilespmem:s10+$0x1040] =	vst v50  }
0xc6: {  	v21 =	vld [tilespmem:s10+$0xF00];
	[tilespmem:s10+$0xE80] =	vst v7;
	v3 =	vmul.f32 v3, v26  }
0xc7: {  	v33 =	vld [tilespmem:s10+$0xFA0];
	v54 =	vbroadcast v2, $0x9;
	v5 =	vmul.f32 v25, v26;
	[tilespmem:s10+$0xF10] =	vst v8  }
0xc8: {  	v12 =	vbroadcast v2, $0xA;
	v6 =	vmul.f32 v34, v35;
	[tilespmem:s10+$0xF60] =	vst v3;
	v3 =	vld [tilespmem:s10+$0xFD0]  }
0xc9: {  	v43 =	vld [tilespmem:s10+$0x1020];
	v60 =	vmul.f32 v56, v54;
	[tilespmem:s10+$0xF30] =	vst v5  }
0xca: {  	v39 =	vld [tilespmem:s10+$0xFF0];
	v22 =	vmul.f32 v15, v12;
	[tilespmem:s10+$0xFB0] =	vst v6  }
0xcb: {  	v13 =	vld [tilespmem:s10+$0x1140];
	v7 =	vmul.f32 v21, v26;
	[tilespmem:s10+$0x10C0] =	vst v60  }
0xcc: {  	v30 =	vld [tilespmem:s10+$0xF80];
	v5 =	vmul.f32 v33, v35;
	[tilespmem:s10+$0x1170] =	vst v22  }
0xcd: {  	v44 =	vld [tilespmem:s10+$0x1030];
	[tilespmem:s10+$0xF00] =	vst v7;
	v3 =	vmul.f32 v3, v35  }
0xce: {  	v23 =	vld [tilespmem:s10+$0x11C0];
	v6 =	vmul.f32 v43, v45;
	[tilespmem:s10+$0xFA0] =	vst v5  }
0xcf: {  	v52 =	vld [tilespmem:s10+$0x10A0];
	[tilespmem:s10+$0xFD0] =	vst v3;
	v3 =	vmul.f32 v39, v35  }
0xd0: {  	v28 =	vld [tilespmem:s10+$0xF50];
	v17 =	vmul.f32 v13, v12;
	[tilespmem:s10+$0x1020] =	vst v6  }
0xd1: {  	v21 =	vbroadcast v2, $0xB;
	v7 =	vmul.f32 v30, v35;
	[tilespmem:s10+$0xFF0] =	vst v3;
	v3 =	vld [tilespmem:s10+$0x1060]  }
0xd2: {  	v32 =	vld [tilespmem:s10+$0xF90];
	v5 =	vmul.f32 v44, v45;
	[tilespmem:s10+$0x1140] =	vst v17  }
0xd3: {  	v63 =	vld [tilespmem:s10+$0x1130];
	v27 =	vmul.f32 v23, v21;
	[tilespmem:s10+$0xF80] =	vst v7  }
0xd4: {  	v34 =	vld [tilespmem:s10+$0x1270];
	[tilespmem:s10+$0x1030] =	vst v5;
	v5 =	vmul.f32 v52, v54  }
0xd5: {  	v38 =	vld [tilespmem:s10+$0xFE0];
	[tilespmem:s10+$0x11C0] =	vst v27;
	v4 =	vmul.f32 v28, v26  }
0xd6: {  	v42 =	vld [tilespmem:s10+$0x1010];
	[tilespmem:s10+$0x10A0] =	vst v5;
	v3 =	vmul.f32 v3, v45  }
0xd7: {  	v31 =	vbroadcast v2, $0xC;
	v19 =	vld [tilespmem:s10+$0x11A0];
	v8 =	vmul.f32 v32, v35;
	[tilespmem:s10+$0xF50] =	vst v4  }
0xd8: {  	v5 =	vmul.f32 v63, v12;
	[tilespmem:s10+$0x1060] =	vst v3;
	v3 =	vld [tilespmem:s10+$0x10D0]  }
0xd9: {  	v47 =	vld [tilespmem:s10+$0x1050];
	v41 =	vmul.f32 v34, v31;
	[tilespmem:s10+$0xF90] =	vst v8  }
0xda: {  	v58 =	vld [tilespmem:s10+$0x10F0];
	v4 =	vmul.f32 v38, v35;
	[tilespmem:s10+$0x1130] =	vst v5  }
0xdb: {  	v51 =	vld [tilespmem:s10+$0x1090];
	v8 =	vmul.f32 v42, v45;
	[tilespmem:s10+$0x1270] =	vst v41  }
0xdc: {  	v30 =	vld [tilespmem:s10+$0x1230];
	v5 =	vmul.f32 v19, v21;
	[tilespmem:s10+$0xFE0] =	vst v4  }
0xdd: {  	v32 =	vld [tilespmem:s10+$0x1240];
	[tilespmem:s10+$0x1010] =	vst v8;
	v3 =	vmul.f32 v3, v54  }
0xde: {  	v57 =	vld [tilespmem:s10+$0x10E0];
	v4 =	vmul.f32 v47, v45;
	[tilespmem:s10+$0x11A0] =	vst v5  }
0xdf: {  	v61 =	vld [tilespmem:s10+$0x1110];
	[tilespmem:s10+$0x10D0] =	vst v3;
	v3 =	vmul.f32 v58, v54  }
0xe0: {  	v40 =	vld [tilespmem:s10+$0x1000];
	v8 =	vmul.f32 v51, v54;
	[tilespmem:s10+$0x1050] =	vst v4  }
0xe1: {  	v5 =	vmul.f32 v30, v31;
	[tilespmem:s10+$0x10F0] =	vst v3;
	v3 =	vld [tilespmem:s10+$0x1160]  }
0xe2: {  	v14 =	vld [tilespmem:s10+$0x1150];
	v36 =	vmul.f32 v32, v31;
	[tilespmem:s10+$0x1090] =	vst v8  }
0xe3: {  	v18 =	vld [tilespmem:s10+$0x1190];
	v4 =	vmul.f32 v57, v54;
	[tilespmem:s10+$0x1230] =	vst v5  }
0xe4: {  	v38 =	vld [tilespmem:s10+$0x12A0];
	v8 =	vmul.f32 v61, v12;
	[tilespmem:s10+$0x1240] =	vst v36  }
0xe5: {  	v42 =	vld [tilespmem:s10+$0x12C0];
	v7 =	vmul.f32 v40, v45;
	[tilespmem:s10+$0x10E0] =	vst v4  }
0xe6: {  	v24 =	vld [tilespmem:s10+$0x11E0];
	[tilespmem:s10+$0x1110] =	vst v8;
	v3 =	vmul.f32 v3, v12  }
0xe7: {  	v28 =	vld [tilespmem:s10+$0x1210];
	v40 =	vbroadcast v2, $0xD;
	v4 =	vmul.f32 v14, v12;
	[tilespmem:s10+$0x1000] =	vst v7  }
0xe8: {  	v8 =	vmul.f32 v18, v21;
	[tilespmem:s10+$0x1160] =	vst v3;
	v3 =	vld [tilespmem:s10+$0x11D0]  }
0xe9: {  	v33 =	vld [tilespmem:s10+$0x1250];
	v5 =	vmul.f32 v38, v40;
	[tilespmem:s10+$0x1150] =	vst v4  }
0xea: {  	v25 =	vld [tilespmem:s10+$0x11F0];
	v46 =	vmul.f32 v42, v40;
	[tilespmem:s10+$0x1190] =	vst v8  }
0xeb: {  	v37 =	vld [tilespmem:s10+$0x1290];
	v4 =	vmul.f32 v24, v21;
	[tilespmem:s10+$0x12A0] =	vst v5  }
0xec: {  	v51 =	vld [tilespmem:s10+$0x1340];
	v8 =	vmul.f32 v28, v31;
	[tilespmem:s10+$0x12C0] =	vst v46  }
0xed: {  	v43 =	vld [tilespmem:s10+$0x12E0];
	[tilespmem:s10+$0x11E0] =	vst v4;
	v3 =	vmul.f32 v3, v21  }
0xee: {  	v47 =	vld [tilespmem:s10+$0x1310];
	[tilespmem:s10+$0x1210] =	vst v8;
	v4 =	vmul.f32 v33, v31  }
0xef: {  	v50 =	vbroadcast v2, $0xE;
	v49 =	vld [tilespmem:s10+$0x1080];
	[tilespmem:s10+$0x11D0] =	vst v3;
	v3 =	vmul.f32 v25, v21  }
0xf0: {  	v53 =	vld [tilespmem:s10+$0x10B0];
	v8 =	vmul.f32 v37, v40;
	[tilespmem:s10+$0x1250] =	vst v4  }
0xf1: {  	v55 =	vmul.f32 v51, v50;
	[tilespmem:s10+$0x11F0] =	vst v3;
	v3 =	vld [tilespmem:s10+$0x1260]  }
0xf2: {  	v52 =	vld [tilespmem:s10+$0x1350];
	[tilespmem:s10+$0x1290] =	vst v8;
	v4 =	vmul.f32 v43, v40  }
0xf3: {  	v62 =	vld [tilespmem:s10+$0x1120];
	v8 =	vmul.f32 v47, v50;
	[tilespmem:s10+$0x1340] =	vst v55  }
0xf4: {  	v56 =	vld [tilespmem:s10+$0x1390];
	v7 =	vmul.f32 v49, v54;
	[tilespmem:s10+$0x12E0] =	vst v4  }
0xf5: {  	v60 =	vld [tilespmem:s10+$0x13C0];
	v6 =	vmul.f32 v53, v54;
	[tilespmem:s10+$0x1310] =	vst v8  }
0xf6: {  	v61 =	vld [tilespmem:s10+$0x13E0];
	[tilespmem:s10+$0x1080] =	vst v7;
	v3 =	vmul.f32 v3, v31  }
0xf7: {  	v2 =	vbroadcast v2, $0xF;
	v49 =	vld [tilespmem:s10+$0x1330];
	v4 =	vmul.f32 v52, v50;
	[tilespmem:s10+$0x10B0] =	vst v6  }
0xf8: {  	v6 =	vmul.f32 v62, v12;
	[tilespmem:s10+$0x1260] =	vst v3;
	v3 =	vld [tilespmem:s10+$0x12D0]  }
0xf9: {  	v59 =	vld [tilespmem:s10+$0x1100];
	[tilespmem:s10+$0x1350] =	vst v4;
	v8 =	vmul.f32 v56, v2  }
0xfa: {  	v44 =	vld [tilespmem:s10+$0x12F0];
	v63 =	vmul.f32 v60, v2;
	[tilespmem:s10+$0x1120] =	vst v6  }
0xfb: {  	v53 =	vld [tilespmem:s10+$0x1370];
	v4 =	vmul.f32 v61, v2;
	[tilespmem:s10+$0x1390] =	vst v8  }
0xfc: {  	v57 =	vld [tilespmem:s10+$0x13A0];
	v5 =	vmul.f32 v49, v50;
	[tilespmem:s10+$0x13C0] =	vst v63  }
0xfd: {  	[tilespmem:s10+$0x13E0] =	vst v4;
	v20 =	vld [tilespmem:s10+$0x11B0];
	v3 =	vmul.f32 v3, v40  }
0xfe: {  	v7 =	vmul.f32 v59, v12;
	[tilespmem:s10+$0x1330] =	vst v5;
	v16 =	vld [tilespmem:s10+$0x1180]  }
0xff: {  	v29 =	vld [tilespmem:s10+$0x1220];
	[tilespmem:s10+$0x12D0] =	vst v3;
	v3 =	vmul.f32 v44, v40  }
0x100: {  	v59 =	vmul.f32 v53, v50;
	[tilespmem:s10+$0x1100] =	vst v7;
	v26 =	vld [tilespmem:s10+$0x1200]  }
0x101: {  	v5 =	vmul.f32 v57, v2;
	[tilespmem:s10+$0x12F0] =	vst v3;
	v3 =	vld [tilespmem:s10+$0x1360]  }
0x102: {  	[tilespmem:s10+$0x1370] =	vst v59;
	v6 =	vmul.f32 v20, v21;
	v35 =	vld [tilespmem:s10+$0x1280]  }
0x103: {  	[tilespmem:s10+$0x13A0] =	vst v5;
	v7 =	vmul.f32 v16, v21;
	v39 =	vld [tilespmem:s10+$0x12B0]  }
0x104: {  	[tilespmem:s10+$0x11B0] =	vst v6;
	v6 =	vmul.f32 v29, v31;
	v45 =	vld [tilespmem:s10+$0x1300]  }
0x105: {  	v48 =	vld [tilespmem:s10+$0x1320];
	[tilespmem:s10+$0x1180] =	vst v7;
	v7 =	vmul.f32 v26, v31  }
0x106: {  	[tilespmem:s10+$0x1220] =	vst v6;
	v54 =	vld [tilespmem:s10+$0x1380];
	v3 =	vmul.f32 v3, v50  }
0x107: {  	[tilespmem:s10+$0x1200] =	vst v7;
	v7 =	vmul.f32 v35, v40;
	v58 =	vld [tilespmem:s10+$0x13B0]  }
0x108: {  	v6 =	vmul.f32 v39, v40;
	[tilespmem:s10+$0x1360] =	vst v3;
	v3 =	vld [tilespmem:s10+$0x13D0]  }
0x109: {  	v62 =	vld [tilespmem:s10+$0x13F0];
	[tilespmem:s10+$0x1280] =	vst v7;
	v7 =	vmul.f32 v45, v50  }
0x10a: {  	[tilespmem:s10+$0x12B0] =	vst v6;
	v6 =	vmul.f32 v48, v50  }
0x10b: {  	p2 =	sne.s32 s3, $0x4;
	[tilespmem:s10+$0x1300] =	vst v7;
	v7 =	vmul.f32 v54, v2  }
.Ltmp2:
0x10c: {  	[tilespmem:s10+$0x1320] =	vst v6;
	v6 =	vmul.f32 v58, v2;
	(pc) =	sbr.rel @p2 .LBB2_8-.Ltmp2, $4  }
0x10d: {  	[tilespmem:s10+$0x1380] =	vst v7;
	v3 =	vmul.f32 v3, v2  }
0x10e: {  	[tilespmem:s10+$0x13B0] =	vst v6;
	v2 =	vmul.f32 v62, v2  }
0x10f: {  	[tilespmem:s10+$0x13D0] =	vst v3  }
0x110: {  	s3 =	sadd.s32 $0x1, s3;
	[tilespmem:s10+$0x13F0] =	vst v2  }
0x111: {  	s31 =	sadd.s32 $0x1, s31  }
0x112: {  	p2 =	sne.s32 s31, $0xFA  }
.Ltmp3:
0x113: {  	_ = 	snop;
	(pc) =	sbr.rel @p2 .LBB2_5-.Ltmp3, $3  }
0x114: {  	_ =	sdelay $0x1  }
0x115: {  	s0 =	sor.u32 $0x400, s0  }
0x116: {  	[spmem:s5] =	stream.indirect.scatter.add.f32 [tilespmem:s20], [sflag:$0x3], $0x80, s0, s30, $0xb8;
	[tilespmem:$0x1EC00] =	vst v63  }
0x117: {  	_ =	swait.ge [sflag:s24], $0x2800  }
0x118: {  	[sflag:s24] =	ssyncset.done $0x0  }
0x119: {  	[sflag:s24] =	ssyncadd.s32 $0xFFFFD800  }
0x11a: {  	_ =	swait.ge [sflag:s24], $0x2800  }
0x11b: {  	s0 =	smul.u32 $0x138800, s28;
	[sflag:s24] =	ssyncset.done $0x0  }
0x11c: {  	[sflag:s24] =	ssyncadd.s32 $0xFFFFD800  }
0x11d: {  	s3 =	sshrl.u32 @p0 s0, $0x3;
	s10 =	rddreg [dreg:$0x2]  }
0x11e: {  	s3 =	sadd.s32 @p0 s10, s3  }
0x11f: {  	s6 =	simm.s32 @p0 $0x1FC4;
	[bflag:$0x0] =	sbarrier.arrive $0xFFFF;
	s3 =	sadd.s32 @p0 $0x25800, s3  }
0x120: {  	[hbm:s3], [sflag:s6] =	dma.local @p0 [spmem:s25], $0x1900  }
0x121: {  	s3 =	simm.s32 @p0 $0x4  }
0x122: {  	_ =	swait.ge @p0 [sflag:s3], $0x1900  }
0x123: {  	[sflag:s3] =	ssyncset.done @p0 $0x0  }
0x124: {  	s0 =	sadd.s32 @!p0 s19, s0;
	[sflag:s3] =	ssyncadd.s32 @p0 $0xFFFFE700;
	s3 =	stileid.u32  }
0x125: {  	s0 =	sshrl.u32 @!p0 s0, $0x3;
	s3 =	sshll.u32 @!p0 s3, $0x6  }
0x126: {  	s0 =	sadd.s32 @!p0 s10, s0;
	s6 =	sshrl.u32 @!p0 s9, $0x3;
	s3 =	sor.u32 @!p0 $0x1C04, s3  }
0x127: {  	[hbm:s0], [sflag:s3] =	dma.local @!p0 [spmem:s6], $0x2800  }
0x128: {  	s0 =	simm.s32 @!p0 $0x4  }
.Ltmp4:
0x129: {  	_ =	swait.ge @!p0 [sflag:s0], $0x2800;
	(pc) =	sbr.rel @p1 .LBB2_2-.Ltmp4, $4  }
0x12a: {  	[sflag:s0] =	ssyncset.done @!p0 $0x0  }
0x12b: {  	[sflag:s0] =	ssyncadd.s32 @!p0 $0xFFFFD800  }
0x12c: {  	[bflag:$0x0] =	sbarrier.arrive $0xFFFF  }
0x12d: {  	p2 =	por $0x0, $0x0;
	s0 =	simm.s32 $0x1  }
0x12e: {  	s11 =	rddreg [dreg:$0x5]  }
0x12f: {  	s0 =	rddreg [dreg:$0x8];
	s11 =	sadd.s32 $0x1, s11  }
0x130: {  	p1 =	sne.s32 s11, s0  }
.Ltmp5:
0x131: {  	_ = 	snop;
	(pc) =	sbr.rel @p1 .LBB2_1-.Ltmp5, $1  }
0x132: {  	_ =	sdelay $0x3  }
0x133: {  	_ =	sfence.sel $0x180000  }
0x134: {  	[bflag:$0x0] =	sbarrier.arrive $0xFFFF  }
0x135: {  	_ =	strace $0x90000047  }
0x136: {  	s0 =	stileid.u32;
	[bflag:$0x2] =	sbarrier.arrive $0xFFFF  }
0x137: {  	p0 =	sne.s32 s0, $0x0;
	s0 =	rddreg [dreg:$0x4]  }
0x138: {  	s0 =	sadd.s32 @!p0 $0x100000, s0  }
0x139: {  	[sflag:s0] =	ssyncadd.tile.s32 @!p0 $0x1;
	_ =	shalt  }
.Lfunc_end2:
_tile_overlayer_lowered:
.L_overlay_start_2:
0x13a: {  	(tag) =	ssettag $0x2  }
0x13b: {  	s0 =	rddreg [dreg:$0x0];
	s2 =	stileid.u32  }
0x13c: {  	s1 =	rddreg [dreg:$0x1];
	p0 =	sne.s32 s2, $0x0  }
0x13d: {  	s3 =	rddreg [dreg:$0x2];
	[bflag:$0x3] =	sbarrier.arrive $0xFFFF;
	s2 =	simm.s32 @!p0 $0x1C04  }
0x13e: {  	[timem:s3], [sflag:s2] =	dma.local @!p0 [hbm:s0], s1  }
0x13f: {  	s0 =	simm.s32 @!p0 $0x4  }
0x140: {  	_ =	swait.ge @!p0 [sflag:s0], s1  }
0x141: {  	s1 =	ssub.s32 @!p0 $0x0, s1;
	[sflag:s0] =	ssyncset.done @!p0 $0x0  }
0x142: {  	[sflag:s0] =	ssyncadd.s32 @!p0 s1  }
0x143: {  	[bflag:$0x3] =	sbarrier.arrive $0xFFFF  }
0x144: {  	_ =	shalt  }

</sc_bundles>
